<compile_context>
chip_gen: v7x
topology: tpu7x:2x2x1
jax: 0.10.2.dev20260603
libtpu: 0.0.44.dev20260713+nightly
codegen_flags: <defaults>
</compile_context>

<pallas_src>
import functools

import jax
import jax.numpy as jnp
from jax import lax
from jax.experimental import pallas as pl
from jax.experimental.pallas import tpu as pltpu
from jax.experimental.pallas import tpu_sc as plsc

_VOCAB = 64000
_D = 6
_B = 8
_T, _H, _W = 5, 32, 32
_FRAME = _H * _W
_N_KEEP = (_T - 1) * _FRAME
_NC, _NS = 2, 16
_TOK = 512
_CHUNK = 2 * _TOK
_E = _CHUNK * _D
_NW = _E // 2
_OUTW = _D * (_N_KEEP // 128) * (_B // 2) * 128


def _f16_bits(v):
    x = plsc.bitcast(v, jnp.int32)
    am = x & 0x7FFFFFFF
    h = (am >> 13) - 0x1C000 + ((x >> 12) & 1)
    h = jnp.where(am >= 0x38800000, h, 0)
    return ((x >> 16) & 0x8000) | h


def _expand(idx_ref, eidx_ref):
    def body(c, carry):
        vi = idx_ref[pl.ds(c * 16, 16)]
        base = ((vi >> 7) << 10) + (vi & 127)
        off = ((c & 31) << 4) + (c >> 5) * 3072
        for k in range(_D):
            eidx_ref[pl.ds(off + k * 512, 16)] = base + (k << 7)
        return carry
    lax.fori_loop(0, _CHUNK // 16, body, 0)


def _pack(rows_ref, out32_ref):
    @plsc.parallel_loop(0, _NW // 16, unroll=4)
    def body(n):
        a = rows_ref[pl.ds(n * 16, 16)]
        b = rows_ref[pl.ds(3072 + n * 16, 16)]
        out32_ref[pl.ds(n * 16, 16)] = _f16_bits(a) | (_f16_bits(b) << 16)


def _sc_body(tgt_idx, pred_idx, cbf, tgt_out, pred_out,
             idx_t, idx_p, eidx_t, eidx_p, rows_t, rows_p, o32_t, o32_p,
             sem_it, sem_ip, sem_t, sem_p, sem_o):
    wid = lax.axis_index("s") * _NC + lax.axis_index("c")
    b2 = wid // 8
    q8 = wid % 8
    j0 = _FRAME // 128 + 4 * q8

    loads = []
    for (src, dst, sem) in ((tgt_idx, idx_t, sem_it), (pred_idx, idx_p, sem_ip)):
        for half in range(2):
            for jj in range(4):
                loads.append(pltpu.async_copy(
                    src.at[j0 + jj, 2 * b2 + half],
                    dst.at[pl.ds(half * 512 + jj * 128, 128)], sem))
    for c in loads[:8]:
        c.wait()
    _expand(idx_t, eidx_t)
    gt = pltpu.async_copy(cbf.at[eidx_t], rows_t, sem_t)
    for c in loads[8:]:
        c.wait()
    _expand(idx_p, eidx_p)
    gp = pltpu.async_copy(cbf.at[eidx_p], rows_p, sem_p)

    stores = []

    def _emit(out32_ref, out_hbm):
        for d in range(_D):
            for jj in range(4):
                dst0 = d * 16384 + (4 * q8 + jj) * 512 + b2 * 128
                stores.append(pltpu.async_copy(
                    out32_ref.at[pl.ds(d * 512 + jj * 128, 128)],
                    out_hbm.at[pl.ds(dst0, 128)], sem_o))

    gt.wait()
    _pack(rows_t, o32_t)
    _emit(o32_t, tgt_out)
    gp.wait()
    _pack(rows_p, o32_p)
    _emit(o32_p, pred_out)
    for c in stores:
        c.wait()


_sc_gather = functools.partial(
    pl.kernel,
    out_type=(
        jax.ShapeDtypeStruct((_OUTW,), jnp.int32),
        jax.ShapeDtypeStruct((_OUTW,), jnp.int32),
    ),
    mesh=plsc.VectorSubcoreMesh(core_axis_name="c", subcore_axis_name="s"),
    scratch_types=[
        pltpu.VMEM((_CHUNK,), jnp.int32),
        pltpu.VMEM((_CHUNK,), jnp.int32),
        pltpu.VMEM((_E,), jnp.int32),
        pltpu.VMEM((_E,), jnp.int32),
        pltpu.VMEM((_E,), jnp.float32),
        pltpu.VMEM((_E,), jnp.float32),
        pltpu.VMEM((_NW,), jnp.int32),
        pltpu.VMEM((_NW,), jnp.int32),
        pltpu.SemaphoreType.DMA,
        pltpu.SemaphoreType.DMA,
        pltpu.SemaphoreType.DMA,
        pltpu.SemaphoreType.DMA,
        pltpu.SemaphoreType.DMA,
    ],
    compiler_params=pltpu.CompilerParams(use_tc_tiling_on_sc=False,
                                         needs_layout_passes=False),
)(_sc_body)


def _tiled_view(idx):
    return idx.reshape(_B, 40, 128).transpose(1, 0, 2)


def _finish(out32):
    h = lax.bitcast_convert_type(out32, jnp.float16)
    h = h.reshape(_D, _N_KEEP // 128, _B // 2, 128, 2)
    return h.transpose(2, 4, 1, 3, 0).reshape(_B, _N_KEEP, _D)


def kernel(target_indices, pred_indices, codebook):
    cbp = jnp.pad(codebook.T, ((0, 2), (0, 0)))
    cbf = cbp.reshape(_B, 500, 128).transpose(1, 0, 2).reshape(500 * 1024)
    o_t, o_p = _sc_gather(_tiled_view(target_indices),
                          _tiled_view(pred_indices), cbf)
    return (_finish(o_p), _finish(o_t))

# --- scband reference (transcript-rebuilt; emitter-appended) ---
"""Pipeline reference for scband-anticipative-wrapper-no-ar-42348377538690 (READ-ONLY COPY).

The authoritative reference and input builder live on the scoring server;
editing this copy changes nothing except your own understanding.
"""

import jax, jax.numpy as jnp
import numpy as np

VOCAB = 64000
D = 6
B = 8
T, H, W = 5, 32, 32


def setup_inputs(seed: int = 0) -> dict:
    key = jax.random.key(seed)
    k1, k2, k3 = jax.random.split(key, 3)
    target_indices = jax.random.randint(k1, (B, T * H * W), 0, VOCAB, dtype=jnp.int32)
    pred_indices = jax.random.randint(k2, (B, T * H * W), 0, VOCAB, dtype=jnp.int32)
    codebook = jax.random.normal(k3, (VOCAB, D), dtype=jnp.float32)
    return {"target_indices": target_indices, "pred_indices": pred_indices, "codebook": codebook}


def reference(target_indices, pred_indices, codebook):
    # Core of AnticipativeWrapperNoAR.forward: per-clip embedding lookup of token
    # indices into the tokenizer's implicit FSQ codebook, rearrange
    # 'B (T H W) d -> B T H W d', drop the first latent frame (codes[0, 1:]),
    # flatten(1, 3) and cast to float16. Done for both targets (tokenized GT
    # video) and preds (generated tokens).
    tgt = jnp.take(codebook, target_indices, axis=0)          # [B, T*H*W, D]
    tgt = tgt.reshape(B, T, H, W, D)[:, 1:]                   # [B, T-1, H, W, D]
    targets = tgt.reshape(B, (T - 1) * H * W, D).astype(jnp.float16)

    pr = jnp.take(codebook, pred_indices, axis=0)             # [B, T*H*W, D]
    pr = pr.reshape(B, T, H, W, D)[:, 1:]
    preds = pr.reshape(B, (T - 1) * H * W, D).astype(jnp.float16)
    return (preds, targets)

if __name__ == "__main__":
    import jax
    _d = setup_inputs()
    print(jax.jit(kernel)(*tuple(_d.values())))

</pallas_src>

<mosaic_0001>
#map = affine_map<(d0, d1) -> (0, 0, 0)>
#map1 = affine_map<(d0, d1) -> (0)>
module attributes {stable_mosaic.version = 14 : i64} {
  func.func @_sc_body(%arg0: i32, %arg1: i32, %arg2: memref<40x8x128xi32, #tpu.memory_space<hbm>>, %arg3: memref<40x8x128xi32, #tpu.memory_space<hbm>>, %arg4: memref<512000xf32, #tpu.memory_space<hbm>>, %arg5: memref<98304xi32, #tpu.memory_space<hbm>>, %arg6: memref<98304xi32, #tpu.memory_space<hbm>>, %arg7: memref<1024xi32, #tpu.memory_space<vmem>>, %arg8: memref<1024xi32, #tpu.memory_space<vmem>>, %arg9: memref<6144xi32, #tpu.memory_space<vmem>>, %arg10: memref<6144xi32, #tpu.memory_space<vmem>>, %arg11: memref<6144xf32, #tpu.memory_space<vmem>>, %arg12: memref<6144xf32, #tpu.memory_space<vmem>>, %arg13: memref<3072xi32, #tpu.memory_space<vmem>>, %arg14: memref<3072xi32, #tpu.memory_space<vmem>>, %arg15: memref<!tpu.dma_semaphore, #tpu.memory_space<semaphore_mem>>, %arg16: memref<!tpu.dma_semaphore, #tpu.memory_space<semaphore_mem>>, %arg17: memref<!tpu.dma_semaphore, #tpu.memory_space<semaphore_mem>>, %arg18: memref<!tpu.dma_semaphore, #tpu.memory_space<semaphore_mem>>, %arg19: memref<!tpu.dma_semaphore, #tpu.memory_space<semaphore_mem>>) attributes {dimension_semantics = [#tpu.dimension_semantics<core_parallel>, #tpu.dimension_semantics<subcore_parallel>], iteration_bounds = array<i64: 2, 16>, scalar_prefetch = 0 : i64, scratch_operands = 13 : i64, tpu.core_type = #tpu.core_type<sc_vector_subcore>, window_params = [{transform_indices = #map}, {transform_indices = #map}, {transform_indices = #map1}, {transform_indices = #map1}, {transform_indices = #map1}]} {
    %mul3A = arith.constant 2 : i32
    %mul3A_0 = arith.muli %arg1, %mul3A : i32
    %add3A = arith.addi %mul3A_0, %arg0 : i32
    %jit3A = arith.constant 8 : i32
    %div3A = arith.divsi %add3A, %jit3A : i32
    %sign3A = arith.constant 0 : i32
    %sign3A_1 = arith.cmpi sgt, %add3A, %sign3A : i32
    %sign3A_2 = arith.extui %sign3A_1 : i1 to i32
    %sign3A_3 = arith.constant 0 : i32
    %sign3A_4 = arith.cmpi slt, %add3A, %sign3A_3 : i32
    %sign3A_5 = arith.extui %sign3A_4 : i1 to i32
    %sign3A_6 = arith.subi %sign3A_2, %sign3A_5 : i32
    %sign3A_7 = arith.constant 0 : i32
    %sign3A_8 = arith.cmpi sgt, %jit3A, %sign3A_7 : i32
    %sign3A_9 = arith.extui %sign3A_8 : i1 to i32
    %sign3A_10 = arith.constant 0 : i32
    %sign3A_11 = arith.cmpi slt, %jit3A, %sign3A_10 : i32
    %sign3A_12 = arith.extui %sign3A_11 : i1 to i32
    %sign3A_13 = arith.subi %sign3A_9, %sign3A_12 : i32
    %ne3A = arith.cmpi ne, %sign3A_6, %sign3A_13 : i32
    %rem3A = arith.remsi %add3A, %jit3A : i32
    %ne3A_14 = arith.constant 0 : i32
    %ne3A_15 = arith.cmpi ne, %rem3A, %ne3A_14 : i32
    %and3A = arith.andi %ne3A, %ne3A_15 : i1
    %sub3A = arith.constant 1 : i32
    %sub3A_16 = arith.subi %div3A, %sub3A : i32
    %select_n3A = arith.select %and3A, %sub3A_16, %div3A : i32
    %jit3A_17 = arith.constant 8 : i32
    %eq3A = arith.constant 0 : i32
    %eq3A_18 = arith.cmpi eq, %jit3A_17, %eq3A : i32
    %jit3A_19 = arith.constant 1 : i32
    %select_n3A_20 = arith.select %eq3A_18, %jit3A_19, %jit3A_17 : i32
    %rem3A_21 = arith.remsi %add3A, %select_n3A_20 : i32
    %ne3A_22 = arith.constant 0 : i32
    %ne3A_23 = arith.cmpi ne, %rem3A_21, %ne3A_22 : i32
    %lt3A = arith.constant 0 : i32
    %lt3A_24 = arith.cmpi slt, %rem3A_21, %lt3A : i32
    %lt3A_25 = arith.constant 0 : i32
    %lt3A_26 = arith.cmpi slt, %select_n3A_20, %lt3A_25 : i32
    %ne3A_27 = arith.xori %lt3A_24, %lt3A_26 : i1
    %and3A_28 = arith.andi %ne3A_27, %ne3A_23 : i1
    %add3A_29 = arith.addi %rem3A_21, %select_n3A_20 : i32
    %select_n3A_30 = arith.select %and3A_28, %add3A_29, %rem3A_21 : i32
    %mul3A_31 = arith.constant 4 : i32
    %mul3A_32 = arith.muli %mul3A_31, %select_n3A_30 : i32
    %add3A_33 = arith.constant 8 : i32
    %add3A_34 = arith.addi %add3A_33, %mul3A_32 : i32
    %add3A_35 = arith.constant 0 : i32
    %add3A_36 = arith.addi %add3A_34, %add3A_35 : i32
    %mul3A_37 = arith.constant 2 : i32
    %mul3A_38 = arith.muli %mul3A_37, %select_n3A : i32
    %add3A_39 = arith.constant 0 : i32
    %add3A_40 = arith.addi %mul3A_38, %add3A_39 : i32
    %dma_start3A = arith.constant 0 : i32
    %dma_start3A_41 = tpu.memref_slice %arg7[%dma_start3A] : memref<1024xi32, #tpu.memory_space<vmem>> -> memref<128xi32, #tpu.memory_space<vmem>>
    %dma_start3A_42 = arith.constant 0 : i32
    %dma_start3A_43 = tpu.memref_slice %arg2[%add3A_36, %add3A_40, %dma_start3A_42] : memref<40x8x128xi32, #tpu.memory_space<hbm>> -> memref<1x1x128xi32, #tpu.memory_space<hbm>>
    %dma_start3A_44 = tpu.memref_squeeze %dma_start3A_43 : memref<1x1x128xi32, #tpu.memory_space<hbm>> -> memref<128xi32, #tpu.memory_space<hbm>>
    %dma_start3A_45 = arith.constant 0 : i32
    %dma_start3A_46 = tpu.memref_slice %arg7[%dma_start3A_45] : memref<1024xi32, #tpu.memory_space<vmem>> -> memref<128xi32, #tpu.memory_space<vmem>>
    %dma_start3A_47 = arith.constant 0 : i32
    %dma_start3A_48 = tpu.memref_slice %arg2[%add3A_36, %add3A_40, %dma_start3A_47] : memref<40x8x128xi32, #tpu.memory_space<hbm>> -> memref<1x1x128xi32, #tpu.memory_space<hbm>>
    %dma_start3A_49 = tpu.memref_squeeze %dma_start3A_48 : memref<1x1x128xi32, #tpu.memory_space<hbm>> -> memref<128xi32, #tpu.memory_space<hbm>>
    tpu.enqueue_dma source(%dma_start3A_49 : memref<128xi32, #tpu.memory_space<hbm>>) target(%dma_start3A_46 : memref<128xi32, #tpu.memory_space<vmem>>) target_semaphore(%arg15 : memref<!tpu.dma_semaphore, #tpu.memory_space<semaphore_mem>>)
    %add3A_50 = arith.constant 1 : i32
    %add3A_51 = arith.addi %add3A_34, %add3A_50 : i32
    %mul3A_52 = arith.constant 2 : i32
    %mul3A_53 = arith.muli %mul3A_52, %select_n3A : i32
    %add3A_54 = arith.constant 0 : i32
    %add3A_55 = arith.addi %mul3A_53, %add3A_54 : i32
    %dma_start3A_56 = arith.constant 128 : i32
    %dma_start3A_57 = tpu.memref_slice %arg7[%dma_start3A_56] : memref<1024xi32, #tpu.memory_space<vmem>> -> memref<128xi32, #tpu.memory_space<vmem>>
    %dma_start3A_58 = arith.constant 0 : i32
    %dma_start3A_59 = tpu.memref_slice %arg2[%add3A_51, %add3A_55, %dma_start3A_58] : memref<40x8x128xi32, #tpu.memory_space<hbm>> -> memref<1x1x128xi32, #tpu.memory_space<hbm>>
    %dma_start3A_60 = tpu.memref_squeeze %dma_start3A_59 : memref<1x1x128xi32, #tpu.memory_space<hbm>> -> memref<128xi32, #tpu.memory_space<hbm>>
    %dma_start3A_61 = arith.constant 128 : i32
    %dma_start3A_62 = tpu.memref_slice %arg7[%dma_start3A_61] : memref<1024xi32, #tpu.memory_space<vmem>> -> memref<128xi32, #tpu.memory_space<vmem>>
    %dma_start3A_63 = arith.constant 0 : i32
    %dma_start3A_64 = tpu.memref_slice %arg2[%add3A_51, %add3A_55, %dma_start3A_63] : memref<40x8x128xi32, #tpu.memory_space<hbm>> -> memref<1x1x128xi32, #tpu.memory_space<hbm>>
    %dma_start3A_65 = tpu.memref_squeeze %dma_start3A_64 : memref<1x1x128xi32, #tpu.memory_space<hbm>> -> memref<128xi32, #tpu.memory_space<hbm>>
    tpu.enqueue_dma source(%dma_start3A_65 : memref<128xi32, #tpu.memory_space<hbm>>) target(%dma_start3A_62 : memref<128xi32, #tpu.memory_space<vmem>>) target_semaphore(%arg15 : memref<!tpu.dma_semaphore, #tpu.memory_space<semaphore_mem>>)
    %add3A_66 = arith.constant 2 : i32
    %add3A_67 = arith.addi %add3A_34, %add3A_66 : i32
    %mul3A_68 = arith.constant 2 : i32
    %mul3A_69 = arith.muli %mul3A_68, %select_n3A : i32
    %add3A_70 = arith.constant 0 : i32
    %add3A_71 = arith.addi %mul3A_69, %add3A_70 : i32
    %dma_start3A_72 = arith.constant 256 : i32
    %dma_start3A_73 = tpu.memref_slice %arg7[%dma_start3A_72] : memref<1024xi32, #tpu.memory_space<vmem>> -> memref<128xi32, #tpu.memory_space<vmem>>
    %dma_start3A_74 = arith.constant 0 : i32
    %dma_start3A_75 = tpu.memref_slice %arg2[%add3A_67, %add3A_71, %dma_start3A_74] : memref<40x8x128xi32, #tpu.memory_space<hbm>> -> memref<1x1x128xi32, #tpu.memory_space<hbm>>
    %dma_start3A_76 = tpu.memref_squeeze %dma_start3A_75 : memref<1x1x128xi32, #tpu.memory_space<hbm>> -> memref<128xi32, #tpu.memory_space<hbm>>
    %dma_start3A_77 = arith.constant 256 : i32
    %dma_start3A_78 = tpu.memref_slice %arg7[%dma_start3A_77] : memref<1024xi32, #tpu.memory_space<vmem>> -> memref<128xi32, #tpu.memory_space<vmem>>
    %dma_start3A_79 = arith.constant 0 : i32
    %dma_start3A_80 = tpu.memref_slice %arg2[%add3A_67, %add3A_71, %dma_start3A_79] : memref<40x8x128xi32, #tpu.memory_space<hbm>> -> memref<1x1x128xi32, #tpu.memory_space<hbm>>
    %dma_start3A_81 = tpu.memref_squeeze %dma_start3A_80 : memref<1x1x128xi32, #tpu.memory_space<hbm>> -> memref<128xi32, #tpu.memory_space<hbm>>
    tpu.enqueue_dma source(%dma_start3A_81 : memref<128xi32, #tpu.memory_space<hbm>>) target(%dma_start3A_78 : memref<128xi32, #tpu.memory_space<vmem>>) target_semaphore(%arg15 : memref<!tpu.dma_semaphore, #tpu.memory_space<semaphore_mem>>)
    %add3A_82 = arith.constant 3 : i32
    %add3A_83 = arith.addi %add3A_34, %add3A_82 : i32
    %mul3A_84 = arith.constant 2 : i32
    %mul3A_85 = arith.muli %mul3A_84, %select_n3A : i32
    %add3A_86 = arith.constant 0 : i32
    %add3A_87 = arith.addi %mul3A_85, %add3A_86 : i32
    %dma_start3A_88 = arith.constant 384 : i32
    %dma_start3A_89 = tpu.memref_slice %arg7[%dma_start3A_88] : memref<1024xi32, #tpu.memory_space<vmem>> -> memref<128xi32, #tpu.memory_space<vmem>>
    %dma_start3A_90 = arith.constant 0 : i32
    %dma_start3A_91 = tpu.memref_slice %arg2[%add3A_83, %add3A_87, %dma_start3A_90] : memref<40x8x128xi32, #tpu.memory_space<hbm>> -> memref<1x1x128xi32, #tpu.memory_space<hbm>>
    %dma_start3A_92 = tpu.memref_squeeze %dma_start3A_91 : memref<1x1x128xi32, #tpu.memory_space<hbm>> -> memref<128xi32, #tpu.memory_space<hbm>>
    %dma_start3A_93 = arith.constant 384 : i32
    %dma_start3A_94 = tpu.memref_slice %arg7[%dma_start3A_93] : memref<1024xi32, #tpu.memory_space<vmem>> -> memref<128xi32, #tpu.memory_space<vmem>>
    %dma_start3A_95 = arith.constant 0 : i32
    %dma_start3A_96 = tpu.memref_slice %arg2[%add3A_83, %add3A_87, %dma_start3A_95] : memref<40x8x128xi32, #tpu.memory_space<hbm>> -> memref<1x1x128xi32, #tpu.memory_space<hbm>>
    %dma_start3A_97 = tpu.memref_squeeze %dma_start3A_96 : memref<1x1x128xi32, #tpu.memory_space<hbm>> -> memref<128xi32, #tpu.memory_space<hbm>>
    tpu.enqueue_dma source(%dma_start3A_97 : memref<128xi32, #tpu.memory_space<hbm>>) target(%dma_start3A_94 : memref<128xi32, #tpu.memory_space<vmem>>) target_semaphore(%arg15 : memref<!tpu.dma_semaphore, #tpu.memory_space<semaphore_mem>>)
    %add3A_98 = arith.constant 0 : i32
    %add3A_99 = arith.addi %add3A_34, %add3A_98 : i32
    %mul3A_100 = arith.constant 2 : i32
    %mul3A_101 = arith.muli %mul3A_100, %select_n3A : i32
    %add3A_102 = arith.constant 1 : i32
    %add3A_103 = arith.addi %mul3A_101, %add3A_102 : i32
    %dma_start3A_104 = arith.constant 512 : i32
    %dma_start3A_105 = tpu.memref_slice %arg7[%dma_start3A_104] : memref<1024xi32, #tpu.memory_space<vmem>> -> memref<128xi32, #tpu.memory_space<vmem>>
    %dma_start3A_106 = arith.constant 0 : i32
    %dma_start3A_107 = tpu.memref_slice %arg2[%add3A_99, %add3A_103, %dma_start3A_106] : memref<40x8x128xi32, #tpu.memory_space<hbm>> -> memref<1x1x128xi32, #tpu.memory_space<hbm>>
    %dma_start3A_108 = tpu.memref_squeeze %dma_start3A_107 : memref<1x1x128xi32, #tpu.memory_space<hbm>> -> memref<128xi32, #tpu.memory_space<hbm>>
    %dma_start3A_109 = arith.constant 512 : i32
    %dma_start3A_110 = tpu.memref_slice %arg7[%dma_start3A_109] : memref<1024xi32, #tpu.memory_space<vmem>> -> memref<128xi32, #tpu.memory_space<vmem>>
    %dma_start3A_111 = arith.constant 0 : i32
    %dma_start3A_112 = tpu.memref_slice %arg2[%add3A_99, %add3A_103, %dma_start3A_111] : memref<40x8x128xi32, #tpu.memory_space<hbm>> -> memref<1x1x128xi32, #tpu.memory_space<hbm>>
    %dma_start3A_113 = tpu.memref_squeeze %dma_start3A_112 : memref<1x1x128xi32, #tpu.memory_space<hbm>> -> memref<128xi32, #tpu.memory_space<hbm>>
    tpu.enqueue_dma source(%dma_start3A_113 : memref<128xi32, #tpu.memory_space<hbm>>) target(%dma_start3A_110 : memref<128xi32, #tpu.memory_space<vmem>>) target_semaphore(%arg15 : memref<!tpu.dma_semaphore, #tpu.memory_space<semaphore_mem>>)
    %add3A_114 = arith.constant 1 : i32
    %add3A_115 = arith.addi %add3A_34, %add3A_114 : i32
    %mul3A_116 = arith.constant 2 : i32
    %mul3A_117 = arith.muli %mul3A_116, %select_n3A : i32
    %add3A_118 = arith.constant 1 : i32
    %add3A_119 = arith.addi %mul3A_117, %add3A_118 : i32
    %dma_start3A_120 = arith.constant 640 : i32
    %dma_start3A_121 = tpu.memref_slice %arg7[%dma_start3A_120] : memref<1024xi32, #tpu.memory_space<vmem>> -> memref<128xi32, #tpu.memory_space<vmem>>
    %dma_start3A_122 = arith.constant 0 : i32
    %dma_start3A_123 = tpu.memref_slice %arg2[%add3A_115, %add3A_119, %dma_start3A_122] : memref<40x8x128xi32, #tpu.memory_space<hbm>> -> memref<1x1x128xi32, #tpu.memory_space<hbm>>
    %dma_start3A_124 = tpu.memref_squeeze %dma_start3A_123 : memref<1x1x128xi32, #tpu.memory_space<hbm>> -> memref<128xi32, #tpu.memory_space<hbm>>
    %dma_start3A_125 = arith.constant 640 : i32
    %dma_start3A_126 = tpu.memref_slice %arg7[%dma_start3A_125] : memref<1024xi32, #tpu.memory_space<vmem>> -> memref<128xi32, #tpu.memory_space<vmem>>
    %dma_start3A_127 = arith.constant 0 : i32
    %dma_start3A_128 = tpu.memref_slice %arg2[%add3A_115, %add3A_119, %dma_start3A_127] : memref<40x8x128xi32, #tpu.memory_space<hbm>> -> memref<1x1x128xi32, #tpu.memory_space<hbm>>
    %dma_start3A_129 = tpu.memref_squeeze %dma_start3A_128 : memref<1x1x128xi32, #tpu.memory_space<hbm>> -> memref<128xi32, #tpu.memory_space<hbm>>
    tpu.enqueue_dma source(%dma_start3A_129 : memref<128xi32, #tpu.memory_space<hbm>>) target(%dma_start3A_126 : memref<128xi32, #tpu.memory_space<vmem>>) target_semaphore(%arg15 : memref<!tpu.dma_semaphore, #tpu.memory_space<semaphore_mem>>)
    %add3A_130 = arith.constant 2 : i32
    %add3A_131 = arith.addi %add3A_34, %add3A_130 : i32
    %mul3A_132 = arith.constant 2 : i32
    %mul3A_133 = arith.muli %mul3A_132, %select_n3A : i32
    %add3A_134 = arith.constant 1 : i32
    %add3A_135 = arith.addi %mul3A_133, %add3A_134 : i32
    %dma_start3A_136 = arith.constant 768 : i32
    %dma_start3A_137 = tpu.memref_slice %arg7[%dma_start3A_136] : memref<1024xi32, #tpu.memory_space<vmem>> -> memref<128xi32, #tpu.memory_space<vmem>>
    %dma_start3A_138 = arith.constant 0 : i32
    %dma_start3A_139 = tpu.memref_slice %arg2[%add3A_131, %add3A_135, %dma_start3A_138] : memref<40x8x128xi32, #tpu.memory_space<hbm>> -> memref<1x1x128xi32, #tpu.memory_space<hbm>>
    %dma_start3A_140 = tpu.memref_squeeze %dma_start3A_139 : memref<1x1x128xi32, #tpu.memory_space<hbm>> -> memref<128xi32, #tpu.memory_space<hbm>>
    %dma_start3A_141 = arith.constant 768 : i32
    %dma_start3A_142 = tpu.memref_slice %arg7[%dma_start3A_141] : memref<1024xi32, #tpu.memory_space<vmem>> -> memref<128xi32, #tpu.memory_space<vmem>>
    %dma_start3A_143 = arith.constant 0 : i32
    %dma_start3A_144 = tpu.memref_slice %arg2[%add3A_131, %add3A_135, %dma_start3A_143] : memref<40x8x128xi32, #tpu.memory_space<hbm>> -> memref<1x1x128xi32, #tpu.memory_space<hbm>>
    %dma_start3A_145 = tpu.memref_squeeze %dma_start3A_144 : memref<1x1x128xi32, #tpu.memory_space<hbm>> -> memref<128xi32, #tpu.memory_space<hbm>>
    tpu.enqueue_dma source(%dma_start3A_145 : memref<128xi32, #tpu.memory_space<hbm>>) target(%dma_start3A_142 : memref<128xi32, #tpu.memory_space<vmem>>) target_semaphore(%arg15 : memref<!tpu.dma_semaphore, #tpu.memory_space<semaphore_mem>>)
    %add3A_146 = arith.constant 3 : i32
    %add3A_147 = arith.addi %add3A_34, %add3A_146 : i32
    %mul3A_148 = arith.constant 2 : i32
    %mul3A_149 = arith.muli %mul3A_148, %select_n3A : i32
    %add3A_150 = arith.constant 1 : i32
    %add3A_151 = arith.addi %mul3A_149, %add3A_150 : i32
    %dma_start3A_152 = arith.constant 896 : i32
    %dma_start3A_153 = tpu.memref_slice %arg7[%dma_start3A_152] : memref<1024xi32, #tpu.memory_space<vmem>> -> memref<128xi32, #tpu.memory_space<vmem>>
    %dma_start3A_154 = arith.constant 0 : i32
    %dma_start3A_155 = tpu.memref_slice %arg2[%add3A_147, %add3A_151, %dma_start3A_154] : memref<40x8x128xi32, #tpu.memory_space<hbm>> -> memref<1x1x128xi32, #tpu.memory_space<hbm>>
    %dma_start3A_156 = tpu.memref_squeeze %dma_start3A_155 : memref<1x1x128xi32, #tpu.memory_space<hbm>> -> memref<128xi32, #tpu.memory_space<hbm>>
    %dma_start3A_157 = arith.constant 896 : i32
    %dma_start3A_158 = tpu.memref_slice %arg7[%dma_start3A_157] : memref<1024xi32, #tpu.memory_space<vmem>> -> memref<128xi32, #tpu.memory_space<vmem>>
    %dma_start3A_159 = arith.constant 0 : i32
    %dma_start3A_160 = tpu.memref_slice %arg2[%add3A_147, %add3A_151, %dma_start3A_159] : memref<40x8x128xi32, #tpu.memory_space<hbm>> -> memref<1x1x128xi32, #tpu.memory_space<hbm>>
    %dma_start3A_161 = tpu.memref_squeeze %dma_start3A_160 : memref<1x1x128xi32, #tpu.memory_space<hbm>> -> memref<128xi32, #tpu.memory_space<hbm>>
    tpu.enqueue_dma source(%dma_start3A_161 : memref<128xi32, #tpu.memory_space<hbm>>) target(%dma_start3A_158 : memref<128xi32, #tpu.memory_space<vmem>>) target_semaphore(%arg15 : memref<!tpu.dma_semaphore, #tpu.memory_space<semaphore_mem>>)
    %add3A_162 = arith.constant 0 : i32
    %add3A_163 = arith.addi %add3A_34, %add3A_162 : i32
    %mul3A_164 = arith.constant 2 : i32
    %mul3A_165 = arith.muli %mul3A_164, %select_n3A : i32
    %add3A_166 = arith.constant 0 : i32
    %add3A_167 = arith.addi %mul3A_165, %add3A_166 : i32
    %dma_start3A_168 = arith.constant 0 : i32
    %dma_start3A_169 = tpu.memref_slice %arg8[%dma_start3A_168] : memref<1024xi32, #tpu.memory_space<vmem>> -> memref<128xi32, #tpu.memory_space<vmem>>
    %dma_start3A_170 = arith.constant 0 : i32
    %dma_start3A_171 = tpu.memref_slice %arg3[%add3A_163, %add3A_167, %dma_start3A_170] : memref<40x8x128xi32, #tpu.memory_space<hbm>> -> memref<1x1x128xi32, #tpu.memory_space<hbm>>
    %dma_start3A_172 = tpu.memref_squeeze %dma_start3A_171 : memref<1x1x128xi32, #tpu.memory_space<hbm>> -> memref<128xi32, #tpu.memory_space<hbm>>
    %dma_start3A_173 = arith.constant 0 : i32
    %dma_start3A_174 = tpu.memref_slice %arg8[%dma_start3A_173] : memref<1024xi32, #tpu.memory_space<vmem>> -> memref<128xi32, #tpu.memory_space<vmem>>
    %dma_start3A_175 = arith.constant 0 : i32
    %dma_start3A_176 = tpu.memref_slice %arg3[%add3A_163, %add3A_167, %dma_start3A_175] : memref<40x8x128xi32, #tpu.memory_space<hbm>> -> memref<1x1x128xi32, #tpu.memory_space<hbm>>
    %dma_start3A_177 = tpu.memref_squeeze %dma_start3A_176 : memref<1x1x128xi32, #tpu.memory_space<hbm>> -> memref<128xi32, #tpu.memory_space<hbm>>
    tpu.enqueue_dma source(%dma_start3A_177 : memref<128xi32, #tpu.memory_space<hbm>>) target(%dma_start3A_174 : memref<128xi32, #tpu.memory_space<vmem>>) target_semaphore(%arg16 : memref<!tpu.dma_semaphore, #tpu.memory_space<semaphore_mem>>)
    %add3A_178 = arith.constant 1 : i32
    %add3A_179 = arith.addi %add3A_34, %add3A_178 : i32
    %mul3A_180 = arith.constant 2 : i32
    %mul3A_181 = arith.muli %mul3A_180, %select_n3A : i32
    %add3A_182 = arith.constant 0 : i32
    %add3A_183 = arith.addi %mul3A_181, %add3A_182 : i32
    %dma_start3A_184 = arith.constant 128 : i32
    %dma_start3A_185 = tpu.memref_slice %arg8[%dma_start3A_184] : memref<1024xi32, #tpu.memory_space<vmem>> -> memref<128xi32, #tpu.memory_space<vmem>>
    %dma_start3A_186 = arith.constant 0 : i32
    %dma_start3A_187 = tpu.memref_slice %arg3[%add3A_179, %add3A_183, %dma_start3A_186] : memref<40x8x128xi32, #tpu.memory_space<hbm>> -> memref<1x1x128xi32, #tpu.memory_space<hbm>>
    %dma_start3A_188 = tpu.memref_squeeze %dma_start3A_187 : memref<1x1x128xi32, #tpu.memory_space<hbm>> -> memref<128xi32, #tpu.memory_space<hbm>>
    %dma_start3A_189 = arith.constant 128 : i32
    %dma_start3A_190 = tpu.memref_slice %arg8[%dma_start3A_189] : memref<1024xi32, #tpu.memory_space<vmem>> -> memref<128xi32, #tpu.memory_space<vmem>>
    %dma_start3A_191 = arith.constant 0 : i32
    %dma_start3A_192 = tpu.memref_slice %arg3[%add3A_179, %add3A_183, %dma_start3A_191] : memref<40x8x128xi32, #tpu.memory_space<hbm>> -> memref<1x1x128xi32, #tpu.memory_space<hbm>>
    %dma_start3A_193 = tpu.memref_squeeze %dma_start3A_192 : memref<1x1x128xi32, #tpu.memory_space<hbm>> -> memref<128xi32, #tpu.memory_space<hbm>>
    tpu.enqueue_dma source(%dma_start3A_193 : memref<128xi32, #tpu.memory_space<hbm>>) target(%dma_start3A_190 : memref<128xi32, #tpu.memory_space<vmem>>) target_semaphore(%arg16 : memref<!tpu.dma_semaphore, #tpu.memory_space<semaphore_mem>>)
    %add3A_194 = arith.constant 2 : i32
    %add3A_195 = arith.addi %add3A_34, %add3A_194 : i32
    %mul3A_196 = arith.constant 2 : i32
    %mul3A_197 = arith.muli %mul3A_196, %select_n3A : i32
    %add3A_198 = arith.constant 0 : i32
    %add3A_199 = arith.addi %mul3A_197, %add3A_198 : i32
    %dma_start3A_200 = arith.constant 256 : i32
    %dma_start3A_201 = tpu.memref_slice %arg8[%dma_start3A_200] : memref<1024xi32, #tpu.memory_space<vmem>> -> memref<128xi32, #tpu.memory_space<vmem>>
    %dma_start3A_202 = arith.constant 0 : i32
    %dma_start3A_203 = tpu.memref_slice %arg3[%add3A_195, %add3A_199, %dma_start3A_202] : memref<40x8x128xi32, #tpu.memory_space<hbm>> -> memref<1x1x128xi32, #tpu.memory_space<hbm>>
    %dma_start3A_204 = tpu.memref_squeeze %dma_start3A_203 : memref<1x1x128xi32, #tpu.memory_space<hbm>> -> memref<128xi32, #tpu.memory_space<hbm>>
    %dma_start3A_205 = arith.constant 256 : i32
    %dma_start3A_206 = tpu.memref_slice %arg8[%dma_start3A_205] : memref<1024xi32, #tpu.memory_space<vmem>> -> memref<128xi32, #tpu.memory_space<vmem>>
    %dma_start3A_207 = arith.constant 0 : i32
    %dma_start3A_208 = tpu.memref_slice %arg3[%add3A_195, %add3A_199, %dma_start3A_207] : memref<40x8x128xi32, #tpu.memory_space<hbm>> -> memref<1x1x128xi32, #tpu.memory_space<hbm>>
    %dma_start3A_209 = tpu.memref_squeeze %dma_start3A_208 : memref<1x1x128xi32, #tpu.memory_space<hbm>> -> memref<128xi32, #tpu.memory_space<hbm>>
    tpu.enqueue_dma source(%dma_start3A_209 : memref<128xi32, #tpu.memory_space<hbm>>) target(%dma_start3A_206 : memref<128xi32, #tpu.memory_space<vmem>>) target_semaphore(%arg16 : memref<!tpu.dma_semaphore, #tpu.memory_space<semaphore_mem>>)
    %add3A_210 = arith.constant 3 : i32
    %add3A_211 = arith.addi %add3A_34, %add3A_210 : i32
    %mul3A_212 = arith.constant 2 : i32
    %mul3A_213 = arith.muli %mul3A_212, %select_n3A : i32
    %add3A_214 = arith.constant 0 : i32
    %add3A_215 = arith.addi %mul3A_213, %add3A_214 : i32
    %dma_start3A_216 = arith.constant 384 : i32
    %dma_start3A_217 = tpu.memref_slice %arg8[%dma_start3A_216] : memref<1024xi32, #tpu.memory_space<vmem>> -> memref<128xi32, #tpu.memory_space<vmem>>
    %dma_start3A_218 = arith.constant 0 : i32
    %dma_start3A_219 = tpu.memref_slice %arg3[%add3A_211, %add3A_215, %dma_start3A_218] : memref<40x8x128xi32, #tpu.memory_space<hbm>> -> memref<1x1x128xi32, #tpu.memory_space<hbm>>
    %dma_start3A_220 = tpu.memref_squeeze %dma_start3A_219 : memref<1x1x128xi32, #tpu.memory_space<hbm>> -> memref<128xi32, #tpu.memory_space<hbm>>
    %dma_start3A_221 = arith.constant 384 : i32
    %dma_start3A_222 = tpu.memref_slice %arg8[%dma_start3A_221] : memref<1024xi32, #tpu.memory_space<vmem>> -> memref<128xi32, #tpu.memory_space<vmem>>
    %dma_start3A_223 = arith.constant 0 : i32
    %dma_start3A_224 = tpu.memref_slice %arg3[%add3A_211, %add3A_215, %dma_start3A_223] : memref<40x8x128xi32, #tpu.memory_space<hbm>> -> memref<1x1x128xi32, #tpu.memory_space<hbm>>
    %dma_start3A_225 = tpu.memref_squeeze %dma_start3A_224 : memref<1x1x128xi32, #tpu.memory_space<hbm>> -> memref<128xi32, #tpu.memory_space<hbm>>
    tpu.enqueue_dma source(%dma_start3A_225 : memref<128xi32, #tpu.memory_space<hbm>>) target(%dma_start3A_222 : memref<128xi32, #tpu.memory_space<vmem>>) target_semaphore(%arg16 : memref<!tpu.dma_semaphore, #tpu.memory_space<semaphore_mem>>)
    %add3A_226 = arith.constant 0 : i32
    %add3A_227 = arith.addi %add3A_34, %add3A_226 : i32
    %mul3A_228 = arith.constant 2 : i32
    %mul3A_229 = arith.muli %mul3A_228, %select_n3A : i32
    %add3A_230 = arith.constant 1 : i32
    %add3A_231 = arith.addi %mul3A_229, %add3A_230 : i32
    %dma_start3A_232 = arith.constant 512 : i32
    %dma_start3A_233 = tpu.memref_slice %arg8[%dma_start3A_232] : memref<1024xi32, #tpu.memory_space<vmem>> -> memref<128xi32, #tpu.memory_space<vmem>>
    %dma_start3A_234 = arith.constant 0 : i32
    %dma_start3A_235 = tpu.memref_slice %arg3[%add3A_227, %add3A_231, %dma_start3A_234] : memref<40x8x128xi32, #tpu.memory_space<hbm>> -> memref<1x1x128xi32, #tpu.memory_space<hbm>>
    %dma_start3A_236 = tpu.memref_squeeze %dma_start3A_235 : memref<1x1x128xi32, #tpu.memory_space<hbm>> -> memref<128xi32, #tpu.memory_space<hbm>>
    %dma_start3A_237 = arith.constant 512 : i32
    %dma_start3A_238 = tpu.memref_slice %arg8[%dma_start3A_237] : memref<1024xi32, #tpu.memory_space<vmem>> -> memref<128xi32, #tpu.memory_space<vmem>>
    %dma_start3A_239 = arith.constant 0 : i32
    %dma_start3A_240 = tpu.memref_slice %arg3[%add3A_227, %add3A_231, %dma_start3A_239] : memref<40x8x128xi32, #tpu.memory_space<hbm>> -> memref<1x1x128xi32, #tpu.memory_space<hbm>>
    %dma_start3A_241 = tpu.memref_squeeze %dma_start3A_240 : memref<1x1x128xi32, #tpu.memory_space<hbm>> -> memref<128xi32, #tpu.memory_space<hbm>>
    tpu.enqueue_dma source(%dma_start3A_241 : memref<128xi32, #tpu.memory_space<hbm>>) target(%dma_start3A_238 : memref<128xi32, #tpu.memory_space<vmem>>) target_semaphore(%arg16 : memref<!tpu.dma_semaphore, #tpu.memory_space<semaphore_mem>>)
    %add3A_242 = arith.constant 1 : i32
    %add3A_243 = arith.addi %add3A_34, %add3A_242 : i32
    %mul3A_244 = arith.constant 2 : i32
    %mul3A_245 = arith.muli %mul3A_244, %select_n3A : i32
    %add3A_246 = arith.constant 1 : i32
    %add3A_247 = arith.addi %mul3A_245, %add3A_246 : i32
    %dma_start3A_248 = arith.constant 640 : i32
    %dma_start3A_249 = tpu.memref_slice %arg8[%dma_start3A_248] : memref<1024xi32, #tpu.memory_space<vmem>> -> memref<128xi32, #tpu.memory_space<vmem>>
    %dma_start3A_250 = arith.constant 0 : i32
    %dma_start3A_251 = tpu.memref_slice %arg3[%add3A_243, %add3A_247, %dma_start3A_250] : memref<40x8x128xi32, #tpu.memory_space<hbm>> -> memref<1x1x128xi32, #tpu.memory_space<hbm>>
    %dma_start3A_252 = tpu.memref_squeeze %dma_start3A_251 : memref<1x1x128xi32, #tpu.memory_space<hbm>> -> memref<128xi32, #tpu.memory_space<hbm>>
    %dma_start3A_253 = arith.constant 640 : i32
    %dma_start3A_254 = tpu.memref_slice %arg8[%dma_start3A_253] : memref<1024xi32, #tpu.memory_space<vmem>> -> memref<128xi32, #tpu.memory_space<vmem>>
    %dma_start3A_255 = arith.constant 0 : i32
    %dma_start3A_256 = tpu.memref_slice %arg3[%add3A_243, %add3A_247, %dma_start3A_255] : memref<40x8x128xi32, #tpu.memory_space<hbm>> -> memref<1x1x128xi32, #tpu.memory_space<hbm>>
    %dma_start3A_257 = tpu.memref_squeeze %dma_start3A_256 : memref<1x1x128xi32, #tpu.memory_space<hbm>> -> memref<128xi32, #tpu.memory_space<hbm>>
    tpu.enqueue_dma source(%dma_start3A_257 : memref<128xi32, #tpu.memory_space<hbm>>) target(%dma_start3A_254 : memref<128xi32, #tpu.memory_space<vmem>>) target_semaphore(%arg16 : memref<!tpu.dma_semaphore, #tpu.memory_space<semaphore_mem>>)
    %add3A_258 = arith.constant 2 : i32
    %add3A_259 = arith.addi %add3A_34, %add3A_258 : i32
    %mul3A_260 = arith.constant 2 : i32
    %mul3A_261 = arith.muli %mul3A_260, %select_n3A : i32
    %add3A_262 = arith.constant 1 : i32
    %add3A_263 = arith.addi %mul3A_261, %add3A_262 : i32
    %dma_start3A_264 = arith.constant 768 : i32
    %dma_start3A_265 = tpu.memref_slice %arg8[%dma_start3A_264] : memref<1024xi32, #tpu.memory_space<vmem>> -> memref<128xi32, #tpu.memory_space<vmem>>
    %dma_start3A_266 = arith.constant 0 : i32
    %dma_start3A_267 = tpu.memref_slice %arg3[%add3A_259, %add3A_263, %dma_start3A_266] : memref<40x8x128xi32, #tpu.memory_space<hbm>> -> memref<1x1x128xi32, #tpu.memory_space<hbm>>
    %dma_start3A_268 = tpu.memref_squeeze %dma_start3A_267 : memref<1x1x128xi32, #tpu.memory_space<hbm>> -> memref<128xi32, #tpu.memory_space<hbm>>
    %dma_start3A_269 = arith.constant 768 : i32
    %dma_start3A_270 = tpu.memref_slice %arg8[%dma_start3A_269] : memref<1024xi32, #tpu.memory_space<vmem>> -> memref<128xi32, #tpu.memory_space<vmem>>
    %dma_start3A_271 = arith.constant 0 : i32
    %dma_start3A_272 = tpu.memref_slice %arg3[%add3A_259, %add3A_263, %dma_start3A_271] : memref<40x8x128xi32, #tpu.memory_space<hbm>> -> memref<1x1x128xi32, #tpu.memory_space<hbm>>
    %dma_start3A_273 = tpu.memref_squeeze %dma_start3A_272 : memref<1x1x128xi32, #tpu.memory_space<hbm>> -> memref<128xi32, #tpu.memory_space<hbm>>
    tpu.enqueue_dma source(%dma_start3A_273 : memref<128xi32, #tpu.memory_space<hbm>>) target(%dma_start3A_270 : memref<128xi32, #tpu.memory_space<vmem>>) target_semaphore(%arg16 : memref<!tpu.dma_semaphore, #tpu.memory_space<semaphore_mem>>)
    %add3A_274 = arith.constant 3 : i32
    %add3A_275 = arith.addi %add3A_34, %add3A_274 : i32
    %mul3A_276 = arith.constant 2 : i32
    %mul3A_277 = arith.muli %mul3A_276, %select_n3A : i32
    %add3A_278 = arith.constant 1 : i32
    %add3A_279 = arith.addi %mul3A_277, %add3A_278 : i32
    %dma_start3A_280 = arith.constant 896 : i32
    %dma_start3A_281 = tpu.memref_slice %arg8[%dma_start3A_280] : memref<1024xi32, #tpu.memory_space<vmem>> -> memref<128xi32, #tpu.memory_space<vmem>>
    %dma_start3A_282 = arith.constant 0 : i32
    %dma_start3A_283 = tpu.memref_slice %arg3[%add3A_275, %add3A_279, %dma_start3A_282] : memref<40x8x128xi32, #tpu.memory_space<hbm>> -> memref<1x1x128xi32, #tpu.memory_space<hbm>>
    %dma_start3A_284 = tpu.memref_squeeze %dma_start3A_283 : memref<1x1x128xi32, #tpu.memory_space<hbm>> -> memref<128xi32, #tpu.memory_space<hbm>>
    %dma_start3A_285 = arith.constant 896 : i32
    %dma_start3A_286 = tpu.memref_slice %arg8[%dma_start3A_285] : memref<1024xi32, #tpu.memory_space<vmem>> -> memref<128xi32, #tpu.memory_space<vmem>>
    %dma_start3A_287 = arith.constant 0 : i32
    %dma_start3A_288 = tpu.memref_slice %arg3[%add3A_275, %add3A_279, %dma_start3A_287] : memref<40x8x128xi32, #tpu.memory_space<hbm>> -> memref<1x1x128xi32, #tpu.memory_space<hbm>>
    %dma_start3A_289 = tpu.memref_squeeze %dma_start3A_288 : memref<1x1x128xi32, #tpu.memory_space<hbm>> -> memref<128xi32, #tpu.memory_space<hbm>>
    tpu.enqueue_dma source(%dma_start3A_289 : memref<128xi32, #tpu.memory_space<hbm>>) target(%dma_start3A_286 : memref<128xi32, #tpu.memory_space<vmem>>) target_semaphore(%arg16 : memref<!tpu.dma_semaphore, #tpu.memory_space<semaphore_mem>>)
    %dma_wait3A = arith.constant 0 : i32
    %dma_wait3A_290 = tpu.memref_slice %arg7[%dma_wait3A] : memref<1024xi32, #tpu.memory_space<vmem>> -> memref<128xi32, #tpu.memory_space<vmem>>
    %dma_wait3A_291 = arith.constant 0 : i32
    %dma_wait3A_292 = tpu.memref_slice %arg2[%add3A_36, %add3A_40, %dma_wait3A_291] : memref<40x8x128xi32, #tpu.memory_space<hbm>> -> memref<1x1x128xi32, #tpu.memory_space<hbm>>
    %dma_wait3A_293 = tpu.memref_squeeze %dma_wait3A_292 : memref<1x1x128xi32, #tpu.memory_space<hbm>> -> memref<128xi32, #tpu.memory_space<hbm>>
    %dma_wait3A_294 = arith.constant 0 : i32
    %dma_wait3A_295 = tpu.memref_slice %arg7[%dma_wait3A_294] : memref<1024xi32, #tpu.memory_space<vmem>> -> memref<128xi32, #tpu.memory_space<vmem>>
    %dma_wait3A_296 = arith.constant 0 : i32
    %dma_wait3A_297 = tpu.memref_slice %arg2[%add3A_36, %add3A_40, %dma_wait3A_296] : memref<40x8x128xi32, #tpu.memory_space<hbm>> -> memref<1x1x128xi32, #tpu.memory_space<hbm>>
    %dma_wait3A_298 = tpu.memref_squeeze %dma_wait3A_297 : memref<1x1x128xi32, #tpu.memory_space<hbm>> -> memref<128xi32, #tpu.memory_space<hbm>>
    tpu.wait_dma2 semaphore(%arg15 : memref<!tpu.dma_semaphore, #tpu.memory_space<semaphore_mem>>) src(%dma_wait3A_298 : memref<128xi32, #tpu.memory_space<hbm>>) dst(%dma_wait3A_295 : memref<128xi32, #tpu.memory_space<vmem>>)
    %dma_wait3A_299 = arith.constant 128 : i32
    %dma_wait3A_300 = tpu.memref_slice %arg7[%dma_wait3A_299] : memref<1024xi32, #tpu.memory_space<vmem>> -> memref<128xi32, #tpu.memory_space<vmem>>
    %dma_wait3A_301 = arith.constant 0 : i32
    %dma_wait3A_302 = tpu.memref_slice %arg2[%add3A_51, %add3A_55, %dma_wait3A_301] : memref<40x8x128xi32, #tpu.memory_space<hbm>> -> memref<1x1x128xi32, #tpu.memory_space<hbm>>
    %dma_wait3A_303 = tpu.memref_squeeze %dma_wait3A_302 : memref<1x1x128xi32, #tpu.memory_space<hbm>> -> memref<128xi32, #tpu.memory_space<hbm>>
    %dma_wait3A_304 = arith.constant 128 : i32
    %dma_wait3A_305 = tpu.memref_slice %arg7[%dma_wait3A_304] : memref<1024xi32, #tpu.memory_space<vmem>> -> memref<128xi32, #tpu.memory_space<vmem>>
    %dma_wait3A_306 = arith.constant 0 : i32
    %dma_wait3A_307 = tpu.memref_slice %arg2[%add3A_51, %add3A_55, %dma_wait3A_306] : memref<40x8x128xi32, #tpu.memory_space<hbm>> -> memref<1x1x128xi32, #tpu.memory_space<hbm>>
    %dma_wait3A_308 = tpu.memref_squeeze %dma_wait3A_307 : memref<1x1x128xi32, #tpu.memory_space<hbm>> -> memref<128xi32, #tpu.memory_space<hbm>>
    tpu.wait_dma2 semaphore(%arg15 : memref<!tpu.dma_semaphore, #tpu.memory_space<semaphore_mem>>) src(%dma_wait3A_308 : memref<128xi32, #tpu.memory_space<hbm>>) dst(%dma_wait3A_305 : memref<128xi32, #tpu.memory_space<vmem>>)
    %dma_wait3A_309 = arith.constant 256 : i32
    %dma_wait3A_310 = tpu.memref_slice %arg7[%dma_wait3A_309] : memref<1024xi32, #tpu.memory_space<vmem>> -> memref<128xi32, #tpu.memory_space<vmem>>
    %dma_wait3A_311 = arith.constant 0 : i32
    %dma_wait3A_312 = tpu.memref_slice %arg2[%add3A_67, %add3A_71, %dma_wait3A_311] : memref<40x8x128xi32, #tpu.memory_space<hbm>> -> memref<1x1x128xi32, #tpu.memory_space<hbm>>
    %dma_wait3A_313 = tpu.memref_squeeze %dma_wait3A_312 : memref<1x1x128xi32, #tpu.memory_space<hbm>> -> memref<128xi32, #tpu.memory_space<hbm>>
    %dma_wait3A_314 = arith.constant 256 : i32
    %dma_wait3A_315 = tpu.memref_slice %arg7[%dma_wait3A_314] : memref<1024xi32, #tpu.memory_space<vmem>> -> memref<128xi32, #tpu.memory_space<vmem>>
    %dma_wait3A_316 = arith.constant 0 : i32
    %dma_wait3A_317 = tpu.memref_slice %arg2[%add3A_67, %add3A_71, %dma_wait3A_316] : memref<40x8x128xi32, #tpu.memory_space<hbm>> -> memref<1x1x128xi32, #tpu.memory_space<hbm>>
    %dma_wait3A_318 = tpu.memref_squeeze %dma_wait3A_317 : memref<1x1x128xi32, #tpu.memory_space<hbm>> -> memref<128xi32, #tpu.memory_space<hbm>>
    tpu.wait_dma2 semaphore(%arg15 : memref<!tpu.dma_semaphore, #tpu.memory_space<semaphore_mem>>) src(%dma_wait3A_318 : memref<128xi32, #tpu.memory_space<hbm>>) dst(%dma_wait3A_315 : memref<128xi32, #tpu.memory_space<vmem>>)
    %dma_wait3A_319 = arith.constant 384 : i32
    %dma_wait3A_320 = tpu.memref_slice %arg7[%dma_wait3A_319] : memref<1024xi32, #tpu.memory_space<vmem>> -> memref<128xi32, #tpu.memory_space<vmem>>
    %dma_wait3A_321 = arith.constant 0 : i32
    %dma_wait3A_322 = tpu.memref_slice %arg2[%add3A_83, %add3A_87, %dma_wait3A_321] : memref<40x8x128xi32, #tpu.memory_space<hbm>> -> memref<1x1x128xi32, #tpu.memory_space<hbm>>
    %dma_wait3A_323 = tpu.memref_squeeze %dma_wait3A_322 : memref<1x1x128xi32, #tpu.memory_space<hbm>> -> memref<128xi32, #tpu.memory_space<hbm>>
    %dma_wait3A_324 = arith.constant 384 : i32
    %dma_wait3A_325 = tpu.memref_slice %arg7[%dma_wait3A_324] : memref<1024xi32, #tpu.memory_space<vmem>> -> memref<128xi32, #tpu.memory_space<vmem>>
    %dma_wait3A_326 = arith.constant 0 : i32
    %dma_wait3A_327 = tpu.memref_slice %arg2[%add3A_83, %add3A_87, %dma_wait3A_326] : memref<40x8x128xi32, #tpu.memory_space<hbm>> -> memref<1x1x128xi32, #tpu.memory_space<hbm>>
    %dma_wait3A_328 = tpu.memref_squeeze %dma_wait3A_327 : memref<1x1x128xi32, #tpu.memory_space<hbm>> -> memref<128xi32, #tpu.memory_space<hbm>>
    tpu.wait_dma2 semaphore(%arg15 : memref<!tpu.dma_semaphore, #tpu.memory_space<semaphore_mem>>) src(%dma_wait3A_328 : memref<128xi32, #tpu.memory_space<hbm>>) dst(%dma_wait3A_325 : memref<128xi32, #tpu.memory_space<vmem>>)
    %dma_wait3A_329 = arith.constant 512 : i32
    %dma_wait3A_330 = tpu.memref_slice %arg7[%dma_wait3A_329] : memref<1024xi32, #tpu.memory_space<vmem>> -> memref<128xi32, #tpu.memory_space<vmem>>
    %dma_wait3A_331 = arith.constant 0 : i32
    %dma_wait3A_332 = tpu.memref_slice %arg2[%add3A_99, %add3A_103, %dma_wait3A_331] : memref<40x8x128xi32, #tpu.memory_space<hbm>> -> memref<1x1x128xi32, #tpu.memory_space<hbm>>
    %dma_wait3A_333 = tpu.memref_squeeze %dma_wait3A_332 : memref<1x1x128xi32, #tpu.memory_space<hbm>> -> memref<128xi32, #tpu.memory_space<hbm>>
    %dma_wait3A_334 = arith.constant 512 : i32
    %dma_wait3A_335 = tpu.memref_slice %arg7[%dma_wait3A_334] : memref<1024xi32, #tpu.memory_space<vmem>> -> memref<128xi32, #tpu.memory_space<vmem>>
    %dma_wait3A_336 = arith.constant 0 : i32
    %dma_wait3A_337 = tpu.memref_slice %arg2[%add3A_99, %add3A_103, %dma_wait3A_336] : memref<40x8x128xi32, #tpu.memory_space<hbm>> -> memref<1x1x128xi32, #tpu.memory_space<hbm>>
    %dma_wait3A_338 = tpu.memref_squeeze %dma_wait3A_337 : memref<1x1x128xi32, #tpu.memory_space<hbm>> -> memref<128xi32, #tpu.memory_space<hbm>>
    tpu.wait_dma2 semaphore(%arg15 : memref<!tpu.dma_semaphore, #tpu.memory_space<semaphore_mem>>) src(%dma_wait3A_338 : memref<128xi32, #tpu.memory_space<hbm>>) dst(%dma_wait3A_335 : memref<128xi32, #tpu.memory_space<vmem>>)
    %dma_wait3A_339 = arith.constant 640 : i32
    %dma_wait3A_340 = tpu.memref_slice %arg7[%dma_wait3A_339] : memref<1024xi32, #tpu.memory_space<vmem>> -> memref<128xi32, #tpu.memory_space<vmem>>
    %dma_wait3A_341 = arith.constant 0 : i32
    %dma_wait3A_342 = tpu.memref_slice %arg2[%add3A_115, %add3A_119, %dma_wait3A_341] : memref<40x8x128xi32, #tpu.memory_space<hbm>> -> memref<1x1x128xi32, #tpu.memory_space<hbm>>
    %dma_wait3A_343 = tpu.memref_squeeze %dma_wait3A_342 : memref<1x1x128xi32, #tpu.memory_space<hbm>> -> memref<128xi32, #tpu.memory_space<hbm>>
    %dma_wait3A_344 = arith.constant 640 : i32
    %dma_wait3A_345 = tpu.memref_slice %arg7[%dma_wait3A_344] : memref<1024xi32, #tpu.memory_space<vmem>> -> memref<128xi32, #tpu.memory_space<vmem>>
    %dma_wait3A_346 = arith.constant 0 : i32
    %dma_wait3A_347 = tpu.memref_slice %arg2[%add3A_115, %add3A_119, %dma_wait3A_346] : memref<40x8x128xi32, #tpu.memory_space<hbm>> -> memref<1x1x128xi32, #tpu.memory_space<hbm>>
    %dma_wait3A_348 = tpu.memref_squeeze %dma_wait3A_347 : memref<1x1x128xi32, #tpu.memory_space<hbm>> -> memref<128xi32, #tpu.memory_space<hbm>>
    tpu.wait_dma2 semaphore(%arg15 : memref<!tpu.dma_semaphore, #tpu.memory_space<semaphore_mem>>) src(%dma_wait3A_348 : memref<128xi32, #tpu.memory_space<hbm>>) dst(%dma_wait3A_345 : memref<128xi32, #tpu.memory_space<vmem>>)
    %dma_wait3A_349 = arith.constant 768 : i32
    %dma_wait3A_350 = tpu.memref_slice %arg7[%dma_wait3A_349] : memref<1024xi32, #tpu.memory_space<vmem>> -> memref<128xi32, #tpu.memory_space<vmem>>
    %dma_wait3A_351 = arith.constant 0 : i32
    %dma_wait3A_352 = tpu.memref_slice %arg2[%add3A_131, %add3A_135, %dma_wait3A_351] : memref<40x8x128xi32, #tpu.memory_space<hbm>> -> memref<1x1x128xi32, #tpu.memory_space<hbm>>
    %dma_wait3A_353 = tpu.memref_squeeze %dma_wait3A_352 : memref<1x1x128xi32, #tpu.memory_space<hbm>> -> memref<128xi32, #tpu.memory_space<hbm>>
    %dma_wait3A_354 = arith.constant 768 : i32
    %dma_wait3A_355 = tpu.memref_slice %arg7[%dma_wait3A_354] : memref<1024xi32, #tpu.memory_space<vmem>> -> memref<128xi32, #tpu.memory_space<vmem>>
    %dma_wait3A_356 = arith.constant 0 : i32
    %dma_wait3A_357 = tpu.memref_slice %arg2[%add3A_131, %add3A_135, %dma_wait3A_356] : memref<40x8x128xi32, #tpu.memory_space<hbm>> -> memref<1x1x128xi32, #tpu.memory_space<hbm>>
    %dma_wait3A_358 = tpu.memref_squeeze %dma_wait3A_357 : memref<1x1x128xi32, #tpu.memory_space<hbm>> -> memref<128xi32, #tpu.memory_space<hbm>>
    tpu.wait_dma2 semaphore(%arg15 : memref<!tpu.dma_semaphore, #tpu.memory_space<semaphore_mem>>) src(%dma_wait3A_358 : memref<128xi32, #tpu.memory_space<hbm>>) dst(%dma_wait3A_355 : memref<128xi32, #tpu.memory_space<vmem>>)
    %dma_wait3A_359 = arith.constant 896 : i32
    %dma_wait3A_360 = tpu.memref_slice %arg7[%dma_wait3A_359] : memref<1024xi32, #tpu.memory_space<vmem>> -> memref<128xi32, #tpu.memory_space<vmem>>
    %dma_wait3A_361 = arith.constant 0 : i32
    %dma_wait3A_362 = tpu.memref_slice %arg2[%add3A_147, %add3A_151, %dma_wait3A_361] : memref<40x8x128xi32, #tpu.memory_space<hbm>> -> memref<1x1x128xi32, #tpu.memory_space<hbm>>
    %dma_wait3A_363 = tpu.memref_squeeze %dma_wait3A_362 : memref<1x1x128xi32, #tpu.memory_space<hbm>> -> memref<128xi32, #tpu.memory_space<hbm>>
    %dma_wait3A_364 = arith.constant 896 : i32
    %dma_wait3A_365 = tpu.memref_slice %arg7[%dma_wait3A_364] : memref<1024xi32, #tpu.memory_space<vmem>> -> memref<128xi32, #tpu.memory_space<vmem>>
    %dma_wait3A_366 = arith.constant 0 : i32
    %dma_wait3A_367 = tpu.memref_slice %arg2[%add3A_147, %add3A_151, %dma_wait3A_366] : memref<40x8x128xi32, #tpu.memory_space<hbm>> -> memref<1x1x128xi32, #tpu.memory_space<hbm>>
    %dma_wait3A_368 = tpu.memref_squeeze %dma_wait3A_367 : memref<1x1x128xi32, #tpu.memory_space<hbm>> -> memref<128xi32, #tpu.memory_space<hbm>>
    tpu.wait_dma2 semaphore(%arg15 : memref<!tpu.dma_semaphore, #tpu.memory_space<semaphore_mem>>) src(%dma_wait3A_368 : memref<128xi32, #tpu.memory_space<hbm>>) dst(%dma_wait3A_365 : memref<128xi32, #tpu.memory_space<vmem>>)
    %scan3A = arith.constant 0 : i32
    %scan3A_369 = arith.constant 0 : i32
    %scan3A_370 = arith.constant 64 : i32
    %scan3A_371 = arith.addi %scan3A_369, %scan3A_370 : i32
    %scan3A_372 = arith.constant 1 : i32
    scf.for %scan3A_1577 = %scan3A_369 to %scan3A_371 step %scan3A_372  : i32 {
      %mul3A_1578 = arith.constant 16 : i32
      %mul3A_1579 = arith.muli %scan3A_1577, %mul3A_1578 : i32
      %get3A = arith.index_cast %mul3A_1579 : i32 to index
      %get3A_1580 = tpu.vector_load %arg7[%get3A] {strides = array<i32>} : memref<1024xi32, #tpu.memory_space<vmem>>, vector<16xi32>,
      %shift_right_arithmetic3A = arith.constant 7 : i32
      %shift_right_arithmetic3A_1581 = vector.broadcast %shift_right_arithmetic3A : i32 to vector<16xi32>
      %shift_right_arithmetic3A_1582 = arith.shrsi %get3A_1580, %shift_right_arithmetic3A_1581 : vector<16xi32>
      %shift_left3A = arith.constant 10 : i32
      %shift_left3A_1583 = vector.broadcast %shift_left3A : i32 to vector<16xi32>
      %shift_left3A_1584 = arith.shli %shift_right_arithmetic3A_1582, %shift_left3A_1583 : vector<16xi32>
      %and3A_1585 = arith.constant 127 : i32
      %and3A_1586 = vector.broadcast %and3A_1585 : i32 to vector<16xi32>
      %and3A_1587 = arith.andi %get3A_1580, %and3A_1586 : vector<16xi32>
      %add3A_1588 = arith.addi %shift_left3A_1584, %and3A_1587 : vector<16xi32>
      %and3A_1589 = arith.constant 31 : i32
      %and3A_1590 = arith.andi %scan3A_1577, %and3A_1589 : i32
      %shift_left3A_1591 = arith.constant 4 : i32
      %shift_left3A_1592 = arith.shli %and3A_1590, %shift_left3A_1591 : i32
      %shift_right_arithmetic3A_1593 = arith.constant 5 : i32
      %shift_right_arithmetic3A_1594 = arith.shrsi %scan3A_1577, %shift_right_arithmetic3A_1593 : i32
      %mul3A_1595 = arith.constant 3072 : i32
      %mul3A_1596 = arith.muli %shift_right_arithmetic3A_1594, %mul3A_1595 : i32
      %add3A_1597 = arith.addi %shift_left3A_1592, %mul3A_1596 : i32
      %add3A_1598 = arith.constant 0 : i32
      %add3A_1599 = vector.broadcast %add3A_1598 : i32 to vector<16xi32>
      %add3A_1600 = arith.addi %add3A_1588, %add3A_1599 : vector<16xi32>
      %add3A_1601 = arith.constant 0 : i32
      %add3A_1602 = arith.addi %add3A_1597, %add3A_1601 : i32
      %swap3A = arith.index_cast %add3A_1602 : i32 to index
      %swap3A_1603 = tpu.vector_load %arg9[%swap3A] {strides = array<i32>} : memref<6144xi32, #tpu.memory_space<vmem>>, vector<16xi32>,
      tpu.vector_store %arg9[%swap3A], %add3A_1600 {strides = array<i32>} : memref<6144xi32, #tpu.memory_space<vmem>>, vector<16xi32>,
      %add3A_1604 = arith.constant 128 : i32
      %add3A_1605 = vector.broadcast %add3A_1604 : i32 to vector<16xi32>
      %add3A_1606 = arith.addi %add3A_1588, %add3A_1605 : vector<16xi32>
      %add3A_1607 = arith.constant 512 : i32
      %add3A_1608 = arith.addi %add3A_1597, %add3A_1607 : i32
      %swap3A_1609 = arith.index_cast %add3A_1608 : i32 to index
      %swap3A_1610 = tpu.vector_load %arg9[%swap3A_1609] {strides = array<i32>} : memref<6144xi32, #tpu.memory_space<vmem>>, vector<16xi32>,
      tpu.vector_store %arg9[%swap3A_1609], %add3A_1606 {strides = array<i32>} : memref<6144xi32, #tpu.memory_space<vmem>>, vector<16xi32>,
      %add3A_1611 = arith.constant 256 : i32
      %add3A_1612 = vector.broadcast %add3A_1611 : i32 to vector<16xi32>
      %add3A_1613 = arith.addi %add3A_1588, %add3A_1612 : vector<16xi32>
      %add3A_1614 = arith.constant 1024 : i32
      %add3A_1615 = arith.addi %add3A_1597, %add3A_1614 : i32
      %swap3A_1616 = arith.index_cast %add3A_1615 : i32 to index
      %swap3A_1617 = tpu.vector_load %arg9[%swap3A_1616] {strides = array<i32>} : memref<6144xi32, #tpu.memory_space<vmem>>, vector<16xi32>,
      tpu.vector_store %arg9[%swap3A_1616], %add3A_1613 {strides = array<i32>} : memref<6144xi32, #tpu.memory_space<vmem>>, vector<16xi32>,
      %add3A_1618 = arith.constant 384 : i32
      %add3A_1619 = vector.broadcast %add3A_1618 : i32 to vector<16xi32>
      %add3A_1620 = arith.addi %add3A_1588, %add3A_1619 : vector<16xi32>
      %add3A_1621 = arith.constant 1536 : i32
      %add3A_1622 = arith.addi %add3A_1597, %add3A_1621 : i32
      %swap3A_1623 = arith.index_cast %add3A_1622 : i32 to index
      %swap3A_1624 = tpu.vector_load %arg9[%swap3A_1623] {strides = array<i32>} : memref<6144xi32, #tpu.memory_space<vmem>>, vector<16xi32>,
      tpu.vector_store %arg9[%swap3A_1623], %add3A_1620 {strides = array<i32>} : memref<6144xi32, #tpu.memory_space<vmem>>, vector<16xi32>,
      %add3A_1625 = arith.constant 512 : i32
      %add3A_1626 = vector.broadcast %add3A_1625 : i32 to vector<16xi32>
      %add3A_1627 = arith.addi %add3A_1588, %add3A_1626 : vector<16xi32>
      %add3A_1628 = arith.constant 2048 : i32
      %add3A_1629 = arith.addi %add3A_1597, %add3A_1628 : i32
      %swap3A_1630 = arith.index_cast %add3A_1629 : i32 to index
      %swap3A_1631 = tpu.vector_load %arg9[%swap3A_1630] {strides = array<i32>} : memref<6144xi32, #tpu.memory_space<vmem>>, vector<16xi32>,
      tpu.vector_store %arg9[%swap3A_1630], %add3A_1627 {strides = array<i32>} : memref<6144xi32, #tpu.memory_space<vmem>>, vector<16xi32>,
      %add3A_1632 = arith.constant 640 : i32
      %add3A_1633 = vector.broadcast %add3A_1632 : i32 to vector<16xi32>
      %add3A_1634 = arith.addi %add3A_1588, %add3A_1633 : vector<16xi32>
      %add3A_1635 = arith.constant 2560 : i32
      %add3A_1636 = arith.addi %add3A_1597, %add3A_1635 : i32
      %swap3A_1637 = arith.index_cast %add3A_1636 : i32 to index
      %swap3A_1638 = tpu.vector_load %arg9[%swap3A_1637] {strides = array<i32>} : memref<6144xi32, #tpu.memory_space<vmem>>, vector<16xi32>,
      tpu.vector_store %arg9[%swap3A_1637], %add3A_1634 {strides = array<i32>} : memref<6144xi32, #tpu.memory_space<vmem>>, vector<16xi32>,
    }
    %scan3A_373 = arith.constant 64 : i32
    %dma_start3A_374 = arith.constant 0 : i32
    %dma_start3A_375 = tpu.memref_slice %arg4[%dma_start3A_374] : memref<512000xf32, #tpu.memory_space<hbm>> -> memref<512000xf32, #tpu.memory_space<hbm>>
    tpu.enqueue_indirect_dma source(%dma_start3A_375 : memref<512000xf32, #tpu.memory_space<hbm>>) target(%arg11 : memref<6144xf32, #tpu.memory_space<vmem>>) offsets(%arg9 : memref<6144xi32, #tpu.memory_space<vmem>>) semaphore(%arg17 : memref<!tpu.dma_semaphore, #tpu.memory_space<semaphore_mem>>)
    %dma_wait3A_376 = arith.constant 0 : i32
    %dma_wait3A_377 = tpu.memref_slice %arg8[%dma_wait3A_376] : memref<1024xi32, #tpu.memory_space<vmem>> -> memref<128xi32, #tpu.memory_space<vmem>>
    %dma_wait3A_378 = arith.constant 0 : i32
    %dma_wait3A_379 = tpu.memref_slice %arg3[%add3A_163, %add3A_167, %dma_wait3A_378] : memref<40x8x128xi32, #tpu.memory_space<hbm>> -> memref<1x1x128xi32, #tpu.memory_space<hbm>>
    %dma_wait3A_380 = tpu.memref_squeeze %dma_wait3A_379 : memref<1x1x128xi32, #tpu.memory_space<hbm>> -> memref<128xi32, #tpu.memory_space<hbm>>
    %dma_wait3A_381 = arith.constant 0 : i32
    %dma_wait3A_382 = tpu.memref_slice %arg8[%dma_wait3A_381] : memref<1024xi32, #tpu.memory_space<vmem>> -> memref<128xi32, #tpu.memory_space<vmem>>
    %dma_wait3A_383 = arith.constant 0 : i32
    %dma_wait3A_384 = tpu.memref_slice %arg3[%add3A_163, %add3A_167, %dma_wait3A_383] : memref<40x8x128xi32, #tpu.memory_space<hbm>> -> memref<1x1x128xi32, #tpu.memory_space<hbm>>
    %dma_wait3A_385 = tpu.memref_squeeze %dma_wait3A_384 : memref<1x1x128xi32, #tpu.memory_space<hbm>> -> memref<128xi32, #tpu.memory_space<hbm>>
    tpu.wait_dma2 semaphore(%arg16 : memref<!tpu.dma_semaphore, #tpu.memory_space<semaphore_mem>>) src(%dma_wait3A_385 : memref<128xi32, #tpu.memory_space<hbm>>) dst(%dma_wait3A_382 : memref<128xi32, #tpu.memory_space<vmem>>)
    %dma_wait3A_386 = arith.constant 128 : i32
    %dma_wait3A_387 = tpu.memref_slice %arg8[%dma_wait3A_386] : memref<1024xi32, #tpu.memory_space<vmem>> -> memref<128xi32, #tpu.memory_space<vmem>>
    %dma_wait3A_388 = arith.constant 0 : i32
    %dma_wait3A_389 = tpu.memref_slice %arg3[%add3A_179, %add3A_183, %dma_wait3A_388] : memref<40x8x128xi32, #tpu.memory_space<hbm>> -> memref<1x1x128xi32, #tpu.memory_space<hbm>>
    %dma_wait3A_390 = tpu.memref_squeeze %dma_wait3A_389 : memref<1x1x128xi32, #tpu.memory_space<hbm>> -> memref<128xi32, #tpu.memory_space<hbm>>
    %dma_wait3A_391 = arith.constant 128 : i32
    %dma_wait3A_392 = tpu.memref_slice %arg8[%dma_wait3A_391] : memref<1024xi32, #tpu.memory_space<vmem>> -> memref<128xi32, #tpu.memory_space<vmem>>
    %dma_wait3A_393 = arith.constant 0 : i32
    %dma_wait3A_394 = tpu.memref_slice %arg3[%add3A_179, %add3A_183, %dma_wait3A_393] : memref<40x8x128xi32, #tpu.memory_space<hbm>> -> memref<1x1x128xi32, #tpu.memory_space<hbm>>
    %dma_wait3A_395 = tpu.memref_squeeze %dma_wait3A_394 : memref<1x1x128xi32, #tpu.memory_space<hbm>> -> memref<128xi32, #tpu.memory_space<hbm>>
    tpu.wait_dma2 semaphore(%arg16 : memref<!tpu.dma_semaphore, #tpu.memory_space<semaphore_mem>>) src(%dma_wait3A_395 : memref<128xi32, #tpu.memory_space<hbm>>) dst(%dma_wait3A_392 : memref<128xi32, #tpu.memory_space<vmem>>)
    %dma_wait3A_396 = arith.constant 256 : i32
    %dma_wait3A_397 = tpu.memref_slice %arg8[%dma_wait3A_396] : memref<1024xi32, #tpu.memory_space<vmem>> -> memref<128xi32, #tpu.memory_space<vmem>>
    %dma_wait3A_398 = arith.constant 0 : i32
    %dma_wait3A_399 = tpu.memref_slice %arg3[%add3A_195, %add3A_199, %dma_wait3A_398] : memref<40x8x128xi32, #tpu.memory_space<hbm>> -> memref<1x1x128xi32, #tpu.memory_space<hbm>>
    %dma_wait3A_400 = tpu.memref_squeeze %dma_wait3A_399 : memref<1x1x128xi32, #tpu.memory_space<hbm>> -> memref<128xi32, #tpu.memory_space<hbm>>
    %dma_wait3A_401 = arith.constant 256 : i32
    %dma_wait3A_402 = tpu.memref_slice %arg8[%dma_wait3A_401] : memref<1024xi32, #tpu.memory_space<vmem>> -> memref<128xi32, #tpu.memory_space<vmem>>
    %dma_wait3A_403 = arith.constant 0 : i32
    %dma_wait3A_404 = tpu.memref_slice %arg3[%add3A_195, %add3A_199, %dma_wait3A_403] : memref<40x8x128xi32, #tpu.memory_space<hbm>> -> memref<1x1x128xi32, #tpu.memory_space<hbm>>
    %dma_wait3A_405 = tpu.memref_squeeze %dma_wait3A_404 : memref<1x1x128xi32, #tpu.memory_space<hbm>> -> memref<128xi32, #tpu.memory_space<hbm>>
    tpu.wait_dma2 semaphore(%arg16 : memref<!tpu.dma_semaphore, #tpu.memory_space<semaphore_mem>>) src(%dma_wait3A_405 : memref<128xi32, #tpu.memory_space<hbm>>) dst(%dma_wait3A_402 : memref<128xi32, #tpu.memory_space<vmem>>)
    %dma_wait3A_406 = arith.constant 384 : i32
    %dma_wait3A_407 = tpu.memref_slice %arg8[%dma_wait3A_406] : memref<1024xi32, #tpu.memory_space<vmem>> -> memref<128xi32, #tpu.memory_space<vmem>>
    %dma_wait3A_408 = arith.constant 0 : i32
    %dma_wait3A_409 = tpu.memref_slice %arg3[%add3A_211, %add3A_215, %dma_wait3A_408] : memref<40x8x128xi32, #tpu.memory_space<hbm>> -> memref<1x1x128xi32, #tpu.memory_space<hbm>>
    %dma_wait3A_410 = tpu.memref_squeeze %dma_wait3A_409 : memref<1x1x128xi32, #tpu.memory_space<hbm>> -> memref<128xi32, #tpu.memory_space<hbm>>
    %dma_wait3A_411 = arith.constant 384 : i32
    %dma_wait3A_412 = tpu.memref_slice %arg8[%dma_wait3A_411] : memref<1024xi32, #tpu.memory_space<vmem>> -> memref<128xi32, #tpu.memory_space<vmem>>
    %dma_wait3A_413 = arith.constant 0 : i32
    %dma_wait3A_414 = tpu.memref_slice %arg3[%add3A_211, %add3A_215, %dma_wait3A_413] : memref<40x8x128xi32, #tpu.memory_space<hbm>> -> memref<1x1x128xi32, #tpu.memory_space<hbm>>
    %dma_wait3A_415 = tpu.memref_squeeze %dma_wait3A_414 : memref<1x1x128xi32, #tpu.memory_space<hbm>> -> memref<128xi32, #tpu.memory_space<hbm>>
    tpu.wait_dma2 semaphore(%arg16 : memref<!tpu.dma_semaphore, #tpu.memory_space<semaphore_mem>>) src(%dma_wait3A_415 : memref<128xi32, #tpu.memory_space<hbm>>) dst(%dma_wait3A_412 : memref<128xi32, #tpu.memory_space<vmem>>)
    %dma_wait3A_416 = arith.constant 512 : i32
    %dma_wait3A_417 = tpu.memref_slice %arg8[%dma_wait3A_416] : memref<1024xi32, #tpu.memory_space<vmem>> -> memref<128xi32, #tpu.memory_space<vmem>>
    %dma_wait3A_418 = arith.constant 0 : i32
    %dma_wait3A_419 = tpu.memref_slice %arg3[%add3A_227, %add3A_231, %dma_wait3A_418] : memref<40x8x128xi32, #tpu.memory_space<hbm>> -> memref<1x1x128xi32, #tpu.memory_space<hbm>>
    %dma_wait3A_420 = tpu.memref_squeeze %dma_wait3A_419 : memref<1x1x128xi32, #tpu.memory_space<hbm>> -> memref<128xi32, #tpu.memory_space<hbm>>
    %dma_wait3A_421 = arith.constant 512 : i32
    %dma_wait3A_422 = tpu.memref_slice %arg8[%dma_wait3A_421] : memref<1024xi32, #tpu.memory_space<vmem>> -> memref<128xi32, #tpu.memory_space<vmem>>
    %dma_wait3A_423 = arith.constant 0 : i32
    %dma_wait3A_424 = tpu.memref_slice %arg3[%add3A_227, %add3A_231, %dma_wait3A_423] : memref<40x8x128xi32, #tpu.memory_space<hbm>> -> memref<1x1x128xi32, #tpu.memory_space<hbm>>
    %dma_wait3A_425 = tpu.memref_squeeze %dma_wait3A_424 : memref<1x1x128xi32, #tpu.memory_space<hbm>> -> memref<128xi32, #tpu.memory_space<hbm>>
    tpu.wait_dma2 semaphore(%arg16 : memref<!tpu.dma_semaphore, #tpu.memory_space<semaphore_mem>>) src(%dma_wait3A_425 : memref<128xi32, #tpu.memory_space<hbm>>) dst(%dma_wait3A_422 : memref<128xi32, #tpu.memory_space<vmem>>)
    %dma_wait3A_426 = arith.constant 640 : i32
    %dma_wait3A_427 = tpu.memref_slice %arg8[%dma_wait3A_426] : memref<1024xi32, #tpu.memory_space<vmem>> -> memref<128xi32, #tpu.memory_space<vmem>>
    %dma_wait3A_428 = arith.constant 0 : i32
    %dma_wait3A_429 = tpu.memref_slice %arg3[%add3A_243, %add3A_247, %dma_wait3A_428] : memref<40x8x128xi32, #tpu.memory_space<hbm>> -> memref<1x1x128xi32, #tpu.memory_space<hbm>>
    %dma_wait3A_430 = tpu.memref_squeeze %dma_wait3A_429 : memref<1x1x128xi32, #tpu.memory_space<hbm>> -> memref<128xi32, #tpu.memory_space<hbm>>
    %dma_wait3A_431 = arith.constant 640 : i32
    %dma_wait3A_432 = tpu.memref_slice %arg8[%dma_wait3A_431] : memref<1024xi32, #tpu.memory_space<vmem>> -> memref<128xi32, #tpu.memory_space<vmem>>
    %dma_wait3A_433 = arith.constant 0 : i32
    %dma_wait3A_434 = tpu.memref_slice %arg3[%add3A_243, %add3A_247, %dma_wait3A_433] : memref<40x8x128xi32, #tpu.memory_space<hbm>> -> memref<1x1x128xi32, #tpu.memory_space<hbm>>
    %dma_wait3A_435 = tpu.memref_squeeze %dma_wait3A_434 : memref<1x1x128xi32, #tpu.memory_space<hbm>> -> memref<128xi32, #tpu.memory_space<hbm>>
    tpu.wait_dma2 semaphore(%arg16 : memref<!tpu.dma_semaphore, #tpu.memory_space<semaphore_mem>>) src(%dma_wait3A_435 : memref<128xi32, #tpu.memory_space<hbm>>) dst(%dma_wait3A_432 : memref<128xi32, #tpu.memory_space<vmem>>)
    %dma_wait3A_436 = arith.constant 768 : i32
    %dma_wait3A_437 = tpu.memref_slice %arg8[%dma_wait3A_436] : memref<1024xi32, #tpu.memory_space<vmem>> -> memref<128xi32, #tpu.memory_space<vmem>>
    %dma_wait3A_438 = arith.constant 0 : i32
    %dma_wait3A_439 = tpu.memref_slice %arg3[%add3A_259, %add3A_263, %dma_wait3A_438] : memref<40x8x128xi32, #tpu.memory_space<hbm>> -> memref<1x1x128xi32, #tpu.memory_space<hbm>>
    %dma_wait3A_440 = tpu.memref_squeeze %dma_wait3A_439 : memref<1x1x128xi32, #tpu.memory_space<hbm>> -> memref<128xi32, #tpu.memory_space<hbm>>
    %dma_wait3A_441 = arith.constant 768 : i32
    %dma_wait3A_442 = tpu.memref_slice %arg8[%dma_wait3A_441] : memref<1024xi32, #tpu.memory_space<vmem>> -> memref<128xi32, #tpu.memory_space<vmem>>
    %dma_wait3A_443 = arith.constant 0 : i32
    %dma_wait3A_444 = tpu.memref_slice %arg3[%add3A_259, %add3A_263, %dma_wait3A_443] : memref<40x8x128xi32, #tpu.memory_space<hbm>> -> memref<1x1x128xi32, #tpu.memory_space<hbm>>
    %dma_wait3A_445 = tpu.memref_squeeze %dma_wait3A_444 : memref<1x1x128xi32, #tpu.memory_space<hbm>> -> memref<128xi32, #tpu.memory_space<hbm>>
    tpu.wait_dma2 semaphore(%arg16 : memref<!tpu.dma_semaphore, #tpu.memory_space<semaphore_mem>>) src(%dma_wait3A_445 : memref<128xi32, #tpu.memory_space<hbm>>) dst(%dma_wait3A_442 : memref<128xi32, #tpu.memory_space<vmem>>)
    %dma_wait3A_446 = arith.constant 896 : i32
    %dma_wait3A_447 = tpu.memref_slice %arg8[%dma_wait3A_446] : memref<1024xi32, #tpu.memory_space<vmem>> -> memref<128xi32, #tpu.memory_space<vmem>>
    %dma_wait3A_448 = arith.constant 0 : i32
    %dma_wait3A_449 = tpu.memref_slice %arg3[%add3A_275, %add3A_279, %dma_wait3A_448] : memref<40x8x128xi32, #tpu.memory_space<hbm>> -> memref<1x1x128xi32, #tpu.memory_space<hbm>>
    %dma_wait3A_450 = tpu.memref_squeeze %dma_wait3A_449 : memref<1x1x128xi32, #tpu.memory_space<hbm>> -> memref<128xi32, #tpu.memory_space<hbm>>
    %dma_wait3A_451 = arith.constant 896 : i32
    %dma_wait3A_452 = tpu.memref_slice %arg8[%dma_wait3A_451] : memref<1024xi32, #tpu.memory_space<vmem>> -> memref<128xi32, #tpu.memory_space<vmem>>
    %dma_wait3A_453 = arith.constant 0 : i32
    %dma_wait3A_454 = tpu.memref_slice %arg3[%add3A_275, %add3A_279, %dma_wait3A_453] : memref<40x8x128xi32, #tpu.memory_space<hbm>> -> memref<1x1x128xi32, #tpu.memory_space<hbm>>
    %dma_wait3A_455 = tpu.memref_squeeze %dma_wait3A_454 : memref<1x1x128xi32, #tpu.memory_space<hbm>> -> memref<128xi32, #tpu.memory_space<hbm>>
    tpu.wait_dma2 semaphore(%arg16 : memref<!tpu.dma_semaphore, #tpu.memory_space<semaphore_mem>>) src(%dma_wait3A_455 : memref<128xi32, #tpu.memory_space<hbm>>) dst(%dma_wait3A_452 : memref<128xi32, #tpu.memory_space<vmem>>)
    %scan3A_456 = arith.constant 0 : i32
    %scan3A_457 = arith.constant 0 : i32
    %scan3A_458 = arith.constant 64 : i32
    %scan3A_459 = arith.addi %scan3A_457, %scan3A_458 : i32
    %scan3A_460 = arith.constant 1 : i32
    scf.for %scan3A_1577 = %scan3A_457 to %scan3A_459 step %scan3A_460  : i32 {
      %mul3A_1578 = arith.constant 16 : i32
      %mul3A_1579 = arith.muli %scan3A_1577, %mul3A_1578 : i32
      %get3A = arith.index_cast %mul3A_1579 : i32 to index
      %get3A_1580 = tpu.vector_load %arg8[%get3A] {strides = array<i32>} : memref<1024xi32, #tpu.memory_space<vmem>>, vector<16xi32>,
      %shift_right_arithmetic3A = arith.constant 7 : i32
      %shift_right_arithmetic3A_1581 = vector.broadcast %shift_right_arithmetic3A : i32 to vector<16xi32>
      %shift_right_arithmetic3A_1582 = arith.shrsi %get3A_1580, %shift_right_arithmetic3A_1581 : vector<16xi32>
      %shift_left3A = arith.constant 10 : i32
      %shift_left3A_1583 = vector.broadcast %shift_left3A : i32 to vector<16xi32>
      %shift_left3A_1584 = arith.shli %shift_right_arithmetic3A_1582, %shift_left3A_1583 : vector<16xi32>
      %and3A_1585 = arith.constant 127 : i32
      %and3A_1586 = vector.broadcast %and3A_1585 : i32 to vector<16xi32>
      %and3A_1587 = arith.andi %get3A_1580, %and3A_1586 : vector<16xi32>
      %add3A_1588 = arith.addi %shift_left3A_1584, %and3A_1587 : vector<16xi32>
      %and3A_1589 = arith.constant 31 : i32
      %and3A_1590 = arith.andi %scan3A_1577, %and3A_1589 : i32
      %shift_left3A_1591 = arith.constant 4 : i32
      %shift_left3A_1592 = arith.shli %and3A_1590, %shift_left3A_1591 : i32
      %shift_right_arithmetic3A_1593 = arith.constant 5 : i32
      %shift_right_arithmetic3A_1594 = arith.shrsi %scan3A_1577, %shift_right_arithmetic3A_1593 : i32
      %mul3A_1595 = arith.constant 3072 : i32
      %mul3A_1596 = arith.muli %shift_right_arithmetic3A_1594, %mul3A_1595 : i32
      %add3A_1597 = arith.addi %shift_left3A_1592, %mul3A_1596 : i32
      %add3A_1598 = arith.constant 0 : i32
      %add3A_1599 = vector.broadcast %add3A_1598 : i32 to vector<16xi32>
      %add3A_1600 = arith.addi %add3A_1588, %add3A_1599 : vector<16xi32>
      %add3A_1601 = arith.constant 0 : i32
      %add3A_1602 = arith.addi %add3A_1597, %add3A_1601 : i32
      %swap3A = arith.index_cast %add3A_1602 : i32 to index
      %swap3A_1603 = tpu.vector_load %arg10[%swap3A] {strides = array<i32>} : memref<6144xi32, #tpu.memory_space<vmem>>, vector<16xi32>,
      tpu.vector_store %arg10[%swap3A], %add3A_1600 {strides = array<i32>} : memref<6144xi32, #tpu.memory_space<vmem>>, vector<16xi32>,
      %add3A_1604 = arith.constant 128 : i32
      %add3A_1605 = vector.broadcast %add3A_1604 : i32 to vector<16xi32>
      %add3A_1606 = arith.addi %add3A_1588, %add3A_1605 : vector<16xi32>
      %add3A_1607 = arith.constant 512 : i32
      %add3A_1608 = arith.addi %add3A_1597, %add3A_1607 : i32
      %swap3A_1609 = arith.index_cast %add3A_1608 : i32 to index
      %swap3A_1610 = tpu.vector_load %arg10[%swap3A_1609] {strides = array<i32>} : memref<6144xi32, #tpu.memory_space<vmem>>, vector<16xi32>,
      tpu.vector_store %arg10[%swap3A_1609], %add3A_1606 {strides = array<i32>} : memref<6144xi32, #tpu.memory_space<vmem>>, vector<16xi32>,
      %add3A_1611 = arith.constant 256 : i32
      %add3A_1612 = vector.broadcast %add3A_1611 : i32 to vector<16xi32>
      %add3A_1613 = arith.addi %add3A_1588, %add3A_1612 : vector<16xi32>
      %add3A_1614 = arith.constant 1024 : i32
      %add3A_1615 = arith.addi %add3A_1597, %add3A_1614 : i32
      %swap3A_1616 = arith.index_cast %add3A_1615 : i32 to index
      %swap3A_1617 = tpu.vector_load %arg10[%swap3A_1616] {strides = array<i32>} : memref<6144xi32, #tpu.memory_space<vmem>>, vector<16xi32>,
      tpu.vector_store %arg10[%swap3A_1616], %add3A_1613 {strides = array<i32>} : memref<6144xi32, #tpu.memory_space<vmem>>, vector<16xi32>,
      %add3A_1618 = arith.constant 384 : i32
      %add3A_1619 = vector.broadcast %add3A_1618 : i32 to vector<16xi32>
      %add3A_1620 = arith.addi %add3A_1588, %add3A_1619 : vector<16xi32>
      %add3A_1621 = arith.constant 1536 : i32
      %add3A_1622 = arith.addi %add3A_1597, %add3A_1621 : i32
      %swap3A_1623 = arith.index_cast %add3A_1622 : i32 to index
      %swap3A_1624 = tpu.vector_load %arg10[%swap3A_1623] {strides = array<i32>} : memref<6144xi32, #tpu.memory_space<vmem>>, vector<16xi32>,
      tpu.vector_store %arg10[%swap3A_1623], %add3A_1620 {strides = array<i32>} : memref<6144xi32, #tpu.memory_space<vmem>>, vector<16xi32>,
      %add3A_1625 = arith.constant 512 : i32
      %add3A_1626 = vector.broadcast %add3A_1625 : i32 to vector<16xi32>
      %add3A_1627 = arith.addi %add3A_1588, %add3A_1626 : vector<16xi32>
      %add3A_1628 = arith.constant 2048 : i32
      %add3A_1629 = arith.addi %add3A_1597, %add3A_1628 : i32
      %swap3A_1630 = arith.index_cast %add3A_1629 : i32 to index
      %swap3A_1631 = tpu.vector_load %arg10[%swap3A_1630] {strides = array<i32>} : memref<6144xi32, #tpu.memory_space<vmem>>, vector<16xi32>,
      tpu.vector_store %arg10[%swap3A_1630], %add3A_1627 {strides = array<i32>} : memref<6144xi32, #tpu.memory_space<vmem>>, vector<16xi32>,
      %add3A_1632 = arith.constant 640 : i32
      %add3A_1633 = vector.broadcast %add3A_1632 : i32 to vector<16xi32>
      %add3A_1634 = arith.addi %add3A_1588, %add3A_1633 : vector<16xi32>
      %add3A_1635 = arith.constant 2560 : i32
      %add3A_1636 = arith.addi %add3A_1597, %add3A_1635 : i32
      %swap3A_1637 = arith.index_cast %add3A_1636 : i32 to index
      %swap3A_1638 = tpu.vector_load %arg10[%swap3A_1637] {strides = array<i32>} : memref<6144xi32, #tpu.memory_space<vmem>>, vector<16xi32>,
      tpu.vector_store %arg10[%swap3A_1637], %add3A_1634 {strides = array<i32>} : memref<6144xi32, #tpu.memory_space<vmem>>, vector<16xi32>,
    }
    %scan3A_461 = arith.constant 64 : i32
    %dma_start3A_462 = arith.constant 0 : i32
    %dma_start3A_463 = tpu.memref_slice %arg4[%dma_start3A_462] : memref<512000xf32, #tpu.memory_space<hbm>> -> memref<512000xf32, #tpu.memory_space<hbm>>
    tpu.enqueue_indirect_dma source(%dma_start3A_463 : memref<512000xf32, #tpu.memory_space<hbm>>) target(%arg12 : memref<6144xf32, #tpu.memory_space<vmem>>) offsets(%arg10 : memref<6144xi32, #tpu.memory_space<vmem>>) semaphore(%arg18 : memref<!tpu.dma_semaphore, #tpu.memory_space<semaphore_mem>>)
    %dma_wait3A_464 = arith.constant 0 : i32
    %dma_wait3A_465 = tpu.memref_slice %arg4[%dma_wait3A_464] : memref<512000xf32, #tpu.memory_space<hbm>> -> memref<512000xf32, #tpu.memory_space<hbm>>
    tpu.wait_indirect_dma semaphore(%arg17 : memref<!tpu.dma_semaphore, #tpu.memory_space<semaphore_mem>>) src(%dma_wait3A_465 : memref<512000xf32, #tpu.memory_space<hbm>>) dst(%arg11 : memref<6144xf32, #tpu.memory_space<vmem>>)
    %parallel_loop3A = arith.constant 0 : i32
    %parallel_loop3A_466 = arith.constant 192 : i32
    %parallel_loop3A_467 = arith.constant 1 : i32
    scf.for %parallel_loop3A_1577 = %parallel_loop3A to %parallel_loop3A_466 step %parallel_loop3A_467  : i32 {
      %parallel_loop3A_1578 = arith.constant 16 : i32
      %parallel_loop3A_1579 = arith.muli %parallel_loop3A_1577, %parallel_loop3A_1578 : i32
      %parallel_loop3A_1580 = arith.index_cast %parallel_loop3A_1579 : i32 to index
      %parallel_loop3A_1581 = tpu.vector_load %arg11[%parallel_loop3A_1580] {strides = array<i32>} : memref<6144xf32, #tpu.memory_space<vmem>>, vector<16xf32>,
      %parallel_loop3A_1582 = arith.constant 16 : i32
      %parallel_loop3A_1583 = arith.muli %parallel_loop3A_1577, %parallel_loop3A_1582 : i32
      %parallel_loop3A_1584 = arith.constant 3072 : i32
      %parallel_loop3A_1585 = arith.addi %parallel_loop3A_1584, %parallel_loop3A_1583 : i32
      %parallel_loop3A_1586 = arith.index_cast %parallel_loop3A_1585 : i32 to index
      %parallel_loop3A_1587 = tpu.vector_load %arg11[%parallel_loop3A_1586] {strides = array<i32>} : memref<6144xf32, #tpu.memory_space<vmem>>, vector<16xf32>,
      %parallel_loop3A_1588 = vector.bitcast %parallel_loop3A_1581 : vector<16xf32> to vector<16xi32>
      %parallel_loop3A_1589 = arith.constant 2147483647 : i32
      %parallel_loop3A_1590 = vector.broadcast %parallel_loop3A_1589 : i32 to vector<16xi32>
      %parallel_loop3A_1591 = arith.andi %parallel_loop3A_1588, %parallel_loop3A_1590 : vector<16xi32>
      %parallel_loop3A_1592 = arith.constant 13 : i32
      %parallel_loop3A_1593 = vector.broadcast %parallel_loop3A_1592 : i32 to vector<16xi32>
      %parallel_loop3A_1594 = arith.shrsi %parallel_loop3A_1591, %parallel_loop3A_1593 : vector<16xi32>
      %parallel_loop3A_1595 = arith.constant 114688 : i32
      %parallel_loop3A_1596 = vector.broadcast %parallel_loop3A_1595 : i32 to vector<16xi32>
      %parallel_loop3A_1597 = arith.subi %parallel_loop3A_1594, %parallel_loop3A_1596 : vector<16xi32>
      %parallel_loop3A_1598 = arith.constant 12 : i32
      %parallel_loop3A_1599 = vector.broadcast %parallel_loop3A_1598 : i32 to vector<16xi32>
      %parallel_loop3A_1600 = arith.shrsi %parallel_loop3A_1588, %parallel_loop3A_1599 : vector<16xi32>
      %parallel_loop3A_1601 = arith.constant 1 : i32
      %parallel_loop3A_1602 = vector.broadcast %parallel_loop3A_1601 : i32 to vector<16xi32>
      %parallel_loop3A_1603 = arith.andi %parallel_loop3A_1600, %parallel_loop3A_1602 : vector<16xi32>
      %parallel_loop3A_1604 = arith.addi %parallel_loop3A_1597, %parallel_loop3A_1603 : vector<16xi32>
      %parallel_loop3A_1605 = arith.constant 947912704 : i32
      %parallel_loop3A_1606 = vector.broadcast %parallel_loop3A_1605 : i32 to vector<16xi32>
      %parallel_loop3A_1607 = arith.cmpi sge, %parallel_loop3A_1591, %parallel_loop3A_1606 : vector<16xi32>
      %parallel_loop3A_1608 = arith.constant 0 : i32
      %parallel_loop3A_1609 = vector.broadcast %parallel_loop3A_1608 : i32 to vector<16xi32>
      %parallel_loop3A_1610 = arith.select %parallel_loop3A_1607, %parallel_loop3A_1604, %parallel_loop3A_1609 : vector<16xi1>, vector<16xi32>
      %parallel_loop3A_1611 = arith.constant 16 : i32
      %parallel_loop3A_1612 = vector.broadcast %parallel_loop3A_1611 : i32 to vector<16xi32>
      %parallel_loop3A_1613 = arith.shrsi %parallel_loop3A_1588, %parallel_loop3A_1612 : vector<16xi32>
      %parallel_loop3A_1614 = arith.constant 32768 : i32
      %parallel_loop3A_1615 = vector.broadcast %parallel_loop3A_1614 : i32 to vector<16xi32>
      %parallel_loop3A_1616 = arith.andi %parallel_loop3A_1613, %parallel_loop3A_1615 : vector<16xi32>
      %parallel_loop3A_1617 = arith.ori %parallel_loop3A_1616, %parallel_loop3A_1610 : vector<16xi32>
      %parallel_loop3A_1618 = vector.bitcast %parallel_loop3A_1587 : vector<16xf32> to vector<16xi32>
      %parallel_loop3A_1619 = arith.constant 2147483647 : i32
      %parallel_loop3A_1620 = vector.broadcast %parallel_loop3A_1619 : i32 to vector<16xi32>
      %parallel_loop3A_1621 = arith.andi %parallel_loop3A_1618, %parallel_loop3A_1620 : vector<16xi32>
      %parallel_loop3A_1622 = arith.constant 13 : i32
      %parallel_loop3A_1623 = vector.broadcast %parallel_loop3A_1622 : i32 to vector<16xi32>
      %parallel_loop3A_1624 = arith.shrsi %parallel_loop3A_1621, %parallel_loop3A_1623 : vector<16xi32>
      %parallel_loop3A_1625 = arith.constant 114688 : i32
      %parallel_loop3A_1626 = vector.broadcast %parallel_loop3A_1625 : i32 to vector<16xi32>
      %parallel_loop3A_1627 = arith.subi %parallel_loop3A_1624, %parallel_loop3A_1626 : vector<16xi32>
      %parallel_loop3A_1628 = arith.constant 12 : i32
      %parallel_loop3A_1629 = vector.broadcast %parallel_loop3A_1628 : i32 to vector<16xi32>
      %parallel_loop3A_1630 = arith.shrsi %parallel_loop3A_1618, %parallel_loop3A_1629 : vector<16xi32>
      %parallel_loop3A_1631 = arith.constant 1 : i32
      %parallel_loop3A_1632 = vector.broadcast %parallel_loop3A_1631 : i32 to vector<16xi32>
      %parallel_loop3A_1633 = arith.andi %parallel_loop3A_1630, %parallel_loop3A_1632 : vector<16xi32>
      %parallel_loop3A_1634 = arith.addi %parallel_loop3A_1627, %parallel_loop3A_1633 : vector<16xi32>
      %parallel_loop3A_1635 = arith.constant 947912704 : i32
      %parallel_loop3A_1636 = vector.broadcast %parallel_loop3A_1635 : i32 to vector<16xi32>
      %parallel_loop3A_1637 = arith.cmpi sge, %parallel_loop3A_1621, %parallel_loop3A_1636 : vector<16xi32>
      %parallel_loop3A_1638 = arith.constant 0 : i32
      %parallel_loop3A_1639 = vector.broadcast %parallel_loop3A_1638 : i32 to vector<16xi32>
      %parallel_loop3A_1640 = arith.select %parallel_loop3A_1637, %parallel_loop3A_1634, %parallel_loop3A_1639 : vector<16xi1>, vector<16xi32>
      %parallel_loop3A_1641 = arith.constant 16 : i32
      %parallel_loop3A_1642 = vector.broadcast %parallel_loop3A_1641 : i32 to vector<16xi32>
      %parallel_loop3A_1643 = arith.shrsi %parallel_loop3A_1618, %parallel_loop3A_1642 : vector<16xi32>
      %parallel_loop3A_1644 = arith.constant 32768 : i32
      %parallel_loop3A_1645 = vector.broadcast %parallel_loop3A_1644 : i32 to vector<16xi32>
      %parallel_loop3A_1646 = arith.andi %parallel_loop3A_1643, %parallel_loop3A_1645 : vector<16xi32>
      %parallel_loop3A_1647 = arith.ori %parallel_loop3A_1646, %parallel_loop3A_1640 : vector<16xi32>
      %parallel_loop3A_1648 = arith.constant 16 : i32
      %parallel_loop3A_1649 = vector.broadcast %parallel_loop3A_1648 : i32 to vector<16xi32>
      %parallel_loop3A_1650 = arith.shli %parallel_loop3A_1647, %parallel_loop3A_1649 : vector<16xi32>
      %parallel_loop3A_1651 = arith.ori %parallel_loop3A_1617, %parallel_loop3A_1650 : vector<16xi32>
      %parallel_loop3A_1652 = arith.constant 16 : i32
      %parallel_loop3A_1653 = arith.muli %parallel_loop3A_1577, %parallel_loop3A_1652 : i32
      %parallel_loop3A_1654 = arith.index_cast %parallel_loop3A_1653 : i32 to index
      %parallel_loop3A_1655 = tpu.vector_load %arg13[%parallel_loop3A_1654] {strides = array<i32>} : memref<3072xi32, #tpu.memory_space<vmem>>, vector<16xi32>,
      tpu.vector_store %arg13[%parallel_loop3A_1654], %parallel_loop3A_1651 {strides = array<i32>} : memref<3072xi32, #tpu.memory_space<vmem>>, vector<16xi32>,
    } {sc.loop_unroll_factor = 4 : i64, sc.parallel_access}
    %mul3A_468 = arith.constant 4 : i32
    %mul3A_469 = arith.muli %mul3A_468, %select_n3A_30 : i32
    %add3A_470 = arith.constant 0 : i32
    %add3A_471 = arith.addi %mul3A_469, %add3A_470 : i32
    %mul3A_472 = arith.constant 512 : i32
    %mul3A_473 = arith.muli %add3A_471, %mul3A_472 : i32
    %add3A_474 = arith.constant 0 : i32
    %add3A_475 = arith.addi %add3A_474, %mul3A_473 : i32
    %mul3A_476 = arith.constant 128 : i32
    %mul3A_477 = arith.muli %select_n3A, %mul3A_476 : i32
    %add3A_478 = arith.addi %add3A_475, %mul3A_477 : i32
    %dma_start3A_479 = arith.constant 0 : i32
    %dma_start3A_480 = tpu.memref_slice %arg13[%dma_start3A_479] : memref<3072xi32, #tpu.memory_space<vmem>> -> memref<128xi32, #tpu.memory_space<vmem>>
    %dma_start3A_481 = tpu.memref_slice %arg5[%add3A_478] : memref<98304xi32, #tpu.memory_space<hbm>> -> memref<128xi32, #tpu.memory_space<hbm>>
    %dma_start3A_482 = tpu.memref_slice %arg5[%add3A_478] : memref<98304xi32, #tpu.memory_space<hbm>> -> memref<128xi32, #tpu.memory_space<hbm>>
    %dma_start3A_483 = arith.constant 0 : i32
    %dma_start3A_484 = tpu.memref_slice %arg13[%dma_start3A_483] : memref<3072xi32, #tpu.memory_space<vmem>> -> memref<128xi32, #tpu.memory_space<vmem>>
    tpu.enqueue_dma source(%dma_start3A_484 : memref<128xi32, #tpu.memory_space<vmem>>) target(%dma_start3A_482 : memref<128xi32, #tpu.memory_space<hbm>>) target_semaphore(%arg19 : memref<!tpu.dma_semaphore, #tpu.memory_space<semaphore_mem>>)
    %mul3A_485 = arith.constant 4 : i32
    %mul3A_486 = arith.muli %mul3A_485, %select_n3A_30 : i32
    %add3A_487 = arith.constant 1 : i32
    %add3A_488 = arith.addi %mul3A_486, %add3A_487 : i32
    %mul3A_489 = arith.constant 512 : i32
    %mul3A_490 = arith.muli %add3A_488, %mul3A_489 : i32
    %add3A_491 = arith.constant 0 : i32
    %add3A_492 = arith.addi %add3A_491, %mul3A_490 : i32
    %mul3A_493 = arith.constant 128 : i32
    %mul3A_494 = arith.muli %select_n3A, %mul3A_493 : i32
    %add3A_495 = arith.addi %add3A_492, %mul3A_494 : i32
    %dma_start3A_496 = arith.constant 128 : i32
    %dma_start3A_497 = tpu.memref_slice %arg13[%dma_start3A_496] : memref<3072xi32, #tpu.memory_space<vmem>> -> memref<128xi32, #tpu.memory_space<vmem>>
    %dma_start3A_498 = tpu.memref_slice %arg5[%add3A_495] : memref<98304xi32, #tpu.memory_space<hbm>> -> memref<128xi32, #tpu.memory_space<hbm>>
    %dma_start3A_499 = tpu.memref_slice %arg5[%add3A_495] : memref<98304xi32, #tpu.memory_space<hbm>> -> memref<128xi32, #tpu.memory_space<hbm>>
    %dma_start3A_500 = arith.constant 128 : i32
    %dma_start3A_501 = tpu.memref_slice %arg13[%dma_start3A_500] : memref<3072xi32, #tpu.memory_space<vmem>> -> memref<128xi32, #tpu.memory_space<vmem>>
    tpu.enqueue_dma source(%dma_start3A_501 : memref<128xi32, #tpu.memory_space<vmem>>) target(%dma_start3A_499 : memref<128xi32, #tpu.memory_space<hbm>>) target_semaphore(%arg19 : memref<!tpu.dma_semaphore, #tpu.memory_space<semaphore_mem>>)
    %mul3A_502 = arith.constant 4 : i32
    %mul3A_503 = arith.muli %mul3A_502, %select_n3A_30 : i32
    %add3A_504 = arith.constant 2 : i32
    %add3A_505 = arith.addi %mul3A_503, %add3A_504 : i32
    %mul3A_506 = arith.constant 512 : i32
    %mul3A_507 = arith.muli %add3A_505, %mul3A_506 : i32
    %add3A_508 = arith.constant 0 : i32
    %add3A_509 = arith.addi %add3A_508, %mul3A_507 : i32
    %mul3A_510 = arith.constant 128 : i32
    %mul3A_511 = arith.muli %select_n3A, %mul3A_510 : i32
    %add3A_512 = arith.addi %add3A_509, %mul3A_511 : i32
    %dma_start3A_513 = arith.constant 256 : i32
    %dma_start3A_514 = tpu.memref_slice %arg13[%dma_start3A_513] : memref<3072xi32, #tpu.memory_space<vmem>> -> memref<128xi32, #tpu.memory_space<vmem>>
    %dma_start3A_515 = tpu.memref_slice %arg5[%add3A_512] : memref<98304xi32, #tpu.memory_space<hbm>> -> memref<128xi32, #tpu.memory_space<hbm>>
    %dma_start3A_516 = tpu.memref_slice %arg5[%add3A_512] : memref<98304xi32, #tpu.memory_space<hbm>> -> memref<128xi32, #tpu.memory_space<hbm>>
    %dma_start3A_517 = arith.constant 256 : i32
    %dma_start3A_518 = tpu.memref_slice %arg13[%dma_start3A_517] : memref<3072xi32, #tpu.memory_space<vmem>> -> memref<128xi32, #tpu.memory_space<vmem>>
    tpu.enqueue_dma source(%dma_start3A_518 : memref<128xi32, #tpu.memory_space<vmem>>) target(%dma_start3A_516 : memref<128xi32, #tpu.memory_space<hbm>>) target_semaphore(%arg19 : memref<!tpu.dma_semaphore, #tpu.memory_space<semaphore_mem>>)
    %mul3A_519 = arith.constant 4 : i32
    %mul3A_520 = arith.muli %mul3A_519, %select_n3A_30 : i32
    %add3A_521 = arith.constant 3 : i32
    %add3A_522 = arith.addi %mul3A_520, %add3A_521 : i32
    %mul3A_523 = arith.constant 512 : i32
    %mul3A_524 = arith.muli %add3A_522, %mul3A_523 : i32
    %add3A_525 = arith.constant 0 : i32
    %add3A_526 = arith.addi %add3A_525, %mul3A_524 : i32
    %mul3A_527 = arith.constant 128 : i32
    %mul3A_528 = arith.muli %select_n3A, %mul3A_527 : i32
    %add3A_529 = arith.addi %add3A_526, %mul3A_528 : i32
    %dma_start3A_530 = arith.constant 384 : i32
    %dma_start3A_531 = tpu.memref_slice %arg13[%dma_start3A_530] : memref<3072xi32, #tpu.memory_space<vmem>> -> memref<128xi32, #tpu.memory_space<vmem>>
    %dma_start3A_532 = tpu.memref_slice %arg5[%add3A_529] : memref<98304xi32, #tpu.memory_space<hbm>> -> memref<128xi32, #tpu.memory_space<hbm>>
    %dma_start3A_533 = tpu.memref_slice %arg5[%add3A_529] : memref<98304xi32, #tpu.memory_space<hbm>> -> memref<128xi32, #tpu.memory_space<hbm>>
    %dma_start3A_534 = arith.constant 384 : i32
    %dma_start3A_535 = tpu.memref_slice %arg13[%dma_start3A_534] : memref<3072xi32, #tpu.memory_space<vmem>> -> memref<128xi32, #tpu.memory_space<vmem>>
    tpu.enqueue_dma source(%dma_start3A_535 : memref<128xi32, #tpu.memory_space<vmem>>) target(%dma_start3A_533 : memref<128xi32, #tpu.memory_space<hbm>>) target_semaphore(%arg19 : memref<!tpu.dma_semaphore, #tpu.memory_space<semaphore_mem>>)
    %mul3A_536 = arith.constant 4 : i32
    %mul3A_537 = arith.muli %mul3A_536, %select_n3A_30 : i32
    %add3A_538 = arith.constant 0 : i32
    %add3A_539 = arith.addi %mul3A_537, %add3A_538 : i32
    %mul3A_540 = arith.constant 512 : i32
    %mul3A_541 = arith.muli %add3A_539, %mul3A_540 : i32
    %add3A_542 = arith.constant 16384 : i32
    %add3A_543 = arith.addi %add3A_542, %mul3A_541 : i32
    %mul3A_544 = arith.constant 128 : i32
    %mul3A_545 = arith.muli %select_n3A, %mul3A_544 : i32
    %add3A_546 = arith.addi %add3A_543, %mul3A_545 : i32
    %dma_start3A_547 = arith.constant 512 : i32
    %dma_start3A_548 = tpu.memref_slice %arg13[%dma_start3A_547] : memref<3072xi32, #tpu.memory_space<vmem>> -> memref<128xi32, #tpu.memory_space<vmem>>
    %dma_start3A_549 = tpu.memref_slice %arg5[%add3A_546] : memref<98304xi32, #tpu.memory_space<hbm>> -> memref<128xi32, #tpu.memory_space<hbm>>
    %dma_start3A_550 = tpu.memref_slice %arg5[%add3A_546] : memref<98304xi32, #tpu.memory_space<hbm>> -> memref<128xi32, #tpu.memory_space<hbm>>
    %dma_start3A_551 = arith.constant 512 : i32
    %dma_start3A_552 = tpu.memref_slice %arg13[%dma_start3A_551] : memref<3072xi32, #tpu.memory_space<vmem>> -> memref<128xi32, #tpu.memory_space<vmem>>
    tpu.enqueue_dma source(%dma_start3A_552 : memref<128xi32, #tpu.memory_space<vmem>>) target(%dma_start3A_550 : memref<128xi32, #tpu.memory_space<hbm>>) target_semaphore(%arg19 : memref<!tpu.dma_semaphore, #tpu.memory_space<semaphore_mem>>)
    %mul3A_553 = arith.constant 4 : i32
    %mul3A_554 = arith.muli %mul3A_553, %select_n3A_30 : i32
    %add3A_555 = arith.constant 1 : i32
    %add3A_556 = arith.addi %mul3A_554, %add3A_555 : i32
    %mul3A_557 = arith.constant 512 : i32
    %mul3A_558 = arith.muli %add3A_556, %mul3A_557 : i32
    %add3A_559 = arith.constant 16384 : i32
    %add3A_560 = arith.addi %add3A_559, %mul3A_558 : i32
    %mul3A_561 = arith.constant 128 : i32
    %mul3A_562 = arith.muli %select_n3A, %mul3A_561 : i32
    %add3A_563 = arith.addi %add3A_560, %mul3A_562 : i32
    %dma_start3A_564 = arith.constant 640 : i32
    %dma_start3A_565 = tpu.memref_slice %arg13[%dma_start3A_564] : memref<3072xi32, #tpu.memory_space<vmem>> -> memref<128xi32, #tpu.memory_space<vmem>>
    %dma_start3A_566 = tpu.memref_slice %arg5[%add3A_563] : memref<98304xi32, #tpu.memory_space<hbm>> -> memref<128xi32, #tpu.memory_space<hbm>>
    %dma_start3A_567 = tpu.memref_slice %arg5[%add3A_563] : memref<98304xi32, #tpu.memory_space<hbm>> -> memref<128xi32, #tpu.memory_space<hbm>>
    %dma_start3A_568 = arith.constant 640 : i32
    %dma_start3A_569 = tpu.memref_slice %arg13[%dma_start3A_568] : memref<3072xi32, #tpu.memory_space<vmem>> -> memref<128xi32, #tpu.memory_space<vmem>>
    tpu.enqueue_dma source(%dma_start3A_569 : memref<128xi32, #tpu.memory_space<vmem>>) target(%dma_start3A_567 : memref<128xi32, #tpu.memory_space<hbm>>) target_semaphore(%arg19 : memref<!tpu.dma_semaphore, #tpu.memory_space<semaphore_mem>>)
    %mul3A_570 = arith.constant 4 : i32
    %mul3A_571 = arith.muli %mul3A_570, %select_n3A_30 : i32
    %add3A_572 = arith.constant 2 : i32
    %add3A_573 = arith.addi %mul3A_571, %add3A_572 : i32
    %mul3A_574 = arith.constant 512 : i32
    %mul3A_575 = arith.muli %add3A_573, %mul3A_574 : i32
    %add3A_576 = arith.constant 16384 : i32
    %add3A_577 = arith.addi %add3A_576, %mul3A_575 : i32
    %mul3A_578 = arith.constant 128 : i32
    %mul3A_579 = arith.muli %select_n3A, %mul3A_578 : i32
    %add3A_580 = arith.addi %add3A_577, %mul3A_579 : i32
    %dma_start3A_581 = arith.constant 768 : i32
    %dma_start3A_582 = tpu.memref_slice %arg13[%dma_start3A_581] : memref<3072xi32, #tpu.memory_space<vmem>> -> memref<128xi32, #tpu.memory_space<vmem>>
    %dma_start3A_583 = tpu.memref_slice %arg5[%add3A_580] : memref<98304xi32, #tpu.memory_space<hbm>> -> memref<128xi32, #tpu.memory_space<hbm>>
    %dma_start3A_584 = tpu.memref_slice %arg5[%add3A_580] : memref<98304xi32, #tpu.memory_space<hbm>> -> memref<128xi32, #tpu.memory_space<hbm>>
    %dma_start3A_585 = arith.constant 768 : i32
    %dma_start3A_586 = tpu.memref_slice %arg13[%dma_start3A_585] : memref<3072xi32, #tpu.memory_space<vmem>> -> memref<128xi32, #tpu.memory_space<vmem>>
    tpu.enqueue_dma source(%dma_start3A_586 : memref<128xi32, #tpu.memory_space<vmem>>) target(%dma_start3A_584 : memref<128xi32, #tpu.memory_space<hbm>>) target_semaphore(%arg19 : memref<!tpu.dma_semaphore, #tpu.memory_space<semaphore_mem>>)
    %mul3A_587 = arith.constant 4 : i32
    %mul3A_588 = arith.muli %mul3A_587, %select_n3A_30 : i32
    %add3A_589 = arith.constant 3 : i32
    %add3A_590 = arith.addi %mul3A_588, %add3A_589 : i32
    %mul3A_591 = arith.constant 512 : i32
    %mul3A_592 = arith.muli %add3A_590, %mul3A_591 : i32
    %add3A_593 = arith.constant 16384 : i32
    %add3A_594 = arith.addi %add3A_593, %mul3A_592 : i32
    %mul3A_595 = arith.constant 128 : i32
    %mul3A_596 = arith.muli %select_n3A, %mul3A_595 : i32
    %add3A_597 = arith.addi %add3A_594, %mul3A_596 : i32
    %dma_start3A_598 = arith.constant 896 : i32
    %dma_start3A_599 = tpu.memref_slice %arg13[%dma_start3A_598] : memref<3072xi32, #tpu.memory_space<vmem>> -> memref<128xi32, #tpu.memory_space<vmem>>
    %dma_start3A_600 = tpu.memref_slice %arg5[%add3A_597] : memref<98304xi32, #tpu.memory_space<hbm>> -> memref<128xi32, #tpu.memory_space<hbm>>
    %dma_start3A_601 = tpu.memref_slice %arg5[%add3A_597] : memref<98304xi32, #tpu.memory_space<hbm>> -> memref<128xi32, #tpu.memory_space<hbm>>
    %dma_start3A_602 = arith.constant 896 : i32
    %dma_start3A_603 = tpu.memref_slice %arg13[%dma_start3A_602] : memref<3072xi32, #tpu.memory_space<vmem>> -> memref<128xi32, #tpu.memory_space<vmem>>
    tpu.enqueue_dma source(%dma_start3A_603 : memref<128xi32, #tpu.memory_space<vmem>>) target(%dma_start3A_601 : memref<128xi32, #tpu.memory_space<hbm>>) target_semaphore(%arg19 : memref<!tpu.dma_semaphore, #tpu.memory_space<semaphore_mem>>)
    %mul3A_604 = arith.constant 4 : i32
    %mul3A_605 = arith.muli %mul3A_604, %select_n3A_30 : i32
    %add3A_606 = arith.constant 0 : i32
    %add3A_607 = arith.addi %mul3A_605, %add3A_606 : i32
    %mul3A_608 = arith.constant 512 : i32
    %mul3A_609 = arith.muli %add3A_607, %mul3A_608 : i32
    %add3A_610 = arith.constant 32768 : i32
    %add3A_611 = arith.addi %add3A_610, %mul3A_609 : i32
    %mul3A_612 = arith.constant 128 : i32
    %mul3A_613 = arith.muli %select_n3A, %mul3A_612 : i32
    %add3A_614 = arith.addi %add3A_611, %mul3A_613 : i32
    %dma_start3A_615 = arith.constant 1024 : i32
    %dma_start3A_616 = tpu.memref_slice %arg13[%dma_start3A_615] : memref<3072xi32, #tpu.memory_space<vmem>> -> memref<128xi32, #tpu.memory_space<vmem>>
    %dma_start3A_617 = tpu.memref_slice %arg5[%add3A_614] : memref<98304xi32, #tpu.memory_space<hbm>> -> memref<128xi32, #tpu.memory_space<hbm>>
    %dma_start3A_618 = tpu.memref_slice %arg5[%add3A_614] : memref<98304xi32, #tpu.memory_space<hbm>> -> memref<128xi32, #tpu.memory_space<hbm>>
    %dma_start3A_619 = arith.constant 1024 : i32
    %dma_start3A_620 = tpu.memref_slice %arg13[%dma_start3A_619] : memref<3072xi32, #tpu.memory_space<vmem>> -> memref<128xi32, #tpu.memory_space<vmem>>
    tpu.enqueue_dma source(%dma_start3A_620 : memref<128xi32, #tpu.memory_space<vmem>>) target(%dma_start3A_618 : memref<128xi32, #tpu.memory_space<hbm>>) target_semaphore(%arg19 : memref<!tpu.dma_semaphore, #tpu.memory_space<semaphore_mem>>)
    %mul3A_621 = arith.constant 4 : i32
    %mul3A_622 = arith.muli %mul3A_621, %select_n3A_30 : i32
    %add3A_623 = arith.constant 1 : i32
    %add3A_624 = arith.addi %mul3A_622, %add3A_623 : i32
    %mul3A_625 = arith.constant 512 : i32
    %mul3A_626 = arith.muli %add3A_624, %mul3A_625 : i32
    %add3A_627 = arith.constant 32768 : i32
    %add3A_628 = arith.addi %add3A_627, %mul3A_626 : i32
    %mul3A_629 = arith.constant 128 : i32
    %mul3A_630 = arith.muli %select_n3A, %mul3A_629 : i32
    %add3A_631 = arith.addi %add3A_628, %mul3A_630 : i32
    %dma_start3A_632 = arith.constant 1152 : i32
    %dma_start3A_633 = tpu.memref_slice %arg13[%dma_start3A_632] : memref<3072xi32, #tpu.memory_space<vmem>> -> memref<128xi32, #tpu.memory_space<vmem>>
    %dma_start3A_634 = tpu.memref_slice %arg5[%add3A_631] : memref<98304xi32, #tpu.memory_space<hbm>> -> memref<128xi32, #tpu.memory_space<hbm>>
    %dma_start3A_635 = tpu.memref_slice %arg5[%add3A_631] : memref<98304xi32, #tpu.memory_space<hbm>> -> memref<128xi32, #tpu.memory_space<hbm>>
    %dma_start3A_636 = arith.constant 1152 : i32
    %dma_start3A_637 = tpu.memref_slice %arg13[%dma_start3A_636] : memref<3072xi32, #tpu.memory_space<vmem>> -> memref<128xi32, #tpu.memory_space<vmem>>
    tpu.enqueue_dma source(%dma_start3A_637 : memref<128xi32, #tpu.memory_space<vmem>>) target(%dma_start3A_635 : memref<128xi32, #tpu.memory_space<hbm>>) target_semaphore(%arg19 : memref<!tpu.dma_semaphore, #tpu.memory_space<semaphore_mem>>)
    %mul3A_638 = arith.constant 4 : i32
    %mul3A_639 = arith.muli %mul3A_638, %select_n3A_30 : i32
    %add3A_640 = arith.constant 2 : i32
    %add3A_641 = arith.addi %mul3A_639, %add3A_640 : i32
    %mul3A_642 = arith.constant 512 : i32
    %mul3A_643 = arith.muli %add3A_641, %mul3A_642 : i32
    %add3A_644 = arith.constant 32768 : i32
    %add3A_645 = arith.addi %add3A_644, %mul3A_643 : i32
    %mul3A_646 = arith.constant 128 : i32
    %mul3A_647 = arith.muli %select_n3A, %mul3A_646 : i32
    %add3A_648 = arith.addi %add3A_645, %mul3A_647 : i32
    %dma_start3A_649 = arith.constant 1280 : i32
    %dma_start3A_650 = tpu.memref_slice %arg13[%dma_start3A_649] : memref<3072xi32, #tpu.memory_space<vmem>> -> memref<128xi32, #tpu.memory_space<vmem>>
    %dma_start3A_651 = tpu.memref_slice %arg5[%add3A_648] : memref<98304xi32, #tpu.memory_space<hbm>> -> memref<128xi32, #tpu.memory_space<hbm>>
    %dma_start3A_652 = tpu.memref_slice %arg5[%add3A_648] : memref<98304xi32, #tpu.memory_space<hbm>> -> memref<128xi32, #tpu.memory_space<hbm>>
    %dma_start3A_653 = arith.constant 1280 : i32
    %dma_start3A_654 = tpu.memref_slice %arg13[%dma_start3A_653] : memref<3072xi32, #tpu.memory_space<vmem>> -> memref<128xi32, #tpu.memory_space<vmem>>
    tpu.enqueue_dma source(%dma_start3A_654 : memref<128xi32, #tpu.memory_space<vmem>>) target(%dma_start3A_652 : memref<128xi32, #tpu.memory_space<hbm>>) target_semaphore(%arg19 : memref<!tpu.dma_semaphore, #tpu.memory_space<semaphore_mem>>)
    %mul3A_655 = arith.constant 4 : i32
    %mul3A_656 = arith.muli %mul3A_655, %select_n3A_30 : i32
    %add3A_657 = arith.constant 3 : i32
    %add3A_658 = arith.addi %mul3A_656, %add3A_657 : i32
    %mul3A_659 = arith.constant 512 : i32
    %mul3A_660 = arith.muli %add3A_658, %mul3A_659 : i32
    %add3A_661 = arith.constant 32768 : i32
    %add3A_662 = arith.addi %add3A_661, %mul3A_660 : i32
    %mul3A_663 = arith.constant 128 : i32
    %mul3A_664 = arith.muli %select_n3A, %mul3A_663 : i32
    %add3A_665 = arith.addi %add3A_662, %mul3A_664 : i32
    %dma_start3A_666 = arith.constant 1408 : i32
    %dma_start3A_667 = tpu.memref_slice %arg13[%dma_start3A_666] : memref<3072xi32, #tpu.memory_space<vmem>> -> memref<128xi32, #tpu.memory_space<vmem>>
    %dma_start3A_668 = tpu.memref_slice %arg5[%add3A_665] : memref<98304xi32, #tpu.memory_space<hbm>> -> memref<128xi32, #tpu.memory_space<hbm>>
    %dma_start3A_669 = tpu.memref_slice %arg5[%add3A_665] : memref<98304xi32, #tpu.memory_space<hbm>> -> memref<128xi32, #tpu.memory_space<hbm>>
    %dma_start3A_670 = arith.constant 1408 : i32
    %dma_start3A_671 = tpu.memref_slice %arg13[%dma_start3A_670] : memref<3072xi32, #tpu.memory_space<vmem>> -> memref<128xi32, #tpu.memory_space<vmem>>
    tpu.enqueue_dma source(%dma_start3A_671 : memref<128xi32, #tpu.memory_space<vmem>>) target(%dma_start3A_669 : memref<128xi32, #tpu.memory_space<hbm>>) target_semaphore(%arg19 : memref<!tpu.dma_semaphore, #tpu.memory_space<semaphore_mem>>)
    %mul3A_672 = arith.constant 4 : i32
    %mul3A_673 = arith.muli %mul3A_672, %select_n3A_30 : i32
    %add3A_674 = arith.constant 0 : i32
    %add3A_675 = arith.addi %mul3A_673, %add3A_674 : i32
    %mul3A_676 = arith.constant 512 : i32
    %mul3A_677 = arith.muli %add3A_675, %mul3A_676 : i32
    %add3A_678 = arith.constant 49152 : i32
    %add3A_679 = arith.addi %add3A_678, %mul3A_677 : i32
    %mul3A_680 = arith.constant 128 : i32
    %mul3A_681 = arith.muli %select_n3A, %mul3A_680 : i32
    %add3A_682 = arith.addi %add3A_679, %mul3A_681 : i32
    %dma_start3A_683 = arith.constant 1536 : i32
    %dma_start3A_684 = tpu.memref_slice %arg13[%dma_start3A_683] : memref<3072xi32, #tpu.memory_space<vmem>> -> memref<128xi32, #tpu.memory_space<vmem>>
    %dma_start3A_685 = tpu.memref_slice %arg5[%add3A_682] : memref<98304xi32, #tpu.memory_space<hbm>> -> memref<128xi32, #tpu.memory_space<hbm>>
    %dma_start3A_686 = tpu.memref_slice %arg5[%add3A_682] : memref<98304xi32, #tpu.memory_space<hbm>> -> memref<128xi32, #tpu.memory_space<hbm>>
    %dma_start3A_687 = arith.constant 1536 : i32
    %dma_start3A_688 = tpu.memref_slice %arg13[%dma_start3A_687] : memref<3072xi32, #tpu.memory_space<vmem>> -> memref<128xi32, #tpu.memory_space<vmem>>
    tpu.enqueue_dma source(%dma_start3A_688 : memref<128xi32, #tpu.memory_space<vmem>>) target(%dma_start3A_686 : memref<128xi32, #tpu.memory_space<hbm>>) target_semaphore(%arg19 : memref<!tpu.dma_semaphore, #tpu.memory_space<semaphore_mem>>)
    %mul3A_689 = arith.constant 4 : i32
    %mul3A_690 = arith.muli %mul3A_689, %select_n3A_30 : i32
    %add3A_691 = arith.constant 1 : i32
    %add3A_692 = arith.addi %mul3A_690, %add3A_691 : i32
    %mul3A_693 = arith.constant 512 : i32
    %mul3A_694 = arith.muli %add3A_692, %mul3A_693 : i32
    %add3A_695 = arith.constant 49152 : i32
    %add3A_696 = arith.addi %add3A_695, %mul3A_694 : i32
    %mul3A_697 = arith.constant 128 : i32
    %mul3A_698 = arith.muli %select_n3A, %mul3A_697 : i32
    %add3A_699 = arith.addi %add3A_696, %mul3A_698 : i32
    %dma_start3A_700 = arith.constant 1664 : i32
    %dma_start3A_701 = tpu.memref_slice %arg13[%dma_start3A_700] : memref<3072xi32, #tpu.memory_space<vmem>> -> memref<128xi32, #tpu.memory_space<vmem>>
    %dma_start3A_702 = tpu.memref_slice %arg5[%add3A_699] : memref<98304xi32, #tpu.memory_space<hbm>> -> memref<128xi32, #tpu.memory_space<hbm>>
    %dma_start3A_703 = tpu.memref_slice %arg5[%add3A_699] : memref<98304xi32, #tpu.memory_space<hbm>> -> memref<128xi32, #tpu.memory_space<hbm>>
    %dma_start3A_704 = arith.constant 1664 : i32
    %dma_start3A_705 = tpu.memref_slice %arg13[%dma_start3A_704] : memref<3072xi32, #tpu.memory_space<vmem>> -> memref<128xi32, #tpu.memory_space<vmem>>
    tpu.enqueue_dma source(%dma_start3A_705 : memref<128xi32, #tpu.memory_space<vmem>>) target(%dma_start3A_703 : memref<128xi32, #tpu.memory_space<hbm>>) target_semaphore(%arg19 : memref<!tpu.dma_semaphore, #tpu.memory_space<semaphore_mem>>)
    %mul3A_706 = arith.constant 4 : i32
    %mul3A_707 = arith.muli %mul3A_706, %select_n3A_30 : i32
    %add3A_708 = arith.constant 2 : i32
    %add3A_709 = arith.addi %mul3A_707, %add3A_708 : i32
    %mul3A_710 = arith.constant 512 : i32
    %mul3A_711 = arith.muli %add3A_709, %mul3A_710 : i32
    %add3A_712 = arith.constant 49152 : i32
    %add3A_713 = arith.addi %add3A_712, %mul3A_711 : i32
    %mul3A_714 = arith.constant 128 : i32
    %mul3A_715 = arith.muli %select_n3A, %mul3A_714 : i32
    %add3A_716 = arith.addi %add3A_713, %mul3A_715 : i32
    %dma_start3A_717 = arith.constant 1792 : i32
    %dma_start3A_718 = tpu.memref_slice %arg13[%dma_start3A_717] : memref<3072xi32, #tpu.memory_space<vmem>> -> memref<128xi32, #tpu.memory_space<vmem>>
    %dma_start3A_719 = tpu.memref_slice %arg5[%add3A_716] : memref<98304xi32, #tpu.memory_space<hbm>> -> memref<128xi32, #tpu.memory_space<hbm>>
    %dma_start3A_720 = tpu.memref_slice %arg5[%add3A_716] : memref<98304xi32, #tpu.memory_space<hbm>> -> memref<128xi32, #tpu.memory_space<hbm>>
    %dma_start3A_721 = arith.constant 1792 : i32
    %dma_start3A_722 = tpu.memref_slice %arg13[%dma_start3A_721] : memref<3072xi32, #tpu.memory_space<vmem>> -> memref<128xi32, #tpu.memory_space<vmem>>
    tpu.enqueue_dma source(%dma_start3A_722 : memref<128xi32, #tpu.memory_space<vmem>>) target(%dma_start3A_720 : memref<128xi32, #tpu.memory_space<hbm>>) target_semaphore(%arg19 : memref<!tpu.dma_semaphore, #tpu.memory_space<semaphore_mem>>)
    %mul3A_723 = arith.constant 4 : i32
    %mul3A_724 = arith.muli %mul3A_723, %select_n3A_30 : i32
    %add3A_725 = arith.constant 3 : i32
    %add3A_726 = arith.addi %mul3A_724, %add3A_725 : i32
    %mul3A_727 = arith.constant 512 : i32
    %mul3A_728 = arith.muli %add3A_726, %mul3A_727 : i32
    %add3A_729 = arith.constant 49152 : i32
    %add3A_730 = arith.addi %add3A_729, %mul3A_728 : i32
    %mul3A_731 = arith.constant 128 : i32
    %mul3A_732 = arith.muli %select_n3A, %mul3A_731 : i32
    %add3A_733 = arith.addi %add3A_730, %mul3A_732 : i32
    %dma_start3A_734 = arith.constant 1920 : i32
    %dma_start3A_735 = tpu.memref_slice %arg13[%dma_start3A_734] : memref<3072xi32, #tpu.memory_space<vmem>> -> memref<128xi32, #tpu.memory_space<vmem>>
    %dma_start3A_736 = tpu.memref_slice %arg5[%add3A_733] : memref<98304xi32, #tpu.memory_space<hbm>> -> memref<128xi32, #tpu.memory_space<hbm>>
    %dma_start3A_737 = tpu.memref_slice %arg5[%add3A_733] : memref<98304xi32, #tpu.memory_space<hbm>> -> memref<128xi32, #tpu.memory_space<hbm>>
    %dma_start3A_738 = arith.constant 1920 : i32
    %dma_start3A_739 = tpu.memref_slice %arg13[%dma_start3A_738] : memref<3072xi32, #tpu.memory_space<vmem>> -> memref<128xi32, #tpu.memory_space<vmem>>
    tpu.enqueue_dma source(%dma_start3A_739 : memref<128xi32, #tpu.memory_space<vmem>>) target(%dma_start3A_737 : memref<128xi32, #tpu.memory_space<hbm>>) target_semaphore(%arg19 : memref<!tpu.dma_semaphore, #tpu.memory_space<semaphore_mem>>)
    %mul3A_740 = arith.constant 4 : i32
    %mul3A_741 = arith.muli %mul3A_740, %select_n3A_30 : i32
    %add3A_742 = arith.constant 0 : i32
    %add3A_743 = arith.addi %mul3A_741, %add3A_742 : i32
    %mul3A_744 = arith.constant 512 : i32
    %mul3A_745 = arith.muli %add3A_743, %mul3A_744 : i32
    %add3A_746 = arith.constant 65536 : i32
    %add3A_747 = arith.addi %add3A_746, %mul3A_745 : i32
    %mul3A_748 = arith.constant 128 : i32
    %mul3A_749 = arith.muli %select_n3A, %mul3A_748 : i32
    %add3A_750 = arith.addi %add3A_747, %mul3A_749 : i32
    %dma_start3A_751 = arith.constant 2048 : i32
    %dma_start3A_752 = tpu.memref_slice %arg13[%dma_start3A_751] : memref<3072xi32, #tpu.memory_space<vmem>> -> memref<128xi32, #tpu.memory_space<vmem>>
    %dma_start3A_753 = tpu.memref_slice %arg5[%add3A_750] : memref<98304xi32, #tpu.memory_space<hbm>> -> memref<128xi32, #tpu.memory_space<hbm>>
    %dma_start3A_754 = tpu.memref_slice %arg5[%add3A_750] : memref<98304xi32, #tpu.memory_space<hbm>> -> memref<128xi32, #tpu.memory_space<hbm>>
    %dma_start3A_755 = arith.constant 2048 : i32
    %dma_start3A_756 = tpu.memref_slice %arg13[%dma_start3A_755] : memref<3072xi32, #tpu.memory_space<vmem>> -> memref<128xi32, #tpu.memory_space<vmem>>
    tpu.enqueue_dma source(%dma_start3A_756 : memref<128xi32, #tpu.memory_space<vmem>>) target(%dma_start3A_754 : memref<128xi32, #tpu.memory_space<hbm>>) target_semaphore(%arg19 : memref<!tpu.dma_semaphore, #tpu.memory_space<semaphore_mem>>)
    %mul3A_757 = arith.constant 4 : i32
    %mul3A_758 = arith.muli %mul3A_757, %select_n3A_30 : i32
    %add3A_759 = arith.constant 1 : i32
    %add3A_760 = arith.addi %mul3A_758, %add3A_759 : i32
    %mul3A_761 = arith.constant 512 : i32
    %mul3A_762 = arith.muli %add3A_760, %mul3A_761 : i32
    %add3A_763 = arith.constant 65536 : i32
    %add3A_764 = arith.addi %add3A_763, %mul3A_762 : i32
    %mul3A_765 = arith.constant 128 : i32
    %mul3A_766 = arith.muli %select_n3A, %mul3A_765 : i32
    %add3A_767 = arith.addi %add3A_764, %mul3A_766 : i32
    %dma_start3A_768 = arith.constant 2176 : i32
    %dma_start3A_769 = tpu.memref_slice %arg13[%dma_start3A_768] : memref<3072xi32, #tpu.memory_space<vmem>> -> memref<128xi32, #tpu.memory_space<vmem>>
    %dma_start3A_770 = tpu.memref_slice %arg5[%add3A_767] : memref<98304xi32, #tpu.memory_space<hbm>> -> memref<128xi32, #tpu.memory_space<hbm>>
    %dma_start3A_771 = tpu.memref_slice %arg5[%add3A_767] : memref<98304xi32, #tpu.memory_space<hbm>> -> memref<128xi32, #tpu.memory_space<hbm>>
    %dma_start3A_772 = arith.constant 2176 : i32
    %dma_start3A_773 = tpu.memref_slice %arg13[%dma_start3A_772] : memref<3072xi32, #tpu.memory_space<vmem>> -> memref<128xi32, #tpu.memory_space<vmem>>
    tpu.enqueue_dma source(%dma_start3A_773 : memref<128xi32, #tpu.memory_space<vmem>>) target(%dma_start3A_771 : memref<128xi32, #tpu.memory_space<hbm>>) target_semaphore(%arg19 : memref<!tpu.dma_semaphore, #tpu.memory_space<semaphore_mem>>)
    %mul3A_774 = arith.constant 4 : i32
    %mul3A_775 = arith.muli %mul3A_774, %select_n3A_30 : i32
    %add3A_776 = arith.constant 2 : i32
    %add3A_777 = arith.addi %mul3A_775, %add3A_776 : i32
    %mul3A_778 = arith.constant 512 : i32
    %mul3A_779 = arith.muli %add3A_777, %mul3A_778 : i32
    %add3A_780 = arith.constant 65536 : i32
    %add3A_781 = arith.addi %add3A_780, %mul3A_779 : i32
    %mul3A_782 = arith.constant 128 : i32
    %mul3A_783 = arith.muli %select_n3A, %mul3A_782 : i32
    %add3A_784 = arith.addi %add3A_781, %mul3A_783 : i32
    %dma_start3A_785 = arith.constant 2304 : i32
    %dma_start3A_786 = tpu.memref_slice %arg13[%dma_start3A_785] : memref<3072xi32, #tpu.memory_space<vmem>> -> memref<128xi32, #tpu.memory_space<vmem>>
    %dma_start3A_787 = tpu.memref_slice %arg5[%add3A_784] : memref<98304xi32, #tpu.memory_space<hbm>> -> memref<128xi32, #tpu.memory_space<hbm>>
    %dma_start3A_788 = tpu.memref_slice %arg5[%add3A_784] : memref<98304xi32, #tpu.memory_space<hbm>> -> memref<128xi32, #tpu.memory_space<hbm>>
    %dma_start3A_789 = arith.constant 2304 : i32
    %dma_start3A_790 = tpu.memref_slice %arg13[%dma_start3A_789] : memref<3072xi32, #tpu.memory_space<vmem>> -> memref<128xi32, #tpu.memory_space<vmem>>
    tpu.enqueue_dma source(%dma_start3A_790 : memref<128xi32, #tpu.memory_space<vmem>>) target(%dma_start3A_788 : memref<128xi32, #tpu.memory_space<hbm>>) target_semaphore(%arg19 : memref<!tpu.dma_semaphore, #tpu.memory_space<semaphore_mem>>)
    %mul3A_791 = arith.constant 4 : i32
    %mul3A_792 = arith.muli %mul3A_791, %select_n3A_30 : i32
    %add3A_793 = arith.constant 3 : i32
    %add3A_794 = arith.addi %mul3A_792, %add3A_793 : i32
    %mul3A_795 = arith.constant 512 : i32
    %mul3A_796 = arith.muli %add3A_794, %mul3A_795 : i32
    %add3A_797 = arith.constant 65536 : i32
    %add3A_798 = arith.addi %add3A_797, %mul3A_796 : i32
    %mul3A_799 = arith.constant 128 : i32
    %mul3A_800 = arith.muli %select_n3A, %mul3A_799 : i32
    %add3A_801 = arith.addi %add3A_798, %mul3A_800 : i32
    %dma_start3A_802 = arith.constant 2432 : i32
    %dma_start3A_803 = tpu.memref_slice %arg13[%dma_start3A_802] : memref<3072xi32, #tpu.memory_space<vmem>> -> memref<128xi32, #tpu.memory_space<vmem>>
    %dma_start3A_804 = tpu.memref_slice %arg5[%add3A_801] : memref<98304xi32, #tpu.memory_space<hbm>> -> memref<128xi32, #tpu.memory_space<hbm>>
    %dma_start3A_805 = tpu.memref_slice %arg5[%add3A_801] : memref<98304xi32, #tpu.memory_space<hbm>> -> memref<128xi32, #tpu.memory_space<hbm>>
    %dma_start3A_806 = arith.constant 2432 : i32
    %dma_start3A_807 = tpu.memref_slice %arg13[%dma_start3A_806] : memref<3072xi32, #tpu.memory_space<vmem>> -> memref<128xi32, #tpu.memory_space<vmem>>
    tpu.enqueue_dma source(%dma_start3A_807 : memref<128xi32, #tpu.memory_space<vmem>>) target(%dma_start3A_805 : memref<128xi32, #tpu.memory_space<hbm>>) target_semaphore(%arg19 : memref<!tpu.dma_semaphore, #tpu.memory_space<semaphore_mem>>)
    %mul3A_808 = arith.constant 4 : i32
    %mul3A_809 = arith.muli %mul3A_808, %select_n3A_30 : i32
    %add3A_810 = arith.constant 0 : i32
    %add3A_811 = arith.addi %mul3A_809, %add3A_810 : i32
    %mul3A_812 = arith.constant 512 : i32
    %mul3A_813 = arith.muli %add3A_811, %mul3A_812 : i32
    %add3A_814 = arith.constant 81920 : i32
    %add3A_815 = arith.addi %add3A_814, %mul3A_813 : i32
    %mul3A_816 = arith.constant 128 : i32
    %mul3A_817 = arith.muli %select_n3A, %mul3A_816 : i32
    %add3A_818 = arith.addi %add3A_815, %mul3A_817 : i32
    %dma_start3A_819 = arith.constant 2560 : i32
    %dma_start3A_820 = tpu.memref_slice %arg13[%dma_start3A_819] : memref<3072xi32, #tpu.memory_space<vmem>> -> memref<128xi32, #tpu.memory_space<vmem>>
    %dma_start3A_821 = tpu.memref_slice %arg5[%add3A_818] : memref<98304xi32, #tpu.memory_space<hbm>> -> memref<128xi32, #tpu.memory_space<hbm>>
    %dma_start3A_822 = tpu.memref_slice %arg5[%add3A_818] : memref<98304xi32, #tpu.memory_space<hbm>> -> memref<128xi32, #tpu.memory_space<hbm>>
    %dma_start3A_823 = arith.constant 2560 : i32
    %dma_start3A_824 = tpu.memref_slice %arg13[%dma_start3A_823] : memref<3072xi32, #tpu.memory_space<vmem>> -> memref<128xi32, #tpu.memory_space<vmem>>
    tpu.enqueue_dma source(%dma_start3A_824 : memref<128xi32, #tpu.memory_space<vmem>>) target(%dma_start3A_822 : memref<128xi32, #tpu.memory_space<hbm>>) target_semaphore(%arg19 : memref<!tpu.dma_semaphore, #tpu.memory_space<semaphore_mem>>)
    %mul3A_825 = arith.constant 4 : i32
    %mul3A_826 = arith.muli %mul3A_825, %select_n3A_30 : i32
    %add3A_827 = arith.constant 1 : i32
    %add3A_828 = arith.addi %mul3A_826, %add3A_827 : i32
    %mul3A_829 = arith.constant 512 : i32
    %mul3A_830 = arith.muli %add3A_828, %mul3A_829 : i32
    %add3A_831 = arith.constant 81920 : i32
    %add3A_832 = arith.addi %add3A_831, %mul3A_830 : i32
    %mul3A_833 = arith.constant 128 : i32
    %mul3A_834 = arith.muli %select_n3A, %mul3A_833 : i32
    %add3A_835 = arith.addi %add3A_832, %mul3A_834 : i32
    %dma_start3A_836 = arith.constant 2688 : i32
    %dma_start3A_837 = tpu.memref_slice %arg13[%dma_start3A_836] : memref<3072xi32, #tpu.memory_space<vmem>> -> memref<128xi32, #tpu.memory_space<vmem>>
    %dma_start3A_838 = tpu.memref_slice %arg5[%add3A_835] : memref<98304xi32, #tpu.memory_space<hbm>> -> memref<128xi32, #tpu.memory_space<hbm>>
    %dma_start3A_839 = tpu.memref_slice %arg5[%add3A_835] : memref<98304xi32, #tpu.memory_space<hbm>> -> memref<128xi32, #tpu.memory_space<hbm>>
    %dma_start3A_840 = arith.constant 2688 : i32
    %dma_start3A_841 = tpu.memref_slice %arg13[%dma_start3A_840] : memref<3072xi32, #tpu.memory_space<vmem>> -> memref<128xi32, #tpu.memory_space<vmem>>
    tpu.enqueue_dma source(%dma_start3A_841 : memref<128xi32, #tpu.memory_space<vmem>>) target(%dma_start3A_839 : memref<128xi32, #tpu.memory_space<hbm>>) target_semaphore(%arg19 : memref<!tpu.dma_semaphore, #tpu.memory_space<semaphore_mem>>)
    %mul3A_842 = arith.constant 4 : i32
    %mul3A_843 = arith.muli %mul3A_842, %select_n3A_30 : i32
    %add3A_844 = arith.constant 2 : i32
    %add3A_845 = arith.addi %mul3A_843, %add3A_844 : i32
    %mul3A_846 = arith.constant 512 : i32
    %mul3A_847 = arith.muli %add3A_845, %mul3A_846 : i32
    %add3A_848 = arith.constant 81920 : i32
    %add3A_849 = arith.addi %add3A_848, %mul3A_847 : i32
    %mul3A_850 = arith.constant 128 : i32
    %mul3A_851 = arith.muli %select_n3A, %mul3A_850 : i32
    %add3A_852 = arith.addi %add3A_849, %mul3A_851 : i32
    %dma_start3A_853 = arith.constant 2816 : i32
    %dma_start3A_854 = tpu.memref_slice %arg13[%dma_start3A_853] : memref<3072xi32, #tpu.memory_space<vmem>> -> memref<128xi32, #tpu.memory_space<vmem>>
    %dma_start3A_855 = tpu.memref_slice %arg5[%add3A_852] : memref<98304xi32, #tpu.memory_space<hbm>> -> memref<128xi32, #tpu.memory_space<hbm>>
    %dma_start3A_856 = tpu.memref_slice %arg5[%add3A_852] : memref<98304xi32, #tpu.memory_space<hbm>> -> memref<128xi32, #tpu.memory_space<hbm>>
    %dma_start3A_857 = arith.constant 2816 : i32
    %dma_start3A_858 = tpu.memref_slice %arg13[%dma_start3A_857] : memref<3072xi32, #tpu.memory_space<vmem>> -> memref<128xi32, #tpu.memory_space<vmem>>
    tpu.enqueue_dma source(%dma_start3A_858 : memref<128xi32, #tpu.memory_space<vmem>>) target(%dma_start3A_856 : memref<128xi32, #tpu.memory_space<hbm>>) target_semaphore(%arg19 : memref<!tpu.dma_semaphore, #tpu.memory_space<semaphore_mem>>)
    %mul3A_859 = arith.constant 4 : i32
    %mul3A_860 = arith.muli %mul3A_859, %select_n3A_30 : i32
    %add3A_861 = arith.constant 3 : i32
    %add3A_862 = arith.addi %mul3A_860, %add3A_861 : i32
    %mul3A_863 = arith.constant 512 : i32
    %mul3A_864 = arith.muli %add3A_862, %mul3A_863 : i32
    %add3A_865 = arith.constant 81920 : i32
    %add3A_866 = arith.addi %add3A_865, %mul3A_864 : i32
    %mul3A_867 = arith.constant 128 : i32
    %mul3A_868 = arith.muli %select_n3A, %mul3A_867 : i32
    %add3A_869 = arith.addi %add3A_866, %mul3A_868 : i32
    %dma_start3A_870 = arith.constant 2944 : i32
    %dma_start3A_871 = tpu.memref_slice %arg13[%dma_start3A_870] : memref<3072xi32, #tpu.memory_space<vmem>> -> memref<128xi32, #tpu.memory_space<vmem>>
    %dma_start3A_872 = tpu.memref_slice %arg5[%add3A_869] : memref<98304xi32, #tpu.memory_space<hbm>> -> memref<128xi32, #tpu.memory_space<hbm>>
    %dma_start3A_873 = tpu.memref_slice %arg5[%add3A_869] : memref<98304xi32, #tpu.memory_space<hbm>> -> memref<128xi32, #tpu.memory_space<hbm>>
    %dma_start3A_874 = arith.constant 2944 : i32
    %dma_start3A_875 = tpu.memref_slice %arg13[%dma_start3A_874] : memref<3072xi32, #tpu.memory_space<vmem>> -> memref<128xi32, #tpu.memory_space<vmem>>
    tpu.enqueue_dma source(%dma_start3A_875 : memref<128xi32, #tpu.memory_space<vmem>>) target(%dma_start3A_873 : memref<128xi32, #tpu.memory_space<hbm>>) target_semaphore(%arg19 : memref<!tpu.dma_semaphore, #tpu.memory_space<semaphore_mem>>)
    %dma_wait3A_876 = arith.constant 0 : i32
    %dma_wait3A_877 = tpu.memref_slice %arg4[%dma_wait3A_876] : memref<512000xf32, #tpu.memory_space<hbm>> -> memref<512000xf32, #tpu.memory_space<hbm>>
    tpu.wait_indirect_dma semaphore(%arg18 : memref<!tpu.dma_semaphore, #tpu.memory_space<semaphore_mem>>) src(%dma_wait3A_877 : memref<512000xf32, #tpu.memory_space<hbm>>) dst(%arg12 : memref<6144xf32, #tpu.memory_space<vmem>>)
    %parallel_loop3A_878 = arith.constant 0 : i32
    %parallel_loop3A_879 = arith.constant 192 : i32
    %parallel_loop3A_880 = arith.constant 1 : i32
    scf.for %parallel_loop3A_1577 = %parallel_loop3A_878 to %parallel_loop3A_879 step %parallel_loop3A_880  : i32 {
      %parallel_loop3A_1578 = arith.constant 16 : i32
      %parallel_loop3A_1579 = arith.muli %parallel_loop3A_1577, %parallel_loop3A_1578 : i32
      %parallel_loop3A_1580 = arith.index_cast %parallel_loop3A_1579 : i32 to index
      %parallel_loop3A_1581 = tpu.vector_load %arg12[%parallel_loop3A_1580] {strides = array<i32>} : memref<6144xf32, #tpu.memory_space<vmem>>, vector<16xf32>,
      %parallel_loop3A_1582 = arith.constant 16 : i32
      %parallel_loop3A_1583 = arith.muli %parallel_loop3A_1577, %parallel_loop3A_1582 : i32
      %parallel_loop3A_1584 = arith.constant 3072 : i32
      %parallel_loop3A_1585 = arith.addi %parallel_loop3A_1584, %parallel_loop3A_1583 : i32
      %parallel_loop3A_1586 = arith.index_cast %parallel_loop3A_1585 : i32 to index
      %parallel_loop3A_1587 = tpu.vector_load %arg12[%parallel_loop3A_1586] {strides = array<i32>} : memref<6144xf32, #tpu.memory_space<vmem>>, vector<16xf32>,
      %parallel_loop3A_1588 = vector.bitcast %parallel_loop3A_1581 : vector<16xf32> to vector<16xi32>
      %parallel_loop3A_1589 = arith.constant 2147483647 : i32
      %parallel_loop3A_1590 = vector.broadcast %parallel_loop3A_1589 : i32 to vector<16xi32>
      %parallel_loop3A_1591 = arith.andi %parallel_loop3A_1588, %parallel_loop3A_1590 : vector<16xi32>
      %parallel_loop3A_1592 = arith.constant 13 : i32
      %parallel_loop3A_1593 = vector.broadcast %parallel_loop3A_1592 : i32 to vector<16xi32>
      %parallel_loop3A_1594 = arith.shrsi %parallel_loop3A_1591, %parallel_loop3A_1593 : vector<16xi32>
      %parallel_loop3A_1595 = arith.constant 114688 : i32
      %parallel_loop3A_1596 = vector.broadcast %parallel_loop3A_1595 : i32 to vector<16xi32>
      %parallel_loop3A_1597 = arith.subi %parallel_loop3A_1594, %parallel_loop3A_1596 : vector<16xi32>
      %parallel_loop3A_1598 = arith.constant 12 : i32
      %parallel_loop3A_1599 = vector.broadcast %parallel_loop3A_1598 : i32 to vector<16xi32>
      %parallel_loop3A_1600 = arith.shrsi %parallel_loop3A_1588, %parallel_loop3A_1599 : vector<16xi32>
      %parallel_loop3A_1601 = arith.constant 1 : i32
      %parallel_loop3A_1602 = vector.broadcast %parallel_loop3A_1601 : i32 to vector<16xi32>
      %parallel_loop3A_1603 = arith.andi %parallel_loop3A_1600, %parallel_loop3A_1602 : vector<16xi32>
      %parallel_loop3A_1604 = arith.addi %parallel_loop3A_1597, %parallel_loop3A_1603 : vector<16xi32>
      %parallel_loop3A_1605 = arith.constant 947912704 : i32
      %parallel_loop3A_1606 = vector.broadcast %parallel_loop3A_1605 : i32 to vector<16xi32>
      %parallel_loop3A_1607 = arith.cmpi sge, %parallel_loop3A_1591, %parallel_loop3A_1606 : vector<16xi32>
      %parallel_loop3A_1608 = arith.constant 0 : i32
      %parallel_loop3A_1609 = vector.broadcast %parallel_loop3A_1608 : i32 to vector<16xi32>
      %parallel_loop3A_1610 = arith.select %parallel_loop3A_1607, %parallel_loop3A_1604, %parallel_loop3A_1609 : vector<16xi1>, vector<16xi32>
      %parallel_loop3A_1611 = arith.constant 16 : i32
      %parallel_loop3A_1612 = vector.broadcast %parallel_loop3A_1611 : i32 to vector<16xi32>
      %parallel_loop3A_1613 = arith.shrsi %parallel_loop3A_1588, %parallel_loop3A_1612 : vector<16xi32>
      %parallel_loop3A_1614 = arith.constant 32768 : i32
      %parallel_loop3A_1615 = vector.broadcast %parallel_loop3A_1614 : i32 to vector<16xi32>
      %parallel_loop3A_1616 = arith.andi %parallel_loop3A_1613, %parallel_loop3A_1615 : vector<16xi32>
      %parallel_loop3A_1617 = arith.ori %parallel_loop3A_1616, %parallel_loop3A_1610 : vector<16xi32>
      %parallel_loop3A_1618 = vector.bitcast %parallel_loop3A_1587 : vector<16xf32> to vector<16xi32>
      %parallel_loop3A_1619 = arith.constant 2147483647 : i32
      %parallel_loop3A_1620 = vector.broadcast %parallel_loop3A_1619 : i32 to vector<16xi32>
      %parallel_loop3A_1621 = arith.andi %parallel_loop3A_1618, %parallel_loop3A_1620 : vector<16xi32>
      %parallel_loop3A_1622 = arith.constant 13 : i32
      %parallel_loop3A_1623 = vector.broadcast %parallel_loop3A_1622 : i32 to vector<16xi32>
      %parallel_loop3A_1624 = arith.shrsi %parallel_loop3A_1621, %parallel_loop3A_1623 : vector<16xi32>
      %parallel_loop3A_1625 = arith.constant 114688 : i32
      %parallel_loop3A_1626 = vector.broadcast %parallel_loop3A_1625 : i32 to vector<16xi32>
      %parallel_loop3A_1627 = arith.subi %parallel_loop3A_1624, %parallel_loop3A_1626 : vector<16xi32>
      %parallel_loop3A_1628 = arith.constant 12 : i32
      %parallel_loop3A_1629 = vector.broadcast %parallel_loop3A_1628 : i32 to vector<16xi32>
      %parallel_loop3A_1630 = arith.shrsi %parallel_loop3A_1618, %parallel_loop3A_1629 : vector<16xi32>
      %parallel_loop3A_1631 = arith.constant 1 : i32
      %parallel_loop3A_1632 = vector.broadcast %parallel_loop3A_1631 : i32 to vector<16xi32>
      %parallel_loop3A_1633 = arith.andi %parallel_loop3A_1630, %parallel_loop3A_1632 : vector<16xi32>
      %parallel_loop3A_1634 = arith.addi %parallel_loop3A_1627, %parallel_loop3A_1633 : vector<16xi32>
      %parallel_loop3A_1635 = arith.constant 947912704 : i32
      %parallel_loop3A_1636 = vector.broadcast %parallel_loop3A_1635 : i32 to vector<16xi32>
      %parallel_loop3A_1637 = arith.cmpi sge, %parallel_loop3A_1621, %parallel_loop3A_1636 : vector<16xi32>
      %parallel_loop3A_1638 = arith.constant 0 : i32
      %parallel_loop3A_1639 = vector.broadcast %parallel_loop3A_1638 : i32 to vector<16xi32>
      %parallel_loop3A_1640 = arith.select %parallel_loop3A_1637, %parallel_loop3A_1634, %parallel_loop3A_1639 : vector<16xi1>, vector<16xi32>
      %parallel_loop3A_1641 = arith.constant 16 : i32
      %parallel_loop3A_1642 = vector.broadcast %parallel_loop3A_1641 : i32 to vector<16xi32>
      %parallel_loop3A_1643 = arith.shrsi %parallel_loop3A_1618, %parallel_loop3A_1642 : vector<16xi32>
      %parallel_loop3A_1644 = arith.constant 32768 : i32
      %parallel_loop3A_1645 = vector.broadcast %parallel_loop3A_1644 : i32 to vector<16xi32>
      %parallel_loop3A_1646 = arith.andi %parallel_loop3A_1643, %parallel_loop3A_1645 : vector<16xi32>
      %parallel_loop3A_1647 = arith.ori %parallel_loop3A_1646, %parallel_loop3A_1640 : vector<16xi32>
      %parallel_loop3A_1648 = arith.constant 16 : i32
      %parallel_loop3A_1649 = vector.broadcast %parallel_loop3A_1648 : i32 to vector<16xi32>
      %parallel_loop3A_1650 = arith.shli %parallel_loop3A_1647, %parallel_loop3A_1649 : vector<16xi32>
      %parallel_loop3A_1651 = arith.ori %parallel_loop3A_1617, %parallel_loop3A_1650 : vector<16xi32>
      %parallel_loop3A_1652 = arith.constant 16 : i32
      %parallel_loop3A_1653 = arith.muli %parallel_loop3A_1577, %parallel_loop3A_1652 : i32
      %parallel_loop3A_1654 = arith.index_cast %parallel_loop3A_1653 : i32 to index
      %parallel_loop3A_1655 = tpu.vector_load %arg14[%parallel_loop3A_1654] {strides = array<i32>} : memref<3072xi32, #tpu.memory_space<vmem>>, vector<16xi32>,
      tpu.vector_store %arg14[%parallel_loop3A_1654], %parallel_loop3A_1651 {strides = array<i32>} : memref<3072xi32, #tpu.memory_space<vmem>>, vector<16xi32>,
    } {sc.loop_unroll_factor = 4 : i64, sc.parallel_access}
    %mul3A_881 = arith.constant 4 : i32
    %mul3A_882 = arith.muli %mul3A_881, %select_n3A_30 : i32
    %add3A_883 = arith.constant 0 : i32
    %add3A_884 = arith.addi %mul3A_882, %add3A_883 : i32
    %mul3A_885 = arith.constant 512 : i32
    %mul3A_886 = arith.muli %add3A_884, %mul3A_885 : i32
    %add3A_887 = arith.constant 0 : i32
    %add3A_888 = arith.addi %add3A_887, %mul3A_886 : i32
    %mul3A_889 = arith.constant 128 : i32
    %mul3A_890 = arith.muli %select_n3A, %mul3A_889 : i32
    %add3A_891 = arith.addi %add3A_888, %mul3A_890 : i32
    %dma_start3A_892 = arith.constant 0 : i32
    %dma_start3A_893 = tpu.memref_slice %arg14[%dma_start3A_892] : memref<3072xi32, #tpu.memory_space<vmem>> -> memref<128xi32, #tpu.memory_space<vmem>>
    %dma_start3A_894 = tpu.memref_slice %arg6[%add3A_891] : memref<98304xi32, #tpu.memory_space<hbm>> -> memref<128xi32, #tpu.memory_space<hbm>>
    %dma_start3A_895 = tpu.memref_slice %arg6[%add3A_891] : memref<98304xi32, #tpu.memory_space<hbm>> -> memref<128xi32, #tpu.memory_space<hbm>>
    %dma_start3A_896 = arith.constant 0 : i32
    %dma_start3A_897 = tpu.memref_slice %arg14[%dma_start3A_896] : memref<3072xi32, #tpu.memory_space<vmem>> -> memref<128xi32, #tpu.memory_space<vmem>>
    tpu.enqueue_dma source(%dma_start3A_897 : memref<128xi32, #tpu.memory_space<vmem>>) target(%dma_start3A_895 : memref<128xi32, #tpu.memory_space<hbm>>) target_semaphore(%arg19 : memref<!tpu.dma_semaphore, #tpu.memory_space<semaphore_mem>>)
    %mul3A_898 = arith.constant 4 : i32
    %mul3A_899 = arith.muli %mul3A_898, %select_n3A_30 : i32
    %add3A_900 = arith.constant 1 : i32
    %add3A_901 = arith.addi %mul3A_899, %add3A_900 : i32
    %mul3A_902 = arith.constant 512 : i32
    %mul3A_903 = arith.muli %add3A_901, %mul3A_902 : i32
    %add3A_904 = arith.constant 0 : i32
    %add3A_905 = arith.addi %add3A_904, %mul3A_903 : i32
    %mul3A_906 = arith.constant 128 : i32
    %mul3A_907 = arith.muli %select_n3A, %mul3A_906 : i32
    %add3A_908 = arith.addi %add3A_905, %mul3A_907 : i32
    %dma_start3A_909 = arith.constant 128 : i32
    %dma_start3A_910 = tpu.memref_slice %arg14[%dma_start3A_909] : memref<3072xi32, #tpu.memory_space<vmem>> -> memref<128xi32, #tpu.memory_space<vmem>>
    %dma_start3A_911 = tpu.memref_slice %arg6[%add3A_908] : memref<98304xi32, #tpu.memory_space<hbm>> -> memref<128xi32, #tpu.memory_space<hbm>>
    %dma_start3A_912 = tpu.memref_slice %arg6[%add3A_908] : memref<98304xi32, #tpu.memory_space<hbm>> -> memref<128xi32, #tpu.memory_space<hbm>>
    %dma_start3A_913 = arith.constant 128 : i32
    %dma_start3A_914 = tpu.memref_slice %arg14[%dma_start3A_913] : memref<3072xi32, #tpu.memory_space<vmem>> -> memref<128xi32, #tpu.memory_space<vmem>>
    tpu.enqueue_dma source(%dma_start3A_914 : memref<128xi32, #tpu.memory_space<vmem>>) target(%dma_start3A_912 : memref<128xi32, #tpu.memory_space<hbm>>) target_semaphore(%arg19 : memref<!tpu.dma_semaphore, #tpu.memory_space<semaphore_mem>>)
    %mul3A_915 = arith.constant 4 : i32
    %mul3A_916 = arith.muli %mul3A_915, %select_n3A_30 : i32
    %add3A_917 = arith.constant 2 : i32
    %add3A_918 = arith.addi %mul3A_916, %add3A_917 : i32
    %mul3A_919 = arith.constant 512 : i32
    %mul3A_920 = arith.muli %add3A_918, %mul3A_919 : i32
    %add3A_921 = arith.constant 0 : i32
    %add3A_922 = arith.addi %add3A_921, %mul3A_920 : i32
    %mul3A_923 = arith.constant 128 : i32
    %mul3A_924 = arith.muli %select_n3A, %mul3A_923 : i32
    %add3A_925 = arith.addi %add3A_922, %mul3A_924 : i32
    %dma_start3A_926 = arith.constant 256 : i32
    %dma_start3A_927 = tpu.memref_slice %arg14[%dma_start3A_926] : memref<3072xi32, #tpu.memory_space<vmem>> -> memref<128xi32, #tpu.memory_space<vmem>>
    %dma_start3A_928 = tpu.memref_slice %arg6[%add3A_925] : memref<98304xi32, #tpu.memory_space<hbm>> -> memref<128xi32, #tpu.memory_space<hbm>>
    %dma_start3A_929 = tpu.memref_slice %arg6[%add3A_925] : memref<98304xi32, #tpu.memory_space<hbm>> -> memref<128xi32, #tpu.memory_space<hbm>>
    %dma_start3A_930 = arith.constant 256 : i32
    %dma_start3A_931 = tpu.memref_slice %arg14[%dma_start3A_930] : memref<3072xi32, #tpu.memory_space<vmem>> -> memref<128xi32, #tpu.memory_space<vmem>>
    tpu.enqueue_dma source(%dma_start3A_931 : memref<128xi32, #tpu.memory_space<vmem>>) target(%dma_start3A_929 : memref<128xi32, #tpu.memory_space<hbm>>) target_semaphore(%arg19 : memref<!tpu.dma_semaphore, #tpu.memory_space<semaphore_mem>>)
    %mul3A_932 = arith.constant 4 : i32
    %mul3A_933 = arith.muli %mul3A_932, %select_n3A_30 : i32
    %add3A_934 = arith.constant 3 : i32
    %add3A_935 = arith.addi %mul3A_933, %add3A_934 : i32
    %mul3A_936 = arith.constant 512 : i32
    %mul3A_937 = arith.muli %add3A_935, %mul3A_936 : i32
    %add3A_938 = arith.constant 0 : i32
    %add3A_939 = arith.addi %add3A_938, %mul3A_937 : i32
    %mul3A_940 = arith.constant 128 : i32
    %mul3A_941 = arith.muli %select_n3A, %mul3A_940 : i32
    %add3A_942 = arith.addi %add3A_939, %mul3A_941 : i32
    %dma_start3A_943 = arith.constant 384 : i32
    %dma_start3A_944 = tpu.memref_slice %arg14[%dma_start3A_943] : memref<3072xi32, #tpu.memory_space<vmem>> -> memref<128xi32, #tpu.memory_space<vmem>>
    %dma_start3A_945 = tpu.memref_slice %arg6[%add3A_942] : memref<98304xi32, #tpu.memory_space<hbm>> -> memref<128xi32, #tpu.memory_space<hbm>>
    %dma_start3A_946 = tpu.memref_slice %arg6[%add3A_942] : memref<98304xi32, #tpu.memory_space<hbm>> -> memref<128xi32, #tpu.memory_space<hbm>>
    %dma_start3A_947 = arith.constant 384 : i32
    %dma_start3A_948 = tpu.memref_slice %arg14[%dma_start3A_947] : memref<3072xi32, #tpu.memory_space<vmem>> -> memref<128xi32, #tpu.memory_space<vmem>>
    tpu.enqueue_dma source(%dma_start3A_948 : memref<128xi32, #tpu.memory_space<vmem>>) target(%dma_start3A_946 : memref<128xi32, #tpu.memory_space<hbm>>) target_semaphore(%arg19 : memref<!tpu.dma_semaphore, #tpu.memory_space<semaphore_mem>>)
    %mul3A_949 = arith.constant 4 : i32
    %mul3A_950 = arith.muli %mul3A_949, %select_n3A_30 : i32
    %add3A_951 = arith.constant 0 : i32
    %add3A_952 = arith.addi %mul3A_950, %add3A_951 : i32
    %mul3A_953 = arith.constant 512 : i32
    %mul3A_954 = arith.muli %add3A_952, %mul3A_953 : i32
    %add3A_955 = arith.constant 16384 : i32
    %add3A_956 = arith.addi %add3A_955, %mul3A_954 : i32
    %mul3A_957 = arith.constant 128 : i32
    %mul3A_958 = arith.muli %select_n3A, %mul3A_957 : i32
    %add3A_959 = arith.addi %add3A_956, %mul3A_958 : i32
    %dma_start3A_960 = arith.constant 512 : i32
    %dma_start3A_961 = tpu.memref_slice %arg14[%dma_start3A_960] : memref<3072xi32, #tpu.memory_space<vmem>> -> memref<128xi32, #tpu.memory_space<vmem>>
    %dma_start3A_962 = tpu.memref_slice %arg6[%add3A_959] : memref<98304xi32, #tpu.memory_space<hbm>> -> memref<128xi32, #tpu.memory_space<hbm>>
    %dma_start3A_963 = tpu.memref_slice %arg6[%add3A_959] : memref<98304xi32, #tpu.memory_space<hbm>> -> memref<128xi32, #tpu.memory_space<hbm>>
    %dma_start3A_964 = arith.constant 512 : i32
    %dma_start3A_965 = tpu.memref_slice %arg14[%dma_start3A_964] : memref<3072xi32, #tpu.memory_space<vmem>> -> memref<128xi32, #tpu.memory_space<vmem>>
    tpu.enqueue_dma source(%dma_start3A_965 : memref<128xi32, #tpu.memory_space<vmem>>) target(%dma_start3A_963 : memref<128xi32, #tpu.memory_space<hbm>>) target_semaphore(%arg19 : memref<!tpu.dma_semaphore, #tpu.memory_space<semaphore_mem>>)
    %mul3A_966 = arith.constant 4 : i32
    %mul3A_967 = arith.muli %mul3A_966, %select_n3A_30 : i32
    %add3A_968 = arith.constant 1 : i32
    %add3A_969 = arith.addi %mul3A_967, %add3A_968 : i32
    %mul3A_970 = arith.constant 512 : i32
    %mul3A_971 = arith.muli %add3A_969, %mul3A_970 : i32
    %add3A_972 = arith.constant 16384 : i32
    %add3A_973 = arith.addi %add3A_972, %mul3A_971 : i32
    %mul3A_974 = arith.constant 128 : i32
    %mul3A_975 = arith.muli %select_n3A, %mul3A_974 : i32
    %add3A_976 = arith.addi %add3A_973, %mul3A_975 : i32
    %dma_start3A_977 = arith.constant 640 : i32
    %dma_start3A_978 = tpu.memref_slice %arg14[%dma_start3A_977] : memref<3072xi32, #tpu.memory_space<vmem>> -> memref<128xi32, #tpu.memory_space<vmem>>
    %dma_start3A_979 = tpu.memref_slice %arg6[%add3A_976] : memref<98304xi32, #tpu.memory_space<hbm>> -> memref<128xi32, #tpu.memory_space<hbm>>
    %dma_start3A_980 = tpu.memref_slice %arg6[%add3A_976] : memref<98304xi32, #tpu.memory_space<hbm>> -> memref<128xi32, #tpu.memory_space<hbm>>
    %dma_start3A_981 = arith.constant 640 : i32
    %dma_start3A_982 = tpu.memref_slice %arg14[%dma_start3A_981] : memref<3072xi32, #tpu.memory_space<vmem>> -> memref<128xi32, #tpu.memory_space<vmem>>
    tpu.enqueue_dma source(%dma_start3A_982 : memref<128xi32, #tpu.memory_space<vmem>>) target(%dma_start3A_980 : memref<128xi32, #tpu.memory_space<hbm>>) target_semaphore(%arg19 : memref<!tpu.dma_semaphore, #tpu.memory_space<semaphore_mem>>)
    %mul3A_983 = arith.constant 4 : i32
    %mul3A_984 = arith.muli %mul3A_983, %select_n3A_30 : i32
    %add3A_985 = arith.constant 2 : i32
    %add3A_986 = arith.addi %mul3A_984, %add3A_985 : i32
    %mul3A_987 = arith.constant 512 : i32
    %mul3A_988 = arith.muli %add3A_986, %mul3A_987 : i32
    %add3A_989 = arith.constant 16384 : i32
    %add3A_990 = arith.addi %add3A_989, %mul3A_988 : i32
    %mul3A_991 = arith.constant 128 : i32
    %mul3A_992 = arith.muli %select_n3A, %mul3A_991 : i32
    %add3A_993 = arith.addi %add3A_990, %mul3A_992 : i32
    %dma_start3A_994 = arith.constant 768 : i32
    %dma_start3A_995 = tpu.memref_slice %arg14[%dma_start3A_994] : memref<3072xi32, #tpu.memory_space<vmem>> -> memref<128xi32, #tpu.memory_space<vmem>>
    %dma_start3A_996 = tpu.memref_slice %arg6[%add3A_993] : memref<98304xi32, #tpu.memory_space<hbm>> -> memref<128xi32, #tpu.memory_space<hbm>>
    %dma_start3A_997 = tpu.memref_slice %arg6[%add3A_993] : memref<98304xi32, #tpu.memory_space<hbm>> -> memref<128xi32, #tpu.memory_space<hbm>>
    %dma_start3A_998 = arith.constant 768 : i32
    %dma_start3A_999 = tpu.memref_slice %arg14[%dma_start3A_998] : memref<3072xi32, #tpu.memory_space<vmem>> -> memref<128xi32, #tpu.memory_space<vmem>>
    tpu.enqueue_dma source(%dma_start3A_999 : memref<128xi32, #tpu.memory_space<vmem>>) target(%dma_start3A_997 : memref<128xi32, #tpu.memory_space<hbm>>) target_semaphore(%arg19 : memref<!tpu.dma_semaphore, #tpu.memory_space<semaphore_mem>>)
    %mul3A_1000 = arith.constant 4 : i32
    %mul3A_1001 = arith.muli %mul3A_1000, %select_n3A_30 : i32
    %add3A_1002 = arith.constant 3 : i32
    %add3A_1003 = arith.addi %mul3A_1001, %add3A_1002 : i32
    %mul3A_1004 = arith.constant 512 : i32
    %mul3A_1005 = arith.muli %add3A_1003, %mul3A_1004 : i32
    %add3A_1006 = arith.constant 16384 : i32
    %add3A_1007 = arith.addi %add3A_1006, %mul3A_1005 : i32
    %mul3A_1008 = arith.constant 128 : i32
    %mul3A_1009 = arith.muli %select_n3A, %mul3A_1008 : i32
    %add3A_1010 = arith.addi %add3A_1007, %mul3A_1009 : i32
    %dma_start3A_1011 = arith.constant 896 : i32
    %dma_start3A_1012 = tpu.memref_slice %arg14[%dma_start3A_1011] : memref<3072xi32, #tpu.memory_space<vmem>> -> memref<128xi32, #tpu.memory_space<vmem>>
    %dma_start3A_1013 = tpu.memref_slice %arg6[%add3A_1010] : memref<98304xi32, #tpu.memory_space<hbm>> -> memref<128xi32, #tpu.memory_space<hbm>>
    %dma_start3A_1014 = tpu.memref_slice %arg6[%add3A_1010] : memref<98304xi32, #tpu.memory_space<hbm>> -> memref<128xi32, #tpu.memory_space<hbm>>
    %dma_start3A_1015 = arith.constant 896 : i32
    %dma_start3A_1016 = tpu.memref_slice %arg14[%dma_start3A_1015] : memref<3072xi32, #tpu.memory_space<vmem>> -> memref<128xi32, #tpu.memory_space<vmem>>
    tpu.enqueue_dma source(%dma_start3A_1016 : memref<128xi32, #tpu.memory_space<vmem>>) target(%dma_start3A_1014 : memref<128xi32, #tpu.memory_space<hbm>>) target_semaphore(%arg19 : memref<!tpu.dma_semaphore, #tpu.memory_space<semaphore_mem>>)
    %mul3A_1017 = arith.constant 4 : i32
    %mul3A_1018 = arith.muli %mul3A_1017, %select_n3A_30 : i32
    %add3A_1019 = arith.constant 0 : i32
    %add3A_1020 = arith.addi %mul3A_1018, %add3A_1019 : i32
    %mul3A_1021 = arith.constant 512 : i32
    %mul3A_1022 = arith.muli %add3A_1020, %mul3A_1021 : i32
    %add3A_1023 = arith.constant 32768 : i32
    %add3A_1024 = arith.addi %add3A_1023, %mul3A_1022 : i32
    %mul3A_1025 = arith.constant 128 : i32
    %mul3A_1026 = arith.muli %select_n3A, %mul3A_1025 : i32
    %add3A_1027 = arith.addi %add3A_1024, %mul3A_1026 : i32
    %dma_start3A_1028 = arith.constant 1024 : i32
    %dma_start3A_1029 = tpu.memref_slice %arg14[%dma_start3A_1028] : memref<3072xi32, #tpu.memory_space<vmem>> -> memref<128xi32, #tpu.memory_space<vmem>>
    %dma_start3A_1030 = tpu.memref_slice %arg6[%add3A_1027] : memref<98304xi32, #tpu.memory_space<hbm>> -> memref<128xi32, #tpu.memory_space<hbm>>
    %dma_start3A_1031 = tpu.memref_slice %arg6[%add3A_1027] : memref<98304xi32, #tpu.memory_space<hbm>> -> memref<128xi32, #tpu.memory_space<hbm>>
    %dma_start3A_1032 = arith.constant 1024 : i32
    %dma_start3A_1033 = tpu.memref_slice %arg14[%dma_start3A_1032] : memref<3072xi32, #tpu.memory_space<vmem>> -> memref<128xi32, #tpu.memory_space<vmem>>
    tpu.enqueue_dma source(%dma_start3A_1033 : memref<128xi32, #tpu.memory_space<vmem>>) target(%dma_start3A_1031 : memref<128xi32, #tpu.memory_space<hbm>>) target_semaphore(%arg19 : memref<!tpu.dma_semaphore, #tpu.memory_space<semaphore_mem>>)
    %mul3A_1034 = arith.constant 4 : i32
    %mul3A_1035 = arith.muli %mul3A_1034, %select_n3A_30 : i32
    %add3A_1036 = arith.constant 1 : i32
    %add3A_1037 = arith.addi %mul3A_1035, %add3A_1036 : i32
    %mul3A_1038 = arith.constant 512 : i32
    %mul3A_1039 = arith.muli %add3A_1037, %mul3A_1038 : i32
    %add3A_1040 = arith.constant 32768 : i32
    %add3A_1041 = arith.addi %add3A_1040, %mul3A_1039 : i32
    %mul3A_1042 = arith.constant 128 : i32
    %mul3A_1043 = arith.muli %select_n3A, %mul3A_1042 : i32
    %add3A_1044 = arith.addi %add3A_1041, %mul3A_1043 : i32
    %dma_start3A_1045 = arith.constant 1152 : i32
    %dma_start3A_1046 = tpu.memref_slice %arg14[%dma_start3A_1045] : memref<3072xi32, #tpu.memory_space<vmem>> -> memref<128xi32, #tpu.memory_space<vmem>>
    %dma_start3A_1047 = tpu.memref_slice %arg6[%add3A_1044] : memref<98304xi32, #tpu.memory_space<hbm>> -> memref<128xi32, #tpu.memory_space<hbm>>
    %dma_start3A_1048 = tpu.memref_slice %arg6[%add3A_1044] : memref<98304xi32, #tpu.memory_space<hbm>> -> memref<128xi32, #tpu.memory_space<hbm>>
    %dma_start3A_1049 = arith.constant 1152 : i32
    %dma_start3A_1050 = tpu.memref_slice %arg14[%dma_start3A_1049] : memref<3072xi32, #tpu.memory_space<vmem>> -> memref<128xi32, #tpu.memory_space<vmem>>
    tpu.enqueue_dma source(%dma_start3A_1050 : memref<128xi32, #tpu.memory_space<vmem>>) target(%dma_start3A_1048 : memref<128xi32, #tpu.memory_space<hbm>>) target_semaphore(%arg19 : memref<!tpu.dma_semaphore, #tpu.memory_space<semaphore_mem>>)
    %mul3A_1051 = arith.constant 4 : i32
    %mul3A_1052 = arith.muli %mul3A_1051, %select_n3A_30 : i32
    %add3A_1053 = arith.constant 2 : i32
    %add3A_1054 = arith.addi %mul3A_1052, %add3A_1053 : i32
    %mul3A_1055 = arith.constant 512 : i32
    %mul3A_1056 = arith.muli %add3A_1054, %mul3A_1055 : i32
    %add3A_1057 = arith.constant 32768 : i32
    %add3A_1058 = arith.addi %add3A_1057, %mul3A_1056 : i32
    %mul3A_1059 = arith.constant 128 : i32
    %mul3A_1060 = arith.muli %select_n3A, %mul3A_1059 : i32
    %add3A_1061 = arith.addi %add3A_1058, %mul3A_1060 : i32
    %dma_start3A_1062 = arith.constant 1280 : i32
    %dma_start3A_1063 = tpu.memref_slice %arg14[%dma_start3A_1062] : memref<3072xi32, #tpu.memory_space<vmem>> -> memref<128xi32, #tpu.memory_space<vmem>>
    %dma_start3A_1064 = tpu.memref_slice %arg6[%add3A_1061] : memref<98304xi32, #tpu.memory_space<hbm>> -> memref<128xi32, #tpu.memory_space<hbm>>
    %dma_start3A_1065 = tpu.memref_slice %arg6[%add3A_1061] : memref<98304xi32, #tpu.memory_space<hbm>> -> memref<128xi32, #tpu.memory_space<hbm>>
    %dma_start3A_1066 = arith.constant 1280 : i32
    %dma_start3A_1067 = tpu.memref_slice %arg14[%dma_start3A_1066] : memref<3072xi32, #tpu.memory_space<vmem>> -> memref<128xi32, #tpu.memory_space<vmem>>
    tpu.enqueue_dma source(%dma_start3A_1067 : memref<128xi32, #tpu.memory_space<vmem>>) target(%dma_start3A_1065 : memref<128xi32, #tpu.memory_space<hbm>>) target_semaphore(%arg19 : memref<!tpu.dma_semaphore, #tpu.memory_space<semaphore_mem>>)
    %mul3A_1068 = arith.constant 4 : i32
    %mul3A_1069 = arith.muli %mul3A_1068, %select_n3A_30 : i32
    %add3A_1070 = arith.constant 3 : i32
    %add3A_1071 = arith.addi %mul3A_1069, %add3A_1070 : i32
    %mul3A_1072 = arith.constant 512 : i32
    %mul3A_1073 = arith.muli %add3A_1071, %mul3A_1072 : i32
    %add3A_1074 = arith.constant 32768 : i32
    %add3A_1075 = arith.addi %add3A_1074, %mul3A_1073 : i32
    %mul3A_1076 = arith.constant 128 : i32
    %mul3A_1077 = arith.muli %select_n3A, %mul3A_1076 : i32
    %add3A_1078 = arith.addi %add3A_1075, %mul3A_1077 : i32
    %dma_start3A_1079 = arith.constant 1408 : i32
    %dma_start3A_1080 = tpu.memref_slice %arg14[%dma_start3A_1079] : memref<3072xi32, #tpu.memory_space<vmem>> -> memref<128xi32, #tpu.memory_space<vmem>>
    %dma_start3A_1081 = tpu.memref_slice %arg6[%add3A_1078] : memref<98304xi32, #tpu.memory_space<hbm>> -> memref<128xi32, #tpu.memory_space<hbm>>
    %dma_start3A_1082 = tpu.memref_slice %arg6[%add3A_1078] : memref<98304xi32, #tpu.memory_space<hbm>> -> memref<128xi32, #tpu.memory_space<hbm>>
    %dma_start3A_1083 = arith.constant 1408 : i32
    %dma_start3A_1084 = tpu.memref_slice %arg14[%dma_start3A_1083] : memref<3072xi32, #tpu.memory_space<vmem>> -> memref<128xi32, #tpu.memory_space<vmem>>
    tpu.enqueue_dma source(%dma_start3A_1084 : memref<128xi32, #tpu.memory_space<vmem>>) target(%dma_start3A_1082 : memref<128xi32, #tpu.memory_space<hbm>>) target_semaphore(%arg19 : memref<!tpu.dma_semaphore, #tpu.memory_space<semaphore_mem>>)
    %mul3A_1085 = arith.constant 4 : i32
    %mul3A_1086 = arith.muli %mul3A_1085, %select_n3A_30 : i32
    %add3A_1087 = arith.constant 0 : i32
    %add3A_1088 = arith.addi %mul3A_1086, %add3A_1087 : i32
    %mul3A_1089 = arith.constant 512 : i32
    %mul3A_1090 = arith.muli %add3A_1088, %mul3A_1089 : i32
    %add3A_1091 = arith.constant 49152 : i32
    %add3A_1092 = arith.addi %add3A_1091, %mul3A_1090 : i32
    %mul3A_1093 = arith.constant 128 : i32
    %mul3A_1094 = arith.muli %select_n3A, %mul3A_1093 : i32
    %add3A_1095 = arith.addi %add3A_1092, %mul3A_1094 : i32
    %dma_start3A_1096 = arith.constant 1536 : i32
    %dma_start3A_1097 = tpu.memref_slice %arg14[%dma_start3A_1096] : memref<3072xi32, #tpu.memory_space<vmem>> -> memref<128xi32, #tpu.memory_space<vmem>>
    %dma_start3A_1098 = tpu.memref_slice %arg6[%add3A_1095] : memref<98304xi32, #tpu.memory_space<hbm>> -> memref<128xi32, #tpu.memory_space<hbm>>
    %dma_start3A_1099 = tpu.memref_slice %arg6[%add3A_1095] : memref<98304xi32, #tpu.memory_space<hbm>> -> memref<128xi32, #tpu.memory_space<hbm>>
    %dma_start3A_1100 = arith.constant 1536 : i32
    %dma_start3A_1101 = tpu.memref_slice %arg14[%dma_start3A_1100] : memref<3072xi32, #tpu.memory_space<vmem>> -> memref<128xi32, #tpu.memory_space<vmem>>
    tpu.enqueue_dma source(%dma_start3A_1101 : memref<128xi32, #tpu.memory_space<vmem>>) target(%dma_start3A_1099 : memref<128xi32, #tpu.memory_space<hbm>>) target_semaphore(%arg19 : memref<!tpu.dma_semaphore, #tpu.memory_space<semaphore_mem>>)
    %mul3A_1102 = arith.constant 4 : i32
    %mul3A_1103 = arith.muli %mul3A_1102, %select_n3A_30 : i32
    %add3A_1104 = arith.constant 1 : i32
    %add3A_1105 = arith.addi %mul3A_1103, %add3A_1104 : i32
    %mul3A_1106 = arith.constant 512 : i32
    %mul3A_1107 = arith.muli %add3A_1105, %mul3A_1106 : i32
    %add3A_1108 = arith.constant 49152 : i32
    %add3A_1109 = arith.addi %add3A_1108, %mul3A_1107 : i32
    %mul3A_1110 = arith.constant 128 : i32
    %mul3A_1111 = arith.muli %select_n3A, %mul3A_1110 : i32
    %add3A_1112 = arith.addi %add3A_1109, %mul3A_1111 : i32
    %dma_start3A_1113 = arith.constant 1664 : i32
    %dma_start3A_1114 = tpu.memref_slice %arg14[%dma_start3A_1113] : memref<3072xi32, #tpu.memory_space<vmem>> -> memref<128xi32, #tpu.memory_space<vmem>>
    %dma_start3A_1115 = tpu.memref_slice %arg6[%add3A_1112] : memref<98304xi32, #tpu.memory_space<hbm>> -> memref<128xi32, #tpu.memory_space<hbm>>
    %dma_start3A_1116 = tpu.memref_slice %arg6[%add3A_1112] : memref<98304xi32, #tpu.memory_space<hbm>> -> memref<128xi32, #tpu.memory_space<hbm>>
    %dma_start3A_1117 = arith.constant 1664 : i32
    %dma_start3A_1118 = tpu.memref_slice %arg14[%dma_start3A_1117] : memref<3072xi32, #tpu.memory_space<vmem>> -> memref<128xi32, #tpu.memory_space<vmem>>
    tpu.enqueue_dma source(%dma_start3A_1118 : memref<128xi32, #tpu.memory_space<vmem>>) target(%dma_start3A_1116 : memref<128xi32, #tpu.memory_space<hbm>>) target_semaphore(%arg19 : memref<!tpu.dma_semaphore, #tpu.memory_space<semaphore_mem>>)
    %mul3A_1119 = arith.constant 4 : i32
    %mul3A_1120 = arith.muli %mul3A_1119, %select_n3A_30 : i32
    %add3A_1121 = arith.constant 2 : i32
    %add3A_1122 = arith.addi %mul3A_1120, %add3A_1121 : i32
    %mul3A_1123 = arith.constant 512 : i32
    %mul3A_1124 = arith.muli %add3A_1122, %mul3A_1123 : i32
    %add3A_1125 = arith.constant 49152 : i32
    %add3A_1126 = arith.addi %add3A_1125, %mul3A_1124 : i32
    %mul3A_1127 = arith.constant 128 : i32
    %mul3A_1128 = arith.muli %select_n3A, %mul3A_1127 : i32
    %add3A_1129 = arith.addi %add3A_1126, %mul3A_1128 : i32
    %dma_start3A_1130 = arith.constant 1792 : i32
    %dma_start3A_1131 = tpu.memref_slice %arg14[%dma_start3A_1130] : memref<3072xi32, #tpu.memory_space<vmem>> -> memref<128xi32, #tpu.memory_space<vmem>>
    %dma_start3A_1132 = tpu.memref_slice %arg6[%add3A_1129] : memref<98304xi32, #tpu.memory_space<hbm>> -> memref<128xi32, #tpu.memory_space<hbm>>
    %dma_start3A_1133 = tpu.memref_slice %arg6[%add3A_1129] : memref<98304xi32, #tpu.memory_space<hbm>> -> memref<128xi32, #tpu.memory_space<hbm>>
    %dma_start3A_1134 = arith.constant 1792 : i32
    %dma_start3A_1135 = tpu.memref_slice %arg14[%dma_start3A_1134] : memref<3072xi32, #tpu.memory_space<vmem>> -> memref<128xi32, #tpu.memory_space<vmem>>
    tpu.enqueue_dma source(%dma_start3A_1135 : memref<128xi32, #tpu.memory_space<vmem>>) target(%dma_start3A_1133 : memref<128xi32, #tpu.memory_space<hbm>>) target_semaphore(%arg19 : memref<!tpu.dma_semaphore, #tpu.memory_space<semaphore_mem>>)
    %mul3A_1136 = arith.constant 4 : i32
    %mul3A_1137 = arith.muli %mul3A_1136, %select_n3A_30 : i32
    %add3A_1138 = arith.constant 3 : i32
    %add3A_1139 = arith.addi %mul3A_1137, %add3A_1138 : i32
    %mul3A_1140 = arith.constant 512 : i32
    %mul3A_1141 = arith.muli %add3A_1139, %mul3A_1140 : i32
    %add3A_1142 = arith.constant 49152 : i32
    %add3A_1143 = arith.addi %add3A_1142, %mul3A_1141 : i32
    %mul3A_1144 = arith.constant 128 : i32
    %mul3A_1145 = arith.muli %select_n3A, %mul3A_1144 : i32
    %add3A_1146 = arith.addi %add3A_1143, %mul3A_1145 : i32
    %dma_start3A_1147 = arith.constant 1920 : i32
    %dma_start3A_1148 = tpu.memref_slice %arg14[%dma_start3A_1147] : memref<3072xi32, #tpu.memory_space<vmem>> -> memref<128xi32, #tpu.memory_space<vmem>>
    %dma_start3A_1149 = tpu.memref_slice %arg6[%add3A_1146] : memref<98304xi32, #tpu.memory_space<hbm>> -> memref<128xi32, #tpu.memory_space<hbm>>
    %dma_start3A_1150 = tpu.memref_slice %arg6[%add3A_1146] : memref<98304xi32, #tpu.memory_space<hbm>> -> memref<128xi32, #tpu.memory_space<hbm>>
    %dma_start3A_1151 = arith.constant 1920 : i32
    %dma_start3A_1152 = tpu.memref_slice %arg14[%dma_start3A_1151] : memref<3072xi32, #tpu.memory_space<vmem>> -> memref<128xi32, #tpu.memory_space<vmem>>
    tpu.enqueue_dma source(%dma_start3A_1152 : memref<128xi32, #tpu.memory_space<vmem>>) target(%dma_start3A_1150 : memref<128xi32, #tpu.memory_space<hbm>>) target_semaphore(%arg19 : memref<!tpu.dma_semaphore, #tpu.memory_space<semaphore_mem>>)
    %mul3A_1153 = arith.constant 4 : i32
    %mul3A_1154 = arith.muli %mul3A_1153, %select_n3A_30 : i32
    %add3A_1155 = arith.constant 0 : i32
    %add3A_1156 = arith.addi %mul3A_1154, %add3A_1155 : i32
    %mul3A_1157 = arith.constant 512 : i32
    %mul3A_1158 = arith.muli %add3A_1156, %mul3A_1157 : i32
    %add3A_1159 = arith.constant 65536 : i32
    %add3A_1160 = arith.addi %add3A_1159, %mul3A_1158 : i32
    %mul3A_1161 = arith.constant 128 : i32
    %mul3A_1162 = arith.muli %select_n3A, %mul3A_1161 : i32
    %add3A_1163 = arith.addi %add3A_1160, %mul3A_1162 : i32
    %dma_start3A_1164 = arith.constant 2048 : i32
    %dma_start3A_1165 = tpu.memref_slice %arg14[%dma_start3A_1164] : memref<3072xi32, #tpu.memory_space<vmem>> -> memref<128xi32, #tpu.memory_space<vmem>>
    %dma_start3A_1166 = tpu.memref_slice %arg6[%add3A_1163] : memref<98304xi32, #tpu.memory_space<hbm>> -> memref<128xi32, #tpu.memory_space<hbm>>
    %dma_start3A_1167 = tpu.memref_slice %arg6[%add3A_1163] : memref<98304xi32, #tpu.memory_space<hbm>> -> memref<128xi32, #tpu.memory_space<hbm>>
    %dma_start3A_1168 = arith.constant 2048 : i32
    %dma_start3A_1169 = tpu.memref_slice %arg14[%dma_start3A_1168] : memref<3072xi32, #tpu.memory_space<vmem>> -> memref<128xi32, #tpu.memory_space<vmem>>
    tpu.enqueue_dma source(%dma_start3A_1169 : memref<128xi32, #tpu.memory_space<vmem>>) target(%dma_start3A_1167 : memref<128xi32, #tpu.memory_space<hbm>>) target_semaphore(%arg19 : memref<!tpu.dma_semaphore, #tpu.memory_space<semaphore_mem>>)
    %mul3A_1170 = arith.constant 4 : i32
    %mul3A_1171 = arith.muli %mul3A_1170, %select_n3A_30 : i32
    %add3A_1172 = arith.constant 1 : i32
    %add3A_1173 = arith.addi %mul3A_1171, %add3A_1172 : i32
    %mul3A_1174 = arith.constant 512 : i32
    %mul3A_1175 = arith.muli %add3A_1173, %mul3A_1174 : i32
    %add3A_1176 = arith.constant 65536 : i32
    %add3A_1177 = arith.addi %add3A_1176, %mul3A_1175 : i32
    %mul3A_1178 = arith.constant 128 : i32
    %mul3A_1179 = arith.muli %select_n3A, %mul3A_1178 : i32
    %add3A_1180 = arith.addi %add3A_1177, %mul3A_1179 : i32
    %dma_start3A_1181 = arith.constant 2176 : i32
    %dma_start3A_1182 = tpu.memref_slice %arg14[%dma_start3A_1181] : memref<3072xi32, #tpu.memory_space<vmem>> -> memref<128xi32, #tpu.memory_space<vmem>>
    %dma_start3A_1183 = tpu.memref_slice %arg6[%add3A_1180] : memref<98304xi32, #tpu.memory_space<hbm>> -> memref<128xi32, #tpu.memory_space<hbm>>
    %dma_start3A_1184 = tpu.memref_slice %arg6[%add3A_1180] : memref<98304xi32, #tpu.memory_space<hbm>> -> memref<128xi32, #tpu.memory_space<hbm>>
    %dma_start3A_1185 = arith.constant 2176 : i32
    %dma_start3A_1186 = tpu.memref_slice %arg14[%dma_start3A_1185] : memref<3072xi32, #tpu.memory_space<vmem>> -> memref<128xi32, #tpu.memory_space<vmem>>
    tpu.enqueue_dma source(%dma_start3A_1186 : memref<128xi32, #tpu.memory_space<vmem>>) target(%dma_start3A_1184 : memref<128xi32, #tpu.memory_space<hbm>>) target_semaphore(%arg19 : memref<!tpu.dma_semaphore, #tpu.memory_space<semaphore_mem>>)
    %mul3A_1187 = arith.constant 4 : i32
    %mul3A_1188 = arith.muli %mul3A_1187, %select_n3A_30 : i32
    %add3A_1189 = arith.constant 2 : i32
    %add3A_1190 = arith.addi %mul3A_1188, %add3A_1189 : i32
    %mul3A_1191 = arith.constant 512 : i32
    %mul3A_1192 = arith.muli %add3A_1190, %mul3A_1191 : i32
    %add3A_1193 = arith.constant 65536 : i32
    %add3A_1194 = arith.addi %add3A_1193, %mul3A_1192 : i32
    %mul3A_1195 = arith.constant 128 : i32
    %mul3A_1196 = arith.muli %select_n3A, %mul3A_1195 : i32
    %add3A_1197 = arith.addi %add3A_1194, %mul3A_1196 : i32
    %dma_start3A_1198 = arith.constant 2304 : i32
    %dma_start3A_1199 = tpu.memref_slice %arg14[%dma_start3A_1198] : memref<3072xi32, #tpu.memory_space<vmem>> -> memref<128xi32, #tpu.memory_space<vmem>>
    %dma_start3A_1200 = tpu.memref_slice %arg6[%add3A_1197] : memref<98304xi32, #tpu.memory_space<hbm>> -> memref<128xi32, #tpu.memory_space<hbm>>
    %dma_start3A_1201 = tpu.memref_slice %arg6[%add3A_1197] : memref<98304xi32, #tpu.memory_space<hbm>> -> memref<128xi32, #tpu.memory_space<hbm>>
    %dma_start3A_1202 = arith.constant 2304 : i32
    %dma_start3A_1203 = tpu.memref_slice %arg14[%dma_start3A_1202] : memref<3072xi32, #tpu.memory_space<vmem>> -> memref<128xi32, #tpu.memory_space<vmem>>
    tpu.enqueue_dma source(%dma_start3A_1203 : memref<128xi32, #tpu.memory_space<vmem>>) target(%dma_start3A_1201 : memref<128xi32, #tpu.memory_space<hbm>>) target_semaphore(%arg19 : memref<!tpu.dma_semaphore, #tpu.memory_space<semaphore_mem>>)
    %mul3A_1204 = arith.constant 4 : i32
    %mul3A_1205 = arith.muli %mul3A_1204, %select_n3A_30 : i32
    %add3A_1206 = arith.constant 3 : i32
    %add3A_1207 = arith.addi %mul3A_1205, %add3A_1206 : i32
    %mul3A_1208 = arith.constant 512 : i32
    %mul3A_1209 = arith.muli %add3A_1207, %mul3A_1208 : i32
    %add3A_1210 = arith.constant 65536 : i32
    %add3A_1211 = arith.addi %add3A_1210, %mul3A_1209 : i32
    %mul3A_1212 = arith.constant 128 : i32
    %mul3A_1213 = arith.muli %select_n3A, %mul3A_1212 : i32
    %add3A_1214 = arith.addi %add3A_1211, %mul3A_1213 : i32
    %dma_start3A_1215 = arith.constant 2432 : i32
    %dma_start3A_1216 = tpu.memref_slice %arg14[%dma_start3A_1215] : memref<3072xi32, #tpu.memory_space<vmem>> -> memref<128xi32, #tpu.memory_space<vmem>>
    %dma_start3A_1217 = tpu.memref_slice %arg6[%add3A_1214] : memref<98304xi32, #tpu.memory_space<hbm>> -> memref<128xi32, #tpu.memory_space<hbm>>
    %dma_start3A_1218 = tpu.memref_slice %arg6[%add3A_1214] : memref<98304xi32, #tpu.memory_space<hbm>> -> memref<128xi32, #tpu.memory_space<hbm>>
    %dma_start3A_1219 = arith.constant 2432 : i32
    %dma_start3A_1220 = tpu.memref_slice %arg14[%dma_start3A_1219] : memref<3072xi32, #tpu.memory_space<vmem>> -> memref<128xi32, #tpu.memory_space<vmem>>
    tpu.enqueue_dma source(%dma_start3A_1220 : memref<128xi32, #tpu.memory_space<vmem>>) target(%dma_start3A_1218 : memref<128xi32, #tpu.memory_space<hbm>>) target_semaphore(%arg19 : memref<!tpu.dma_semaphore, #tpu.memory_space<semaphore_mem>>)
    %mul3A_1221 = arith.constant 4 : i32
    %mul3A_1222 = arith.muli %mul3A_1221, %select_n3A_30 : i32
    %add3A_1223 = arith.constant 0 : i32
    %add3A_1224 = arith.addi %mul3A_1222, %add3A_1223 : i32
    %mul3A_1225 = arith.constant 512 : i32
    %mul3A_1226 = arith.muli %add3A_1224, %mul3A_1225 : i32
    %add3A_1227 = arith.constant 81920 : i32
    %add3A_1228 = arith.addi %add3A_1227, %mul3A_1226 : i32
    %mul3A_1229 = arith.constant 128 : i32
    %mul3A_1230 = arith.muli %select_n3A, %mul3A_1229 : i32
    %add3A_1231 = arith.addi %add3A_1228, %mul3A_1230 : i32
    %dma_start3A_1232 = arith.constant 2560 : i32
    %dma_start3A_1233 = tpu.memref_slice %arg14[%dma_start3A_1232] : memref<3072xi32, #tpu.memory_space<vmem>> -> memref<128xi32, #tpu.memory_space<vmem>>
    %dma_start3A_1234 = tpu.memref_slice %arg6[%add3A_1231] : memref<98304xi32, #tpu.memory_space<hbm>> -> memref<128xi32, #tpu.memory_space<hbm>>
    %dma_start3A_1235 = tpu.memref_slice %arg6[%add3A_1231] : memref<98304xi32, #tpu.memory_space<hbm>> -> memref<128xi32, #tpu.memory_space<hbm>>
    %dma_start3A_1236 = arith.constant 2560 : i32
    %dma_start3A_1237 = tpu.memref_slice %arg14[%dma_start3A_1236] : memref<3072xi32, #tpu.memory_space<vmem>> -> memref<128xi32, #tpu.memory_space<vmem>>
    tpu.enqueue_dma source(%dma_start3A_1237 : memref<128xi32, #tpu.memory_space<vmem>>) target(%dma_start3A_1235 : memref<128xi32, #tpu.memory_space<hbm>>) target_semaphore(%arg19 : memref<!tpu.dma_semaphore, #tpu.memory_space<semaphore_mem>>)
    %mul3A_1238 = arith.constant 4 : i32
    %mul3A_1239 = arith.muli %mul3A_1238, %select_n3A_30 : i32
    %add3A_1240 = arith.constant 1 : i32
    %add3A_1241 = arith.addi %mul3A_1239, %add3A_1240 : i32
    %mul3A_1242 = arith.constant 512 : i32
    %mul3A_1243 = arith.muli %add3A_1241, %mul3A_1242 : i32
    %add3A_1244 = arith.constant 81920 : i32
    %add3A_1245 = arith.addi %add3A_1244, %mul3A_1243 : i32
    %mul3A_1246 = arith.constant 128 : i32
    %mul3A_1247 = arith.muli %select_n3A, %mul3A_1246 : i32
    %add3A_1248 = arith.addi %add3A_1245, %mul3A_1247 : i32
    %dma_start3A_1249 = arith.constant 2688 : i32
    %dma_start3A_1250 = tpu.memref_slice %arg14[%dma_start3A_1249] : memref<3072xi32, #tpu.memory_space<vmem>> -> memref<128xi32, #tpu.memory_space<vmem>>
    %dma_start3A_1251 = tpu.memref_slice %arg6[%add3A_1248] : memref<98304xi32, #tpu.memory_space<hbm>> -> memref<128xi32, #tpu.memory_space<hbm>>
    %dma_start3A_1252 = tpu.memref_slice %arg6[%add3A_1248] : memref<98304xi32, #tpu.memory_space<hbm>> -> memref<128xi32, #tpu.memory_space<hbm>>
    %dma_start3A_1253 = arith.constant 2688 : i32
    %dma_start3A_1254 = tpu.memref_slice %arg14[%dma_start3A_1253] : memref<3072xi32, #tpu.memory_space<vmem>> -> memref<128xi32, #tpu.memory_space<vmem>>
    tpu.enqueue_dma source(%dma_start3A_1254 : memref<128xi32, #tpu.memory_space<vmem>>) target(%dma_start3A_1252 : memref<128xi32, #tpu.memory_space<hbm>>) target_semaphore(%arg19 : memref<!tpu.dma_semaphore, #tpu.memory_space<semaphore_mem>>)
    %mul3A_1255 = arith.constant 4 : i32
    %mul3A_1256 = arith.muli %mul3A_1255, %select_n3A_30 : i32
    %add3A_1257 = arith.constant 2 : i32
    %add3A_1258 = arith.addi %mul3A_1256, %add3A_1257 : i32
    %mul3A_1259 = arith.constant 512 : i32
    %mul3A_1260 = arith.muli %add3A_1258, %mul3A_1259 : i32
    %add3A_1261 = arith.constant 81920 : i32
    %add3A_1262 = arith.addi %add3A_1261, %mul3A_1260 : i32
    %mul3A_1263 = arith.constant 128 : i32
    %mul3A_1264 = arith.muli %select_n3A, %mul3A_1263 : i32
    %add3A_1265 = arith.addi %add3A_1262, %mul3A_1264 : i32
    %dma_start3A_1266 = arith.constant 2816 : i32
    %dma_start3A_1267 = tpu.memref_slice %arg14[%dma_start3A_1266] : memref<3072xi32, #tpu.memory_space<vmem>> -> memref<128xi32, #tpu.memory_space<vmem>>
    %dma_start3A_1268 = tpu.memref_slice %arg6[%add3A_1265] : memref<98304xi32, #tpu.memory_space<hbm>> -> memref<128xi32, #tpu.memory_space<hbm>>
    %dma_start3A_1269 = tpu.memref_slice %arg6[%add3A_1265] : memref<98304xi32, #tpu.memory_space<hbm>> -> memref<128xi32, #tpu.memory_space<hbm>>
    %dma_start3A_1270 = arith.constant 2816 : i32
    %dma_start3A_1271 = tpu.memref_slice %arg14[%dma_start3A_1270] : memref<3072xi32, #tpu.memory_space<vmem>> -> memref<128xi32, #tpu.memory_space<vmem>>
    tpu.enqueue_dma source(%dma_start3A_1271 : memref<128xi32, #tpu.memory_space<vmem>>) target(%dma_start3A_1269 : memref<128xi32, #tpu.memory_space<hbm>>) target_semaphore(%arg19 : memref<!tpu.dma_semaphore, #tpu.memory_space<semaphore_mem>>)
    %mul3A_1272 = arith.constant 4 : i32
    %mul3A_1273 = arith.muli %mul3A_1272, %select_n3A_30 : i32
    %add3A_1274 = arith.constant 3 : i32
    %add3A_1275 = arith.addi %mul3A_1273, %add3A_1274 : i32
    %mul3A_1276 = arith.constant 512 : i32
    %mul3A_1277 = arith.muli %add3A_1275, %mul3A_1276 : i32
    %add3A_1278 = arith.constant 81920 : i32
    %add3A_1279 = arith.addi %add3A_1278, %mul3A_1277 : i32
    %mul3A_1280 = arith.constant 128 : i32
    %mul3A_1281 = arith.muli %select_n3A, %mul3A_1280 : i32
    %add3A_1282 = arith.addi %add3A_1279, %mul3A_1281 : i32
    %dma_start3A_1283 = arith.constant 2944 : i32
    %dma_start3A_1284 = tpu.memref_slice %arg14[%dma_start3A_1283] : memref<3072xi32, #tpu.memory_space<vmem>> -> memref<128xi32, #tpu.memory_space<vmem>>
    %dma_start3A_1285 = tpu.memref_slice %arg6[%add3A_1282] : memref<98304xi32, #tpu.memory_space<hbm>> -> memref<128xi32, #tpu.memory_space<hbm>>
    %dma_start3A_1286 = tpu.memref_slice %arg6[%add3A_1282] : memref<98304xi32, #tpu.memory_space<hbm>> -> memref<128xi32, #tpu.memory_space<hbm>>
    %dma_start3A_1287 = arith.constant 2944 : i32
    %dma_start3A_1288 = tpu.memref_slice %arg14[%dma_start3A_1287] : memref<3072xi32, #tpu.memory_space<vmem>> -> memref<128xi32, #tpu.memory_space<vmem>>
    tpu.enqueue_dma source(%dma_start3A_1288 : memref<128xi32, #tpu.memory_space<vmem>>) target(%dma_start3A_1286 : memref<128xi32, #tpu.memory_space<hbm>>) target_semaphore(%arg19 : memref<!tpu.dma_semaphore, #tpu.memory_space<semaphore_mem>>)
    %dma_wait3A_1289 = arith.constant 0 : i32
    %dma_wait3A_1290 = tpu.memref_slice %arg13[%dma_wait3A_1289] : memref<3072xi32, #tpu.memory_space<vmem>> -> memref<128xi32, #tpu.memory_space<vmem>>
    %dma_wait3A_1291 = tpu.memref_slice %arg5[%add3A_478] : memref<98304xi32, #tpu.memory_space<hbm>> -> memref<128xi32, #tpu.memory_space<hbm>>
    %dma_wait3A_1292 = tpu.memref_slice %arg5[%add3A_478] : memref<98304xi32, #tpu.memory_space<hbm>> -> memref<128xi32, #tpu.memory_space<hbm>>
    %dma_wait3A_1293 = arith.constant 0 : i32
    %dma_wait3A_1294 = tpu.memref_slice %arg13[%dma_wait3A_1293] : memref<3072xi32, #tpu.memory_space<vmem>> -> memref<128xi32, #tpu.memory_space<vmem>>
    tpu.wait_dma2 semaphore(%arg19 : memref<!tpu.dma_semaphore, #tpu.memory_space<semaphore_mem>>) src(%dma_wait3A_1294 : memref<128xi32, #tpu.memory_space<vmem>>) dst(%dma_wait3A_1292 : memref<128xi32, #tpu.memory_space<hbm>>)
    %dma_wait3A_1295 = arith.constant 128 : i32
    %dma_wait3A_1296 = tpu.memref_slice %arg13[%dma_wait3A_1295] : memref<3072xi32, #tpu.memory_space<vmem>> -> memref<128xi32, #tpu.memory_space<vmem>>
    %dma_wait3A_1297 = tpu.memref_slice %arg5[%add3A_495] : memref<98304xi32, #tpu.memory_space<hbm>> -> memref<128xi32, #tpu.memory_space<hbm>>
    %dma_wait3A_1298 = tpu.memref_slice %arg5[%add3A_495] : memref<98304xi32, #tpu.memory_space<hbm>> -> memref<128xi32, #tpu.memory_space<hbm>>
    %dma_wait3A_1299 = arith.constant 128 : i32
    %dma_wait3A_1300 = tpu.memref_slice %arg13[%dma_wait3A_1299] : memref<3072xi32, #tpu.memory_space<vmem>> -> memref<128xi32, #tpu.memory_space<vmem>>
    tpu.wait_dma2 semaphore(%arg19 : memref<!tpu.dma_semaphore, #tpu.memory_space<semaphore_mem>>) src(%dma_wait3A_1300 : memref<128xi32, #tpu.memory_space<vmem>>) dst(%dma_wait3A_1298 : memref<128xi32, #tpu.memory_space<hbm>>)
    %dma_wait3A_1301 = arith.constant 256 : i32
    %dma_wait3A_1302 = tpu.memref_slice %arg13[%dma_wait3A_1301] : memref<3072xi32, #tpu.memory_space<vmem>> -> memref<128xi32, #tpu.memory_space<vmem>>
    %dma_wait3A_1303 = tpu.memref_slice %arg5[%add3A_512] : memref<98304xi32, #tpu.memory_space<hbm>> -> memref<128xi32, #tpu.memory_space<hbm>>
    %dma_wait3A_1304 = tpu.memref_slice %arg5[%add3A_512] : memref<98304xi32, #tpu.memory_space<hbm>> -> memref<128xi32, #tpu.memory_space<hbm>>
    %dma_wait3A_1305 = arith.constant 256 : i32
    %dma_wait3A_1306 = tpu.memref_slice %arg13[%dma_wait3A_1305] : memref<3072xi32, #tpu.memory_space<vmem>> -> memref<128xi32, #tpu.memory_space<vmem>>
    tpu.wait_dma2 semaphore(%arg19 : memref<!tpu.dma_semaphore, #tpu.memory_space<semaphore_mem>>) src(%dma_wait3A_1306 : memref<128xi32, #tpu.memory_space<vmem>>) dst(%dma_wait3A_1304 : memref<128xi32, #tpu.memory_space<hbm>>)
    %dma_wait3A_1307 = arith.constant 384 : i32
    %dma_wait3A_1308 = tpu.memref_slice %arg13[%dma_wait3A_1307] : memref<3072xi32, #tpu.memory_space<vmem>> -> memref<128xi32, #tpu.memory_space<vmem>>
    %dma_wait3A_1309 = tpu.memref_slice %arg5[%add3A_529] : memref<98304xi32, #tpu.memory_space<hbm>> -> memref<128xi32, #tpu.memory_space<hbm>>
    %dma_wait3A_1310 = tpu.memref_slice %arg5[%add3A_529] : memref<98304xi32, #tpu.memory_space<hbm>> -> memref<128xi32, #tpu.memory_space<hbm>>
    %dma_wait3A_1311 = arith.constant 384 : i32
    %dma_wait3A_1312 = tpu.memref_slice %arg13[%dma_wait3A_1311] : memref<3072xi32, #tpu.memory_space<vmem>> -> memref<128xi32, #tpu.memory_space<vmem>>
    tpu.wait_dma2 semaphore(%arg19 : memref<!tpu.dma_semaphore, #tpu.memory_space<semaphore_mem>>) src(%dma_wait3A_1312 : memref<128xi32, #tpu.memory_space<vmem>>) dst(%dma_wait3A_1310 : memref<128xi32, #tpu.memory_space<hbm>>)
    %dma_wait3A_1313 = arith.constant 512 : i32
    %dma_wait3A_1314 = tpu.memref_slice %arg13[%dma_wait3A_1313] : memref<3072xi32, #tpu.memory_space<vmem>> -> memref<128xi32, #tpu.memory_space<vmem>>
    %dma_wait3A_1315 = tpu.memref_slice %arg5[%add3A_546] : memref<98304xi32, #tpu.memory_space<hbm>> -> memref<128xi32, #tpu.memory_space<hbm>>
    %dma_wait3A_1316 = tpu.memref_slice %arg5[%add3A_546] : memref<98304xi32, #tpu.memory_space<hbm>> -> memref<128xi32, #tpu.memory_space<hbm>>
    %dma_wait3A_1317 = arith.constant 512 : i32
    %dma_wait3A_1318 = tpu.memref_slice %arg13[%dma_wait3A_1317] : memref<3072xi32, #tpu.memory_space<vmem>> -> memref<128xi32, #tpu.memory_space<vmem>>
    tpu.wait_dma2 semaphore(%arg19 : memref<!tpu.dma_semaphore, #tpu.memory_space<semaphore_mem>>) src(%dma_wait3A_1318 : memref<128xi32, #tpu.memory_space<vmem>>) dst(%dma_wait3A_1316 : memref<128xi32, #tpu.memory_space<hbm>>)
    %dma_wait3A_1319 = arith.constant 640 : i32
    %dma_wait3A_1320 = tpu.memref_slice %arg13[%dma_wait3A_1319] : memref<3072xi32, #tpu.memory_space<vmem>> -> memref<128xi32, #tpu.memory_space<vmem>>
    %dma_wait3A_1321 = tpu.memref_slice %arg5[%add3A_563] : memref<98304xi32, #tpu.memory_space<hbm>> -> memref<128xi32, #tpu.memory_space<hbm>>
    %dma_wait3A_1322 = tpu.memref_slice %arg5[%add3A_563] : memref<98304xi32, #tpu.memory_space<hbm>> -> memref<128xi32, #tpu.memory_space<hbm>>
    %dma_wait3A_1323 = arith.constant 640 : i32
    %dma_wait3A_1324 = tpu.memref_slice %arg13[%dma_wait3A_1323] : memref<3072xi32, #tpu.memory_space<vmem>> -> memref<128xi32, #tpu.memory_space<vmem>>
    tpu.wait_dma2 semaphore(%arg19 : memref<!tpu.dma_semaphore, #tpu.memory_space<semaphore_mem>>) src(%dma_wait3A_1324 : memref<128xi32, #tpu.memory_space<vmem>>) dst(%dma_wait3A_1322 : memref<128xi32, #tpu.memory_space<hbm>>)
    %dma_wait3A_1325 = arith.constant 768 : i32
    %dma_wait3A_1326 = tpu.memref_slice %arg13[%dma_wait3A_1325] : memref<3072xi32, #tpu.memory_space<vmem>> -> memref<128xi32, #tpu.memory_space<vmem>>
    %dma_wait3A_1327 = tpu.memref_slice %arg5[%add3A_580] : memref<98304xi32, #tpu.memory_space<hbm>> -> memref<128xi32, #tpu.memory_space<hbm>>
    %dma_wait3A_1328 = tpu.memref_slice %arg5[%add3A_580] : memref<98304xi32, #tpu.memory_space<hbm>> -> memref<128xi32, #tpu.memory_space<hbm>>
    %dma_wait3A_1329 = arith.constant 768 : i32
    %dma_wait3A_1330 = tpu.memref_slice %arg13[%dma_wait3A_1329] : memref<3072xi32, #tpu.memory_space<vmem>> -> memref<128xi32, #tpu.memory_space<vmem>>
    tpu.wait_dma2 semaphore(%arg19 : memref<!tpu.dma_semaphore, #tpu.memory_space<semaphore_mem>>) src(%dma_wait3A_1330 : memref<128xi32, #tpu.memory_space<vmem>>) dst(%dma_wait3A_1328 : memref<128xi32, #tpu.memory_space<hbm>>)
    %dma_wait3A_1331 = arith.constant 896 : i32
    %dma_wait3A_1332 = tpu.memref_slice %arg13[%dma_wait3A_1331] : memref<3072xi32, #tpu.memory_space<vmem>> -> memref<128xi32, #tpu.memory_space<vmem>>
    %dma_wait3A_1333 = tpu.memref_slice %arg5[%add3A_597] : memref<98304xi32, #tpu.memory_space<hbm>> -> memref<128xi32, #tpu.memory_space<hbm>>
    %dma_wait3A_1334 = tpu.memref_slice %arg5[%add3A_597] : memref<98304xi32, #tpu.memory_space<hbm>> -> memref<128xi32, #tpu.memory_space<hbm>>
    %dma_wait3A_1335 = arith.constant 896 : i32
    %dma_wait3A_1336 = tpu.memref_slice %arg13[%dma_wait3A_1335] : memref<3072xi32, #tpu.memory_space<vmem>> -> memref<128xi32, #tpu.memory_space<vmem>>
    tpu.wait_dma2 semaphore(%arg19 : memref<!tpu.dma_semaphore, #tpu.memory_space<semaphore_mem>>) src(%dma_wait3A_1336 : memref<128xi32, #tpu.memory_space<vmem>>) dst(%dma_wait3A_1334 : memref<128xi32, #tpu.memory_space<hbm>>)
    %dma_wait3A_1337 = arith.constant 1024 : i32
    %dma_wait3A_1338 = tpu.memref_slice %arg13[%dma_wait3A_1337] : memref<3072xi32, #tpu.memory_space<vmem>> -> memref<128xi32, #tpu.memory_space<vmem>>
    %dma_wait3A_1339 = tpu.memref_slice %arg5[%add3A_614] : memref<98304xi32, #tpu.memory_space<hbm>> -> memref<128xi32, #tpu.memory_space<hbm>>
    %dma_wait3A_1340 = tpu.memref_slice %arg5[%add3A_614] : memref<98304xi32, #tpu.memory_space<hbm>> -> memref<128xi32, #tpu.memory_space<hbm>>
    %dma_wait3A_1341 = arith.constant 1024 : i32
    %dma_wait3A_1342 = tpu.memref_slice %arg13[%dma_wait3A_1341] : memref<3072xi32, #tpu.memory_space<vmem>> -> memref<128xi32, #tpu.memory_space<vmem>>
    tpu.wait_dma2 semaphore(%arg19 : memref<!tpu.dma_semaphore, #tpu.memory_space<semaphore_mem>>) src(%dma_wait3A_1342 : memref<128xi32, #tpu.memory_space<vmem>>) dst(%dma_wait3A_1340 : memref<128xi32, #tpu.memory_space<hbm>>)
    %dma_wait3A_1343 = arith.constant 1152 : i32
    %dma_wait3A_1344 = tpu.memref_slice %arg13[%dma_wait3A_1343] : memref<3072xi32, #tpu.memory_space<vmem>> -> memref<128xi32, #tpu.memory_space<vmem>>
    %dma_wait3A_1345 = tpu.memref_slice %arg5[%add3A_631] : memref<98304xi32, #tpu.memory_space<hbm>> -> memref<128xi32, #tpu.memory_space<hbm>>
    %dma_wait3A_1346 = tpu.memref_slice %arg5[%add3A_631] : memref<98304xi32, #tpu.memory_space<hbm>> -> memref<128xi32, #tpu.memory_space<hbm>>
    %dma_wait3A_1347 = arith.constant 1152 : i32
    %dma_wait3A_1348 = tpu.memref_slice %arg13[%dma_wait3A_1347] : memref<3072xi32, #tpu.memory_space<vmem>> -> memref<128xi32, #tpu.memory_space<vmem>>
    tpu.wait_dma2 semaphore(%arg19 : memref<!tpu.dma_semaphore, #tpu.memory_space<semaphore_mem>>) src(%dma_wait3A_1348 : memref<128xi32, #tpu.memory_space<vmem>>) dst(%dma_wait3A_1346 : memref<128xi32, #tpu.memory_space<hbm>>)
    %dma_wait3A_1349 = arith.constant 1280 : i32
    %dma_wait3A_1350 = tpu.memref_slice %arg13[%dma_wait3A_1349] : memref<3072xi32, #tpu.memory_space<vmem>> -> memref<128xi32, #tpu.memory_space<vmem>>
    %dma_wait3A_1351 = tpu.memref_slice %arg5[%add3A_648] : memref<98304xi32, #tpu.memory_space<hbm>> -> memref<128xi32, #tpu.memory_space<hbm>>
    %dma_wait3A_1352 = tpu.memref_slice %arg5[%add3A_648] : memref<98304xi32, #tpu.memory_space<hbm>> -> memref<128xi32, #tpu.memory_space<hbm>>
    %dma_wait3A_1353 = arith.constant 1280 : i32
    %dma_wait3A_1354 = tpu.memref_slice %arg13[%dma_wait3A_1353] : memref<3072xi32, #tpu.memory_space<vmem>> -> memref<128xi32, #tpu.memory_space<vmem>>
    tpu.wait_dma2 semaphore(%arg19 : memref<!tpu.dma_semaphore, #tpu.memory_space<semaphore_mem>>) src(%dma_wait3A_1354 : memref<128xi32, #tpu.memory_space<vmem>>) dst(%dma_wait3A_1352 : memref<128xi32, #tpu.memory_space<hbm>>)
    %dma_wait3A_1355 = arith.constant 1408 : i32
    %dma_wait3A_1356 = tpu.memref_slice %arg13[%dma_wait3A_1355] : memref<3072xi32, #tpu.memory_space<vmem>> -> memref<128xi32, #tpu.memory_space<vmem>>
    %dma_wait3A_1357 = tpu.memref_slice %arg5[%add3A_665] : memref<98304xi32, #tpu.memory_space<hbm>> -> memref<128xi32, #tpu.memory_space<hbm>>
    %dma_wait3A_1358 = tpu.memref_slice %arg5[%add3A_665] : memref<98304xi32, #tpu.memory_space<hbm>> -> memref<128xi32, #tpu.memory_space<hbm>>
    %dma_wait3A_1359 = arith.constant 1408 : i32
    %dma_wait3A_1360 = tpu.memref_slice %arg13[%dma_wait3A_1359] : memref<3072xi32, #tpu.memory_space<vmem>> -> memref<128xi32, #tpu.memory_space<vmem>>
    tpu.wait_dma2 semaphore(%arg19 : memref<!tpu.dma_semaphore, #tpu.memory_space<semaphore_mem>>) src(%dma_wait3A_1360 : memref<128xi32, #tpu.memory_space<vmem>>) dst(%dma_wait3A_1358 : memref<128xi32, #tpu.memory_space<hbm>>)
    %dma_wait3A_1361 = arith.constant 1536 : i32
    %dma_wait3A_1362 = tpu.memref_slice %arg13[%dma_wait3A_1361] : memref<3072xi32, #tpu.memory_space<vmem>> -> memref<128xi32, #tpu.memory_space<vmem>>
    %dma_wait3A_1363 = tpu.memref_slice %arg5[%add3A_682] : memref<98304xi32, #tpu.memory_space<hbm>> -> memref<128xi32, #tpu.memory_space<hbm>>
    %dma_wait3A_1364 = tpu.memref_slice %arg5[%add3A_682] : memref<98304xi32, #tpu.memory_space<hbm>> -> memref<128xi32, #tpu.memory_space<hbm>>
    %dma_wait3A_1365 = arith.constant 1536 : i32
    %dma_wait3A_1366 = tpu.memref_slice %arg13[%dma_wait3A_1365] : memref<3072xi32, #tpu.memory_space<vmem>> -> memref<128xi32, #tpu.memory_space<vmem>>
    tpu.wait_dma2 semaphore(%arg19 : memref<!tpu.dma_semaphore, #tpu.memory_space<semaphore_mem>>) src(%dma_wait3A_1366 : memref<128xi32, #tpu.memory_space<vmem>>) dst(%dma_wait3A_1364 : memref<128xi32, #tpu.memory_space<hbm>>)
    %dma_wait3A_1367 = arith.constant 1664 : i32
    %dma_wait3A_1368 = tpu.memref_slice %arg13[%dma_wait3A_1367] : memref<3072xi32, #tpu.memory_space<vmem>> -> memref<128xi32, #tpu.memory_space<vmem>>
    %dma_wait3A_1369 = tpu.memref_slice %arg5[%add3A_699] : memref<98304xi32, #tpu.memory_space<hbm>> -> memref<128xi32, #tpu.memory_space<hbm>>
    %dma_wait3A_1370 = tpu.memref_slice %arg5[%add3A_699] : memref<98304xi32, #tpu.memory_space<hbm>> -> memref<128xi32, #tpu.memory_space<hbm>>
    %dma_wait3A_1371 = arith.constant 1664 : i32
    %dma_wait3A_1372 = tpu.memref_slice %arg13[%dma_wait3A_1371] : memref<3072xi32, #tpu.memory_space<vmem>> -> memref<128xi32, #tpu.memory_space<vmem>>
    tpu.wait_dma2 semaphore(%arg19 : memref<!tpu.dma_semaphore, #tpu.memory_space<semaphore_mem>>) src(%dma_wait3A_1372 : memref<128xi32, #tpu.memory_space<vmem>>) dst(%dma_wait3A_1370 : memref<128xi32, #tpu.memory_space<hbm>>)
    %dma_wait3A_1373 = arith.constant 1792 : i32
    %dma_wait3A_1374 = tpu.memref_slice %arg13[%dma_wait3A_1373] : memref<3072xi32, #tpu.memory_space<vmem>> -> memref<128xi32, #tpu.memory_space<vmem>>
    %dma_wait3A_1375 = tpu.memref_slice %arg5[%add3A_716] : memref<98304xi32, #tpu.memory_space<hbm>> -> memref<128xi32, #tpu.memory_space<hbm>>
    %dma_wait3A_1376 = tpu.memref_slice %arg5[%add3A_716] : memref<98304xi32, #tpu.memory_space<hbm>> -> memref<128xi32, #tpu.memory_space<hbm>>
    %dma_wait3A_1377 = arith.constant 1792 : i32
    %dma_wait3A_1378 = tpu.memref_slice %arg13[%dma_wait3A_1377] : memref<3072xi32, #tpu.memory_space<vmem>> -> memref<128xi32, #tpu.memory_space<vmem>>
    tpu.wait_dma2 semaphore(%arg19 : memref<!tpu.dma_semaphore, #tpu.memory_space<semaphore_mem>>) src(%dma_wait3A_1378 : memref<128xi32, #tpu.memory_space<vmem>>) dst(%dma_wait3A_1376 : memref<128xi32, #tpu.memory_space<hbm>>)
    %dma_wait3A_1379 = arith.constant 1920 : i32
    %dma_wait3A_1380 = tpu.memref_slice %arg13[%dma_wait3A_1379] : memref<3072xi32, #tpu.memory_space<vmem>> -> memref<128xi32, #tpu.memory_space<vmem>>
    %dma_wait3A_1381 = tpu.memref_slice %arg5[%add3A_733] : memref<98304xi32, #tpu.memory_space<hbm>> -> memref<128xi32, #tpu.memory_space<hbm>>
    %dma_wait3A_1382 = tpu.memref_slice %arg5[%add3A_733] : memref<98304xi32, #tpu.memory_space<hbm>> -> memref<128xi32, #tpu.memory_space<hbm>>
    %dma_wait3A_1383 = arith.constant 1920 : i32
    %dma_wait3A_1384 = tpu.memref_slice %arg13[%dma_wait3A_1383] : memref<3072xi32, #tpu.memory_space<vmem>> -> memref<128xi32, #tpu.memory_space<vmem>>
    tpu.wait_dma2 semaphore(%arg19 : memref<!tpu.dma_semaphore, #tpu.memory_space<semaphore_mem>>) src(%dma_wait3A_1384 : memref<128xi32, #tpu.memory_space<vmem>>) dst(%dma_wait3A_1382 : memref<128xi32, #tpu.memory_space<hbm>>)
    %dma_wait3A_1385 = arith.constant 2048 : i32
    %dma_wait3A_1386 = tpu.memref_slice %arg13[%dma_wait3A_1385] : memref<3072xi32, #tpu.memory_space<vmem>> -> memref<128xi32, #tpu.memory_space<vmem>>
    %dma_wait3A_1387 = tpu.memref_slice %arg5[%add3A_750] : memref<98304xi32, #tpu.memory_space<hbm>> -> memref<128xi32, #tpu.memory_space<hbm>>
    %dma_wait3A_1388 = tpu.memref_slice %arg5[%add3A_750] : memref<98304xi32, #tpu.memory_space<hbm>> -> memref<128xi32, #tpu.memory_space<hbm>>
    %dma_wait3A_1389 = arith.constant 2048 : i32
    %dma_wait3A_1390 = tpu.memref_slice %arg13[%dma_wait3A_1389] : memref<3072xi32, #tpu.memory_space<vmem>> -> memref<128xi32, #tpu.memory_space<vmem>>
    tpu.wait_dma2 semaphore(%arg19 : memref<!tpu.dma_semaphore, #tpu.memory_space<semaphore_mem>>) src(%dma_wait3A_1390 : memref<128xi32, #tpu.memory_space<vmem>>) dst(%dma_wait3A_1388 : memref<128xi32, #tpu.memory_space<hbm>>)
    %dma_wait3A_1391 = arith.constant 2176 : i32
    %dma_wait3A_1392 = tpu.memref_slice %arg13[%dma_wait3A_1391] : memref<3072xi32, #tpu.memory_space<vmem>> -> memref<128xi32, #tpu.memory_space<vmem>>
    %dma_wait3A_1393 = tpu.memref_slice %arg5[%add3A_767] : memref<98304xi32, #tpu.memory_space<hbm>> -> memref<128xi32, #tpu.memory_space<hbm>>
    %dma_wait3A_1394 = tpu.memref_slice %arg5[%add3A_767] : memref<98304xi32, #tpu.memory_space<hbm>> -> memref<128xi32, #tpu.memory_space<hbm>>
    %dma_wait3A_1395 = arith.constant 2176 : i32
    %dma_wait3A_1396 = tpu.memref_slice %arg13[%dma_wait3A_1395] : memref<3072xi32, #tpu.memory_space<vmem>> -> memref<128xi32, #tpu.memory_space<vmem>>
    tpu.wait_dma2 semaphore(%arg19 : memref<!tpu.dma_semaphore, #tpu.memory_space<semaphore_mem>>) src(%dma_wait3A_1396 : memref<128xi32, #tpu.memory_space<vmem>>) dst(%dma_wait3A_1394 : memref<128xi32, #tpu.memory_space<hbm>>)
    %dma_wait3A_1397 = arith.constant 2304 : i32
    %dma_wait3A_1398 = tpu.memref_slice %arg13[%dma_wait3A_1397] : memref<3072xi32, #tpu.memory_space<vmem>> -> memref<128xi32, #tpu.memory_space<vmem>>
    %dma_wait3A_1399 = tpu.memref_slice %arg5[%add3A_784] : memref<98304xi32, #tpu.memory_space<hbm>> -> memref<128xi32, #tpu.memory_space<hbm>>
    %dma_wait3A_1400 = tpu.memref_slice %arg5[%add3A_784] : memref<98304xi32, #tpu.memory_space<hbm>> -> memref<128xi32, #tpu.memory_space<hbm>>
    %dma_wait3A_1401 = arith.constant 2304 : i32
    %dma_wait3A_1402 = tpu.memref_slice %arg13[%dma_wait3A_1401] : memref<3072xi32, #tpu.memory_space<vmem>> -> memref<128xi32, #tpu.memory_space<vmem>>
    tpu.wait_dma2 semaphore(%arg19 : memref<!tpu.dma_semaphore, #tpu.memory_space<semaphore_mem>>) src(%dma_wait3A_1402 : memref<128xi32, #tpu.memory_space<vmem>>) dst(%dma_wait3A_1400 : memref<128xi32, #tpu.memory_space<hbm>>)
    %dma_wait3A_1403 = arith.constant 2432 : i32
    %dma_wait3A_1404 = tpu.memref_slice %arg13[%dma_wait3A_1403] : memref<3072xi32, #tpu.memory_space<vmem>> -> memref<128xi32, #tpu.memory_space<vmem>>
    %dma_wait3A_1405 = tpu.memref_slice %arg5[%add3A_801] : memref<98304xi32, #tpu.memory_space<hbm>> -> memref<128xi32, #tpu.memory_space<hbm>>
    %dma_wait3A_1406 = tpu.memref_slice %arg5[%add3A_801] : memref<98304xi32, #tpu.memory_space<hbm>> -> memref<128xi32, #tpu.memory_space<hbm>>
    %dma_wait3A_1407 = arith.constant 2432 : i32
    %dma_wait3A_1408 = tpu.memref_slice %arg13[%dma_wait3A_1407] : memref<3072xi32, #tpu.memory_space<vmem>> -> memref<128xi32, #tpu.memory_space<vmem>>
    tpu.wait_dma2 semaphore(%arg19 : memref<!tpu.dma_semaphore, #tpu.memory_space<semaphore_mem>>) src(%dma_wait3A_1408 : memref<128xi32, #tpu.memory_space<vmem>>) dst(%dma_wait3A_1406 : memref<128xi32, #tpu.memory_space<hbm>>)
    %dma_wait3A_1409 = arith.constant 2560 : i32
    %dma_wait3A_1410 = tpu.memref_slice %arg13[%dma_wait3A_1409] : memref<3072xi32, #tpu.memory_space<vmem>> -> memref<128xi32, #tpu.memory_space<vmem>>
    %dma_wait3A_1411 = tpu.memref_slice %arg5[%add3A_818] : memref<98304xi32, #tpu.memory_space<hbm>> -> memref<128xi32, #tpu.memory_space<hbm>>
    %dma_wait3A_1412 = tpu.memref_slice %arg5[%add3A_818] : memref<98304xi32, #tpu.memory_space<hbm>> -> memref<128xi32, #tpu.memory_space<hbm>>
    %dma_wait3A_1413 = arith.constant 2560 : i32
    %dma_wait3A_1414 = tpu.memref_slice %arg13[%dma_wait3A_1413] : memref<3072xi32, #tpu.memory_space<vmem>> -> memref<128xi32, #tpu.memory_space<vmem>>
    tpu.wait_dma2 semaphore(%arg19 : memref<!tpu.dma_semaphore, #tpu.memory_space<semaphore_mem>>) src(%dma_wait3A_1414 : memref<128xi32, #tpu.memory_space<vmem>>) dst(%dma_wait3A_1412 : memref<128xi32, #tpu.memory_space<hbm>>)
    %dma_wait3A_1415 = arith.constant 2688 : i32
    %dma_wait3A_1416 = tpu.memref_slice %arg13[%dma_wait3A_1415] : memref<3072xi32, #tpu.memory_space<vmem>> -> memref<128xi32, #tpu.memory_space<vmem>>
    %dma_wait3A_1417 = tpu.memref_slice %arg5[%add3A_835] : memref<98304xi32, #tpu.memory_space<hbm>> -> memref<128xi32, #tpu.memory_space<hbm>>
    %dma_wait3A_1418 = tpu.memref_slice %arg5[%add3A_835] : memref<98304xi32, #tpu.memory_space<hbm>> -> memref<128xi32, #tpu.memory_space<hbm>>
    %dma_wait3A_1419 = arith.constant 2688 : i32
    %dma_wait3A_1420 = tpu.memref_slice %arg13[%dma_wait3A_1419] : memref<3072xi32, #tpu.memory_space<vmem>> -> memref<128xi32, #tpu.memory_space<vmem>>
    tpu.wait_dma2 semaphore(%arg19 : memref<!tpu.dma_semaphore, #tpu.memory_space<semaphore_mem>>) src(%dma_wait3A_1420 : memref<128xi32, #tpu.memory_space<vmem>>) dst(%dma_wait3A_1418 : memref<128xi32, #tpu.memory_space<hbm>>)
    %dma_wait3A_1421 = arith.constant 2816 : i32
    %dma_wait3A_1422 = tpu.memref_slice %arg13[%dma_wait3A_1421] : memref<3072xi32, #tpu.memory_space<vmem>> -> memref<128xi32, #tpu.memory_space<vmem>>
    %dma_wait3A_1423 = tpu.memref_slice %arg5[%add3A_852] : memref<98304xi32, #tpu.memory_space<hbm>> -> memref<128xi32, #tpu.memory_space<hbm>>
    %dma_wait3A_1424 = tpu.memref_slice %arg5[%add3A_852] : memref<98304xi32, #tpu.memory_space<hbm>> -> memref<128xi32, #tpu.memory_space<hbm>>
    %dma_wait3A_1425 = arith.constant 2816 : i32
    %dma_wait3A_1426 = tpu.memref_slice %arg13[%dma_wait3A_1425] : memref<3072xi32, #tpu.memory_space<vmem>> -> memref<128xi32, #tpu.memory_space<vmem>>
    tpu.wait_dma2 semaphore(%arg19 : memref<!tpu.dma_semaphore, #tpu.memory_space<semaphore_mem>>) src(%dma_wait3A_1426 : memref<128xi32, #tpu.memory_space<vmem>>) dst(%dma_wait3A_1424 : memref<128xi32, #tpu.memory_space<hbm>>)
    %dma_wait3A_1427 = arith.constant 2944 : i32
    %dma_wait3A_1428 = tpu.memref_slice %arg13[%dma_wait3A_1427] : memref<3072xi32, #tpu.memory_space<vmem>> -> memref<128xi32, #tpu.memory_space<vmem>>
    %dma_wait3A_1429 = tpu.memref_slice %arg5[%add3A_869] : memref<98304xi32, #tpu.memory_space<hbm>> -> memref<128xi32, #tpu.memory_space<hbm>>
    %dma_wait3A_1430 = tpu.memref_slice %arg5[%add3A_869] : memref<98304xi32, #tpu.memory_space<hbm>> -> memref<128xi32, #tpu.memory_space<hbm>>
    %dma_wait3A_1431 = arith.constant 2944 : i32
    %dma_wait3A_1432 = tpu.memref_slice %arg13[%dma_wait3A_1431] : memref<3072xi32, #tpu.memory_space<vmem>> -> memref<128xi32, #tpu.memory_space<vmem>>
    tpu.wait_dma2 semaphore(%arg19 : memref<!tpu.dma_semaphore, #tpu.memory_space<semaphore_mem>>) src(%dma_wait3A_1432 : memref<128xi32, #tpu.memory_space<vmem>>) dst(%dma_wait3A_1430 : memref<128xi32, #tpu.memory_space<hbm>>)
    %dma_wait3A_1433 = arith.constant 0 : i32
    %dma_wait3A_1434 = tpu.memref_slice %arg14[%dma_wait3A_1433] : memref<3072xi32, #tpu.memory_space<vmem>> -> memref<128xi32, #tpu.memory_space<vmem>>
    %dma_wait3A_1435 = tpu.memref_slice %arg6[%add3A_891] : memref<98304xi32, #tpu.memory_space<hbm>> -> memref<128xi32, #tpu.memory_space<hbm>>
    %dma_wait3A_1436 = tpu.memref_slice %arg6[%add3A_891] : memref<98304xi32, #tpu.memory_space<hbm>> -> memref<128xi32, #tpu.memory_space<hbm>>
    %dma_wait3A_1437 = arith.constant 0 : i32
    %dma_wait3A_1438 = tpu.memref_slice %arg14[%dma_wait3A_1437] : memref<3072xi32, #tpu.memory_space<vmem>> -> memref<128xi32, #tpu.memory_space<vmem>>
    tpu.wait_dma2 semaphore(%arg19 : memref<!tpu.dma_semaphore, #tpu.memory_space<semaphore_mem>>) src(%dma_wait3A_1438 : memref<128xi32, #tpu.memory_space<vmem>>) dst(%dma_wait3A_1436 : memref<128xi32, #tpu.memory_space<hbm>>)
    %dma_wait3A_1439 = arith.constant 128 : i32
    %dma_wait3A_1440 = tpu.memref_slice %arg14[%dma_wait3A_1439] : memref<3072xi32, #tpu.memory_space<vmem>> -> memref<128xi32, #tpu.memory_space<vmem>>
    %dma_wait3A_1441 = tpu.memref_slice %arg6[%add3A_908] : memref<98304xi32, #tpu.memory_space<hbm>> -> memref<128xi32, #tpu.memory_space<hbm>>
    %dma_wait3A_1442 = tpu.memref_slice %arg6[%add3A_908] : memref<98304xi32, #tpu.memory_space<hbm>> -> memref<128xi32, #tpu.memory_space<hbm>>
    %dma_wait3A_1443 = arith.constant 128 : i32
    %dma_wait3A_1444 = tpu.memref_slice %arg14[%dma_wait3A_1443] : memref<3072xi32, #tpu.memory_space<vmem>> -> memref<128xi32, #tpu.memory_space<vmem>>
    tpu.wait_dma2 semaphore(%arg19 : memref<!tpu.dma_semaphore, #tpu.memory_space<semaphore_mem>>) src(%dma_wait3A_1444 : memref<128xi32, #tpu.memory_space<vmem>>) dst(%dma_wait3A_1442 : memref<128xi32, #tpu.memory_space<hbm>>)
    %dma_wait3A_1445 = arith.constant 256 : i32
    %dma_wait3A_1446 = tpu.memref_slice %arg14[%dma_wait3A_1445] : memref<3072xi32, #tpu.memory_space<vmem>> -> memref<128xi32, #tpu.memory_space<vmem>>
    %dma_wait3A_1447 = tpu.memref_slice %arg6[%add3A_925] : memref<98304xi32, #tpu.memory_space<hbm>> -> memref<128xi32, #tpu.memory_space<hbm>>
    %dma_wait3A_1448 = tpu.memref_slice %arg6[%add3A_925] : memref<98304xi32, #tpu.memory_space<hbm>> -> memref<128xi32, #tpu.memory_space<hbm>>
    %dma_wait3A_1449 = arith.constant 256 : i32
    %dma_wait3A_1450 = tpu.memref_slice %arg14[%dma_wait3A_1449] : memref<3072xi32, #tpu.memory_space<vmem>> -> memref<128xi32, #tpu.memory_space<vmem>>
    tpu.wait_dma2 semaphore(%arg19 : memref<!tpu.dma_semaphore, #tpu.memory_space<semaphore_mem>>) src(%dma_wait3A_1450 : memref<128xi32, #tpu.memory_space<vmem>>) dst(%dma_wait3A_1448 : memref<128xi32, #tpu.memory_space<hbm>>)
    %dma_wait3A_1451 = arith.constant 384 : i32
    %dma_wait3A_1452 = tpu.memref_slice %arg14[%dma_wait3A_1451] : memref<3072xi32, #tpu.memory_space<vmem>> -> memref<128xi32, #tpu.memory_space<vmem>>
    %dma_wait3A_1453 = tpu.memref_slice %arg6[%add3A_942] : memref<98304xi32, #tpu.memory_space<hbm>> -> memref<128xi32, #tpu.memory_space<hbm>>
    %dma_wait3A_1454 = tpu.memref_slice %arg6[%add3A_942] : memref<98304xi32, #tpu.memory_space<hbm>> -> memref<128xi32, #tpu.memory_space<hbm>>
    %dma_wait3A_1455 = arith.constant 384 : i32
    %dma_wait3A_1456 = tpu.memref_slice %arg14[%dma_wait3A_1455] : memref<3072xi32, #tpu.memory_space<vmem>> -> memref<128xi32, #tpu.memory_space<vmem>>
    tpu.wait_dma2 semaphore(%arg19 : memref<!tpu.dma_semaphore, #tpu.memory_space<semaphore_mem>>) src(%dma_wait3A_1456 : memref<128xi32, #tpu.memory_space<vmem>>) dst(%dma_wait3A_1454 : memref<128xi32, #tpu.memory_space<hbm>>)
    %dma_wait3A_1457 = arith.constant 512 : i32
    %dma_wait3A_1458 = tpu.memref_slice %arg14[%dma_wait3A_1457] : memref<3072xi32, #tpu.memory_space<vmem>> -> memref<128xi32, #tpu.memory_space<vmem>>
    %dma_wait3A_1459 = tpu.memref_slice %arg6[%add3A_959] : memref<98304xi32, #tpu.memory_space<hbm>> -> memref<128xi32, #tpu.memory_space<hbm>>
    %dma_wait3A_1460 = tpu.memref_slice %arg6[%add3A_959] : memref<98304xi32, #tpu.memory_space<hbm>> -> memref<128xi32, #tpu.memory_space<hbm>>
    %dma_wait3A_1461 = arith.constant 512 : i32
    %dma_wait3A_1462 = tpu.memref_slice %arg14[%dma_wait3A_1461] : memref<3072xi32, #tpu.memory_space<vmem>> -> memref<128xi32, #tpu.memory_space<vmem>>
    tpu.wait_dma2 semaphore(%arg19 : memref<!tpu.dma_semaphore, #tpu.memory_space<semaphore_mem>>) src(%dma_wait3A_1462 : memref<128xi32, #tpu.memory_space<vmem>>) dst(%dma_wait3A_1460 : memref<128xi32, #tpu.memory_space<hbm>>)
    %dma_wait3A_1463 = arith.constant 640 : i32
    %dma_wait3A_1464 = tpu.memref_slice %arg14[%dma_wait3A_1463] : memref<3072xi32, #tpu.memory_space<vmem>> -> memref<128xi32, #tpu.memory_space<vmem>>
    %dma_wait3A_1465 = tpu.memref_slice %arg6[%add3A_976] : memref<98304xi32, #tpu.memory_space<hbm>> -> memref<128xi32, #tpu.memory_space<hbm>>
    %dma_wait3A_1466 = tpu.memref_slice %arg6[%add3A_976] : memref<98304xi32, #tpu.memory_space<hbm>> -> memref<128xi32, #tpu.memory_space<hbm>>
    %dma_wait3A_1467 = arith.constant 640 : i32
    %dma_wait3A_1468 = tpu.memref_slice %arg14[%dma_wait3A_1467] : memref<3072xi32, #tpu.memory_space<vmem>> -> memref<128xi32, #tpu.memory_space<vmem>>
    tpu.wait_dma2 semaphore(%arg19 : memref<!tpu.dma_semaphore, #tpu.memory_space<semaphore_mem>>) src(%dma_wait3A_1468 : memref<128xi32, #tpu.memory_space<vmem>>) dst(%dma_wait3A_1466 : memref<128xi32, #tpu.memory_space<hbm>>)
    %dma_wait3A_1469 = arith.constant 768 : i32
    %dma_wait3A_1470 = tpu.memref_slice %arg14[%dma_wait3A_1469] : memref<3072xi32, #tpu.memory_space<vmem>> -> memref<128xi32, #tpu.memory_space<vmem>>
    %dma_wait3A_1471 = tpu.memref_slice %arg6[%add3A_993] : memref<98304xi32, #tpu.memory_space<hbm>> -> memref<128xi32, #tpu.memory_space<hbm>>
    %dma_wait3A_1472 = tpu.memref_slice %arg6[%add3A_993] : memref<98304xi32, #tpu.memory_space<hbm>> -> memref<128xi32, #tpu.memory_space<hbm>>
    %dma_wait3A_1473 = arith.constant 768 : i32
    %dma_wait3A_1474 = tpu.memref_slice %arg14[%dma_wait3A_1473] : memref<3072xi32, #tpu.memory_space<vmem>> -> memref<128xi32, #tpu.memory_space<vmem>>
    tpu.wait_dma2 semaphore(%arg19 : memref<!tpu.dma_semaphore, #tpu.memory_space<semaphore_mem>>) src(%dma_wait3A_1474 : memref<128xi32, #tpu.memory_space<vmem>>) dst(%dma_wait3A_1472 : memref<128xi32, #tpu.memory_space<hbm>>)
    %dma_wait3A_1475 = arith.constant 896 : i32
    %dma_wait3A_1476 = tpu.memref_slice %arg14[%dma_wait3A_1475] : memref<3072xi32, #tpu.memory_space<vmem>> -> memref<128xi32, #tpu.memory_space<vmem>>
    %dma_wait3A_1477 = tpu.memref_slice %arg6[%add3A_1010] : memref<98304xi32, #tpu.memory_space<hbm>> -> memref<128xi32, #tpu.memory_space<hbm>>
    %dma_wait3A_1478 = tpu.memref_slice %arg6[%add3A_1010] : memref<98304xi32, #tpu.memory_space<hbm>> -> memref<128xi32, #tpu.memory_space<hbm>>
    %dma_wait3A_1479 = arith.constant 896 : i32
    %dma_wait3A_1480 = tpu.memref_slice %arg14[%dma_wait3A_1479] : memref<3072xi32, #tpu.memory_space<vmem>> -> memref<128xi32, #tpu.memory_space<vmem>>
    tpu.wait_dma2 semaphore(%arg19 : memref<!tpu.dma_semaphore, #tpu.memory_space<semaphore_mem>>) src(%dma_wait3A_1480 : memref<128xi32, #tpu.memory_space<vmem>>) dst(%dma_wait3A_1478 : memref<128xi32, #tpu.memory_space<hbm>>)
    %dma_wait3A_1481 = arith.constant 1024 : i32
    %dma_wait3A_1482 = tpu.memref_slice %arg14[%dma_wait3A_1481] : memref<3072xi32, #tpu.memory_space<vmem>> -> memref<128xi32, #tpu.memory_space<vmem>>
    %dma_wait3A_1483 = tpu.memref_slice %arg6[%add3A_1027] : memref<98304xi32, #tpu.memory_space<hbm>> -> memref<128xi32, #tpu.memory_space<hbm>>
    %dma_wait3A_1484 = tpu.memref_slice %arg6[%add3A_1027] : memref<98304xi32, #tpu.memory_space<hbm>> -> memref<128xi32, #tpu.memory_space<hbm>>
    %dma_wait3A_1485 = arith.constant 1024 : i32
    %dma_wait3A_1486 = tpu.memref_slice %arg14[%dma_wait3A_1485] : memref<3072xi32, #tpu.memory_space<vmem>> -> memref<128xi32, #tpu.memory_space<vmem>>
    tpu.wait_dma2 semaphore(%arg19 : memref<!tpu.dma_semaphore, #tpu.memory_space<semaphore_mem>>) src(%dma_wait3A_1486 : memref<128xi32, #tpu.memory_space<vmem>>) dst(%dma_wait3A_1484 : memref<128xi32, #tpu.memory_space<hbm>>)
    %dma_wait3A_1487 = arith.constant 1152 : i32
    %dma_wait3A_1488 = tpu.memref_slice %arg14[%dma_wait3A_1487] : memref<3072xi32, #tpu.memory_space<vmem>> -> memref<128xi32, #tpu.memory_space<vmem>>
    %dma_wait3A_1489 = tpu.memref_slice %arg6[%add3A_1044] : memref<98304xi32, #tpu.memory_space<hbm>> -> memref<128xi32, #tpu.memory_space<hbm>>
    %dma_wait3A_1490 = tpu.memref_slice %arg6[%add3A_1044] : memref<98304xi32, #tpu.memory_space<hbm>> -> memref<128xi32, #tpu.memory_space<hbm>>
    %dma_wait3A_1491 = arith.constant 1152 : i32
    %dma_wait3A_1492 = tpu.memref_slice %arg14[%dma_wait3A_1491] : memref<3072xi32, #tpu.memory_space<vmem>> -> memref<128xi32, #tpu.memory_space<vmem>>
    tpu.wait_dma2 semaphore(%arg19 : memref<!tpu.dma_semaphore, #tpu.memory_space<semaphore_mem>>) src(%dma_wait3A_1492 : memref<128xi32, #tpu.memory_space<vmem>>) dst(%dma_wait3A_1490 : memref<128xi32, #tpu.memory_space<hbm>>)
    %dma_wait3A_1493 = arith.constant 1280 : i32
    %dma_wait3A_1494 = tpu.memref_slice %arg14[%dma_wait3A_1493] : memref<3072xi32, #tpu.memory_space<vmem>> -> memref<128xi32, #tpu.memory_space<vmem>>
    %dma_wait3A_1495 = tpu.memref_slice %arg6[%add3A_1061] : memref<98304xi32, #tpu.memory_space<hbm>> -> memref<128xi32, #tpu.memory_space<hbm>>
    %dma_wait3A_1496 = tpu.memref_slice %arg6[%add3A_1061] : memref<98304xi32, #tpu.memory_space<hbm>> -> memref<128xi32, #tpu.memory_space<hbm>>
    %dma_wait3A_1497 = arith.constant 1280 : i32
    %dma_wait3A_1498 = tpu.memref_slice %arg14[%dma_wait3A_1497] : memref<3072xi32, #tpu.memory_space<vmem>> -> memref<128xi32, #tpu.memory_space<vmem>>
    tpu.wait_dma2 semaphore(%arg19 : memref<!tpu.dma_semaphore, #tpu.memory_space<semaphore_mem>>) src(%dma_wait3A_1498 : memref<128xi32, #tpu.memory_space<vmem>>) dst(%dma_wait3A_1496 : memref<128xi32, #tpu.memory_space<hbm>>)
    %dma_wait3A_1499 = arith.constant 1408 : i32
    %dma_wait3A_1500 = tpu.memref_slice %arg14[%dma_wait3A_1499] : memref<3072xi32, #tpu.memory_space<vmem>> -> memref<128xi32, #tpu.memory_space<vmem>>
    %dma_wait3A_1501 = tpu.memref_slice %arg6[%add3A_1078] : memref<98304xi32, #tpu.memory_space<hbm>> -> memref<128xi32, #tpu.memory_space<hbm>>
    %dma_wait3A_1502 = tpu.memref_slice %arg6[%add3A_1078] : memref<98304xi32, #tpu.memory_space<hbm>> -> memref<128xi32, #tpu.memory_space<hbm>>
    %dma_wait3A_1503 = arith.constant 1408 : i32
    %dma_wait3A_1504 = tpu.memref_slice %arg14[%dma_wait3A_1503] : memref<3072xi32, #tpu.memory_space<vmem>> -> memref<128xi32, #tpu.memory_space<vmem>>
    tpu.wait_dma2 semaphore(%arg19 : memref<!tpu.dma_semaphore, #tpu.memory_space<semaphore_mem>>) src(%dma_wait3A_1504 : memref<128xi32, #tpu.memory_space<vmem>>) dst(%dma_wait3A_1502 : memref<128xi32, #tpu.memory_space<hbm>>)
    %dma_wait3A_1505 = arith.constant 1536 : i32
    %dma_wait3A_1506 = tpu.memref_slice %arg14[%dma_wait3A_1505] : memref<3072xi32, #tpu.memory_space<vmem>> -> memref<128xi32, #tpu.memory_space<vmem>>
    %dma_wait3A_1507 = tpu.memref_slice %arg6[%add3A_1095] : memref<98304xi32, #tpu.memory_space<hbm>> -> memref<128xi32, #tpu.memory_space<hbm>>
    %dma_wait3A_1508 = tpu.memref_slice %arg6[%add3A_1095] : memref<98304xi32, #tpu.memory_space<hbm>> -> memref<128xi32, #tpu.memory_space<hbm>>
    %dma_wait3A_1509 = arith.constant 1536 : i32
    %dma_wait3A_1510 = tpu.memref_slice %arg14[%dma_wait3A_1509] : memref<3072xi32, #tpu.memory_space<vmem>> -> memref<128xi32, #tpu.memory_space<vmem>>
    tpu.wait_dma2 semaphore(%arg19 : memref<!tpu.dma_semaphore, #tpu.memory_space<semaphore_mem>>) src(%dma_wait3A_1510 : memref<128xi32, #tpu.memory_space<vmem>>) dst(%dma_wait3A_1508 : memref<128xi32, #tpu.memory_space<hbm>>)
    %dma_wait3A_1511 = arith.constant 1664 : i32
    %dma_wait3A_1512 = tpu.memref_slice %arg14[%dma_wait3A_1511] : memref<3072xi32, #tpu.memory_space<vmem>> -> memref<128xi32, #tpu.memory_space<vmem>>
    %dma_wait3A_1513 = tpu.memref_slice %arg6[%add3A_1112] : memref<98304xi32, #tpu.memory_space<hbm>> -> memref<128xi32, #tpu.memory_space<hbm>>
    %dma_wait3A_1514 = tpu.memref_slice %arg6[%add3A_1112] : memref<98304xi32, #tpu.memory_space<hbm>> -> memref<128xi32, #tpu.memory_space<hbm>>
    %dma_wait3A_1515 = arith.constant 1664 : i32
    %dma_wait3A_1516 = tpu.memref_slice %arg14[%dma_wait3A_1515] : memref<3072xi32, #tpu.memory_space<vmem>> -> memref<128xi32, #tpu.memory_space<vmem>>
    tpu.wait_dma2 semaphore(%arg19 : memref<!tpu.dma_semaphore, #tpu.memory_space<semaphore_mem>>) src(%dma_wait3A_1516 : memref<128xi32, #tpu.memory_space<vmem>>) dst(%dma_wait3A_1514 : memref<128xi32, #tpu.memory_space<hbm>>)
    %dma_wait3A_1517 = arith.constant 1792 : i32
    %dma_wait3A_1518 = tpu.memref_slice %arg14[%dma_wait3A_1517] : memref<3072xi32, #tpu.memory_space<vmem>> -> memref<128xi32, #tpu.memory_space<vmem>>
    %dma_wait3A_1519 = tpu.memref_slice %arg6[%add3A_1129] : memref<98304xi32, #tpu.memory_space<hbm>> -> memref<128xi32, #tpu.memory_space<hbm>>
    %dma_wait3A_1520 = tpu.memref_slice %arg6[%add3A_1129] : memref<98304xi32, #tpu.memory_space<hbm>> -> memref<128xi32, #tpu.memory_space<hbm>>
    %dma_wait3A_1521 = arith.constant 1792 : i32
    %dma_wait3A_1522 = tpu.memref_slice %arg14[%dma_wait3A_1521] : memref<3072xi32, #tpu.memory_space<vmem>> -> memref<128xi32, #tpu.memory_space<vmem>>
    tpu.wait_dma2 semaphore(%arg19 : memref<!tpu.dma_semaphore, #tpu.memory_space<semaphore_mem>>) src(%dma_wait3A_1522 : memref<128xi32, #tpu.memory_space<vmem>>) dst(%dma_wait3A_1520 : memref<128xi32, #tpu.memory_space<hbm>>)
    %dma_wait3A_1523 = arith.constant 1920 : i32
    %dma_wait3A_1524 = tpu.memref_slice %arg14[%dma_wait3A_1523] : memref<3072xi32, #tpu.memory_space<vmem>> -> memref<128xi32, #tpu.memory_space<vmem>>
    %dma_wait3A_1525 = tpu.memref_slice %arg6[%add3A_1146] : memref<98304xi32, #tpu.memory_space<hbm>> -> memref<128xi32, #tpu.memory_space<hbm>>
    %dma_wait3A_1526 = tpu.memref_slice %arg6[%add3A_1146] : memref<98304xi32, #tpu.memory_space<hbm>> -> memref<128xi32, #tpu.memory_space<hbm>>
    %dma_wait3A_1527 = arith.constant 1920 : i32
    %dma_wait3A_1528 = tpu.memref_slice %arg14[%dma_wait3A_1527] : memref<3072xi32, #tpu.memory_space<vmem>> -> memref<128xi32, #tpu.memory_space<vmem>>
    tpu.wait_dma2 semaphore(%arg19 : memref<!tpu.dma_semaphore, #tpu.memory_space<semaphore_mem>>) src(%dma_wait3A_1528 : memref<128xi32, #tpu.memory_space<vmem>>) dst(%dma_wait3A_1526 : memref<128xi32, #tpu.memory_space<hbm>>)
    %dma_wait3A_1529 = arith.constant 2048 : i32
    %dma_wait3A_1530 = tpu.memref_slice %arg14[%dma_wait3A_1529] : memref<3072xi32, #tpu.memory_space<vmem>> -> memref<128xi32, #tpu.memory_space<vmem>>
    %dma_wait3A_1531 = tpu.memref_slice %arg6[%add3A_1163] : memref<98304xi32, #tpu.memory_space<hbm>> -> memref<128xi32, #tpu.memory_space<hbm>>
    %dma_wait3A_1532 = tpu.memref_slice %arg6[%add3A_1163] : memref<98304xi32, #tpu.memory_space<hbm>> -> memref<128xi32, #tpu.memory_space<hbm>>
    %dma_wait3A_1533 = arith.constant 2048 : i32
    %dma_wait3A_1534 = tpu.memref_slice %arg14[%dma_wait3A_1533] : memref<3072xi32, #tpu.memory_space<vmem>> -> memref<128xi32, #tpu.memory_space<vmem>>
    tpu.wait_dma2 semaphore(%arg19 : memref<!tpu.dma_semaphore, #tpu.memory_space<semaphore_mem>>) src(%dma_wait3A_1534 : memref<128xi32, #tpu.memory_space<vmem>>) dst(%dma_wait3A_1532 : memref<128xi32, #tpu.memory_space<hbm>>)
    %dma_wait3A_1535 = arith.constant 2176 : i32
    %dma_wait3A_1536 = tpu.memref_slice %arg14[%dma_wait3A_1535] : memref<3072xi32, #tpu.memory_space<vmem>> -> memref<128xi32, #tpu.memory_space<vmem>>
    %dma_wait3A_1537 = tpu.memref_slice %arg6[%add3A_1180] : memref<98304xi32, #tpu.memory_space<hbm>> -> memref<128xi32, #tpu.memory_space<hbm>>
    %dma_wait3A_1538 = tpu.memref_slice %arg6[%add3A_1180] : memref<98304xi32, #tpu.memory_space<hbm>> -> memref<128xi32, #tpu.memory_space<hbm>>
    %dma_wait3A_1539 = arith.constant 2176 : i32
    %dma_wait3A_1540 = tpu.memref_slice %arg14[%dma_wait3A_1539] : memref<3072xi32, #tpu.memory_space<vmem>> -> memref<128xi32, #tpu.memory_space<vmem>>
    tpu.wait_dma2 semaphore(%arg19 : memref<!tpu.dma_semaphore, #tpu.memory_space<semaphore_mem>>) src(%dma_wait3A_1540 : memref<128xi32, #tpu.memory_space<vmem>>) dst(%dma_wait3A_1538 : memref<128xi32, #tpu.memory_space<hbm>>)
    %dma_wait3A_1541 = arith.constant 2304 : i32
    %dma_wait3A_1542 = tpu.memref_slice %arg14[%dma_wait3A_1541] : memref<3072xi32, #tpu.memory_space<vmem>> -> memref<128xi32, #tpu.memory_space<vmem>>
    %dma_wait3A_1543 = tpu.memref_slice %arg6[%add3A_1197] : memref<98304xi32, #tpu.memory_space<hbm>> -> memref<128xi32, #tpu.memory_space<hbm>>
    %dma_wait3A_1544 = tpu.memref_slice %arg6[%add3A_1197] : memref<98304xi32, #tpu.memory_space<hbm>> -> memref<128xi32, #tpu.memory_space<hbm>>
    %dma_wait3A_1545 = arith.constant 2304 : i32
    %dma_wait3A_1546 = tpu.memref_slice %arg14[%dma_wait3A_1545] : memref<3072xi32, #tpu.memory_space<vmem>> -> memref<128xi32, #tpu.memory_space<vmem>>
    tpu.wait_dma2 semaphore(%arg19 : memref<!tpu.dma_semaphore, #tpu.memory_space<semaphore_mem>>) src(%dma_wait3A_1546 : memref<128xi32, #tpu.memory_space<vmem>>) dst(%dma_wait3A_1544 : memref<128xi32, #tpu.memory_space<hbm>>)
    %dma_wait3A_1547 = arith.constant 2432 : i32
    %dma_wait3A_1548 = tpu.memref_slice %arg14[%dma_wait3A_1547] : memref<3072xi32, #tpu.memory_space<vmem>> -> memref<128xi32, #tpu.memory_space<vmem>>
    %dma_wait3A_1549 = tpu.memref_slice %arg6[%add3A_1214] : memref<98304xi32, #tpu.memory_space<hbm>> -> memref<128xi32, #tpu.memory_space<hbm>>
    %dma_wait3A_1550 = tpu.memref_slice %arg6[%add3A_1214] : memref<98304xi32, #tpu.memory_space<hbm>> -> memref<128xi32, #tpu.memory_space<hbm>>
    %dma_wait3A_1551 = arith.constant 2432 : i32
    %dma_wait3A_1552 = tpu.memref_slice %arg14[%dma_wait3A_1551] : memref<3072xi32, #tpu.memory_space<vmem>> -> memref<128xi32, #tpu.memory_space<vmem>>
    tpu.wait_dma2 semaphore(%arg19 : memref<!tpu.dma_semaphore, #tpu.memory_space<semaphore_mem>>) src(%dma_wait3A_1552 : memref<128xi32, #tpu.memory_space<vmem>>) dst(%dma_wait3A_1550 : memref<128xi32, #tpu.memory_space<hbm>>)
    %dma_wait3A_1553 = arith.constant 2560 : i32
    %dma_wait3A_1554 = tpu.memref_slice %arg14[%dma_wait3A_1553] : memref<3072xi32, #tpu.memory_space<vmem>> -> memref<128xi32, #tpu.memory_space<vmem>>
    %dma_wait3A_1555 = tpu.memref_slice %arg6[%add3A_1231] : memref<98304xi32, #tpu.memory_space<hbm>> -> memref<128xi32, #tpu.memory_space<hbm>>
    %dma_wait3A_1556 = tpu.memref_slice %arg6[%add3A_1231] : memref<98304xi32, #tpu.memory_space<hbm>> -> memref<128xi32, #tpu.memory_space<hbm>>
    %dma_wait3A_1557 = arith.constant 2560 : i32
    %dma_wait3A_1558 = tpu.memref_slice %arg14[%dma_wait3A_1557] : memref<3072xi32, #tpu.memory_space<vmem>> -> memref<128xi32, #tpu.memory_space<vmem>>
    tpu.wait_dma2 semaphore(%arg19 : memref<!tpu.dma_semaphore, #tpu.memory_space<semaphore_mem>>) src(%dma_wait3A_1558 : memref<128xi32, #tpu.memory_space<vmem>>) dst(%dma_wait3A_1556 : memref<128xi32, #tpu.memory_space<hbm>>)
    %dma_wait3A_1559 = arith.constant 2688 : i32
    %dma_wait3A_1560 = tpu.memref_slice %arg14[%dma_wait3A_1559] : memref<3072xi32, #tpu.memory_space<vmem>> -> memref<128xi32, #tpu.memory_space<vmem>>
    %dma_wait3A_1561 = tpu.memref_slice %arg6[%add3A_1248] : memref<98304xi32, #tpu.memory_space<hbm>> -> memref<128xi32, #tpu.memory_space<hbm>>
    %dma_wait3A_1562 = tpu.memref_slice %arg6[%add3A_1248] : memref<98304xi32, #tpu.memory_space<hbm>> -> memref<128xi32, #tpu.memory_space<hbm>>
    %dma_wait3A_1563 = arith.constant 2688 : i32
    %dma_wait3A_1564 = tpu.memref_slice %arg14[%dma_wait3A_1563] : memref<3072xi32, #tpu.memory_space<vmem>> -> memref<128xi32, #tpu.memory_space<vmem>>
    tpu.wait_dma2 semaphore(%arg19 : memref<!tpu.dma_semaphore, #tpu.memory_space<semaphore_mem>>) src(%dma_wait3A_1564 : memref<128xi32, #tpu.memory_space<vmem>>) dst(%dma_wait3A_1562 : memref<128xi32, #tpu.memory_space<hbm>>)
    %dma_wait3A_1565 = arith.constant 2816 : i32
    %dma_wait3A_1566 = tpu.memref_slice %arg14[%dma_wait3A_1565] : memref<3072xi32, #tpu.memory_space<vmem>> -> memref<128xi32, #tpu.memory_space<vmem>>
    %dma_wait3A_1567 = tpu.memref_slice %arg6[%add3A_1265] : memref<98304xi32, #tpu.memory_space<hbm>> -> memref<128xi32, #tpu.memory_space<hbm>>
    %dma_wait3A_1568 = tpu.memref_slice %arg6[%add3A_1265] : memref<98304xi32, #tpu.memory_space<hbm>> -> memref<128xi32, #tpu.memory_space<hbm>>
    %dma_wait3A_1569 = arith.constant 2816 : i32
    %dma_wait3A_1570 = tpu.memref_slice %arg14[%dma_wait3A_1569] : memref<3072xi32, #tpu.memory_space<vmem>> -> memref<128xi32, #tpu.memory_space<vmem>>
    tpu.wait_dma2 semaphore(%arg19 : memref<!tpu.dma_semaphore, #tpu.memory_space<semaphore_mem>>) src(%dma_wait3A_1570 : memref<128xi32, #tpu.memory_space<vmem>>) dst(%dma_wait3A_1568 : memref<128xi32, #tpu.memory_space<hbm>>)
    %dma_wait3A_1571 = arith.constant 2944 : i32
    %dma_wait3A_1572 = tpu.memref_slice %arg14[%dma_wait3A_1571] : memref<3072xi32, #tpu.memory_space<vmem>> -> memref<128xi32, #tpu.memory_space<vmem>>
    %dma_wait3A_1573 = tpu.memref_slice %arg6[%add3A_1282] : memref<98304xi32, #tpu.memory_space<hbm>> -> memref<128xi32, #tpu.memory_space<hbm>>
    %dma_wait3A_1574 = tpu.memref_slice %arg6[%add3A_1282] : memref<98304xi32, #tpu.memory_space<hbm>> -> memref<128xi32, #tpu.memory_space<hbm>>
    %dma_wait3A_1575 = arith.constant 2944 : i32
    %dma_wait3A_1576 = tpu.memref_slice %arg14[%dma_wait3A_1575] : memref<3072xi32, #tpu.memory_space<vmem>> -> memref<128xi32, #tpu.memory_space<vmem>>
    tpu.wait_dma2 semaphore(%arg19 : memref<!tpu.dma_semaphore, #tpu.memory_space<semaphore_mem>>) src(%dma_wait3A_1576 : memref<128xi32, #tpu.memory_space<vmem>>) dst(%dma_wait3A_1574 : memref<128xi32, #tpu.memory_space<hbm>>)
    return
  }
}

</mosaic_0001>

<sc_bundles>
// kernel: kernel.3.cloned.1.call-start
scs
__scs_entry_jumppad:
0x0: {  	(pc) =	sbr.rel $0x88, $3  }
0x1: {  	(tag) =	ssettag $0x0;
	lr =	simm.s32 $0x1  }
0x2: {  	[smem:$0x3F9E] =	sst lr;
	_ =	strace $0xD0000000  }
0x3: {  	_ = 	snop  }
0x4: {  	_ = 	snop  }
0x5: {  	_ = 	snop  }
0x6: {  	_ = 	snop  }
0x7: {  	_ = 	snop  }
__scs_overlays_trampoline_lowered:
0x8: {  	[smem:$0x3FAD] =	sst s0  }
0x9: {  	[smem:$0x3FAE] =	sst s1  }
0xa: {  	[smem:$0x3FAF] =	sst s2  }
0xb: {  	[smem:$0x3FB0] =	sst s3  }
0xc: {  	[smem:$0x3FB1] =	sst s4  }
0xd: {  	[smem:$0x3FB2] =	sst s5  }
0xe: {  	[smem:$0x3FB3] =	sst s6  }
0xf: {  	[smem:$0x3FB4] =	sst s7  }
0x10: {  	[smem:$0x3FB5] =	sst s8  }
0x11: {  	[smem:$0x3FB6] =	sst s9;
	s0 =	simm.s32 @!p0 $0x0  }
0x12: {  	s1 =	sld [smem:$0x3F9C];
	s0 =	simm.s32 @p0 $0x1  }
0x13: {  	[smem:$0x3FB7] =	sst s0;
	s0 =	simm.s32 @!p1 $0x0  }
0x14: {  	s2 =	sld [smem:$0x3F9B];
	s0 =	simm.s32 @p1 $0x1  }
0x15: {  	[smem:$0x3FB8] =	sst s0;
	s0 =	simm.s32 @!p2 $0x0  }
0x16: {  	s3 =	sld [smem:$0x3FDB];
	s0 =	simm.s32 @p2 $0x1  }
0x17: {  	s4 =	simm.s32 $0x1BF5;
	[smem:$0x3FBA] =	sst s0  }
0x18: {  	s0 =	sld [smem:$0x3F9D];
	_ =	swait.ge [sflag:s4], $0x0  }
0x19: {  	s7 =	sld [smem:$0x3F9E]  }
0x1a: {  	s8 =	sadd.s32 $0xFFFFE003, lr  }
0x1b: {  	s9 =	sadd.s32 $0xFFFFFEF7, lr;
	s5 =	simm.s32 $0xFFFFFFFF;
	p2 =	slt.u32 s8, $0xFFFFF086  }
0x1c: {  	p1 =	slt.u32 s9, $0xF7A;
	s5 =	simm.s32 @!p2 $0x0  }
0x1d: {  	s5 =	simm.s32 @p1 $0x1;
	p0 =	seq.s32 s7, s2  }
0x1e: {  	s7 =	smul.u32 @!p0 $0xF7A, s2;
	p2 =	seq.s32 @!p0 s5, $0x0  }
0x1f: {  	s9 =	smul.u32 $0xF7A, s1;
	s8 =	simm.s32 @!p0 $0x1BF5;
	p2 =	por !p2, p0  }
0x20: {  	[sflag:s8] =	ssyncset.s32 @!p0 $0xFFFFF086;
	s6 =	sadd.s32 @!p0 s3, s7;
	s7 =	simm.s32 @!p0 $0x108  }
0x21: {  	s3 =	sadd.s32 s3, s9;
	s6 =	sadd.s32 @!p0 $0x88, s6;
	s7 =	simm.s32 @p2 $0x1082  }
0x22: {  	[simem:s7], [sflag:s8] =	dma.local @!p0 [hbm:s6], $0xF7A  }
0x23: {  	s9 =	sor.u32 $0xD0000000, s2;
	s6 =	simm.s32 $0x108;
	_ =	swait.ge @!p0 [sflag:s8], $0x0  }
0x24: {  	s3 =	sadd.s32 $0x88, s3;
	s6 =	simm.s32 @!p1 $0x1082;
	[sflag:s4] =	ssyncset.s32 $0xFFFFF086  }
0x25: {  	[simem:s6], [sflag:s4] =	dma.local [hbm:s3], $0xF7A  }
0x26: {  	[smem:$0x3F9E] =	sst s1;
	(tag) =	ssettag s2;
	_ =	strace s9  }
0x27: {  	s1 =	sld [smem:$0x3FAE]  }
0x28: {  	s2 =	sld [smem:$0x3FAF]  }
0x29: {  	s4 =	sld [smem:$0x3FB1]  }
0x2a: {  	p0 =	seq.s32 s5, $0x0;
	s5 =	sld [smem:$0x3FB2]  }
0x2b: {  	s6 =	sld [smem:$0x3FB3]  }
0x2c: {  	s7 =	sld [smem:$0x3FB4]  }
0x2d: {  	s3 =	simm.s32 $0x108;
	s8 =	sld [smem:$0x3FB5]  }
0x2e: {  	s3 =	simm.s32 @!p0 $0x1082;
	s9 =	sld [smem:$0x3FB6]  }
0x2f: {  	lr =	sadd.s32 s0, s3;
	s0 =	sld [smem:$0x3FAD]  }
0x30: {  	s3 =	sld [smem:$0x3FB0]  }
0x31: {  	[smem:$0x3FB9] =	sst s10  }
0x32: {  	s10 =	sld [smem:$0x3FB7];
	_ =	sdelay $0x3  }
0x33: {  	p0 =	seq.s32 s10, $0x1;
	s10 =	sld [smem:$0x3FB9];
	_ =	sdelay $0x3  }
0x34: {  	[smem:$0x3FB9] =	sst s10  }
0x35: {  	s10 =	sld [smem:$0x3FB8];
	_ =	sdelay $0x3  }
0x36: {  	p1 =	seq.s32 s10, $0x1;
	s10 =	sld [smem:$0x3FB9];
	_ =	sdelay $0x3  }
0x37: {  	[smem:$0x3FB9] =	sst s10  }
0x38: {  	s10 =	sld [smem:$0x3FBA]  }
0x39: {  	_ = 	snop;
	(pc) =	sbr.ind lr, $3  }
0x3a: {  	_ = 	snop  }
0x3b: {  	_ = 	snop  }
0x3c: {  	p2 =	seq.s32 s10, $0x1;
	s10 =	sld [smem:$0x3FB9]  }
0x3d: {  	_ =	shalt  }
0x3e: {  	_ =	shalt  }
0x3f: {  	_ =	shalt  }
0x40: {  	_ =	shalt  }
0x41: {  	_ =	shalt  }
0x42: {  	_ =	shalt  }
0x43: {  	_ =	shalt  }
0x44: {  	_ =	shalt  }
0x45: {  	_ =	shalt  }
0x46: {  	_ =	shalt  }
0x47: {  	_ =	shalt  }
0x48: {  	_ =	shalt  }
0x49: {  	_ =	shalt  }
0x4a: {  	_ =	shalt  }
0x4b: {  	_ =	shalt  }
0x4c: {  	_ =	shalt  }
0x4d: {  	_ =	shalt  }
0x4e: {  	_ =	shalt  }
0x4f: {  	_ =	shalt  }
0x50: {  	_ =	shalt  }
0x51: {  	_ =	shalt  }
0x52: {  	_ =	shalt  }
0x53: {  	_ =	shalt  }
0x54: {  	_ =	shalt  }
0x55: {  	_ =	shalt  }
0x56: {  	_ =	shalt  }
0x57: {  	_ =	shalt  }
0x58: {  	_ =	shalt  }
0x59: {  	_ =	shalt  }
0x5a: {  	_ =	shalt  }
0x5b: {  	_ =	shalt  }
0x5c: {  	_ =	shalt  }
0x5d: {  	_ =	shalt  }
0x5e: {  	_ =	shalt  }
0x5f: {  	_ =	shalt  }
0x60: {  	_ =	shalt  }
0x61: {  	_ =	shalt  }
0x62: {  	_ =	shalt  }
0x63: {  	_ =	shalt  }
0x64: {  	_ =	shalt  }
0x65: {  	_ =	shalt  }
0x66: {  	_ =	shalt  }
0x67: {  	_ =	shalt  }
0x68: {  	_ =	shalt  }
0x69: {  	_ =	shalt  }
0x6a: {  	_ =	shalt  }
0x6b: {  	_ =	shalt  }
0x6c: {  	_ =	shalt  }
0x6d: {  	_ =	shalt  }
0x6e: {  	_ =	shalt  }
0x6f: {  	_ =	shalt  }
0x70: {  	_ =	shalt  }
0x71: {  	_ =	shalt  }
0x72: {  	_ =	shalt  }
0x73: {  	_ =	shalt  }
0x74: {  	_ =	shalt  }
0x75: {  	_ =	shalt  }
0x76: {  	_ =	shalt  }
0x77: {  	_ =	shalt  }
0x78: {  	_ =	shalt  }
0x79: {  	_ =	shalt  }
0x7a: {  	_ =	shalt  }
0x7b: {  	_ =	shalt  }
0x7c: {  	_ =	shalt  }
0x7d: {  	_ =	shalt  }
0x7e: {  	_ =	shalt  }
0x7f: {  	_ =	shalt  }
0x80: {  	_ =	shalt  }
0x81: {  	_ =	shalt  }
0x82: {  	_ =	shalt  }
0x83: {  	_ =	shalt  }
0x84: {  	_ =	shalt  }
0x85: {  	_ =	shalt  }
0x86: {  	_ =	shalt  }
0x87: {  	_ =	shalt  }
.Lfunc_end0:
.L_simem_size_0:
called_computation_lowered:
.L_overlay_start_0:
0x88: {  	s2 =	sld [smem:$0x3FD9]  }
0x89: {  	s3 =	sld [smem:$0x3FFE];
	_ =	sdelay $0x1  }
0x8a: {  	s1 =	srdreg.scid  }
0x8b: {  	s0 =	sand.u32 $0x1, s1  }
0x8c: {  	s14 =	sshll.u32 s0, $0xA;
	s2 =	sadd.s32 s3, s2  }
0x8d: {  	s2 =	sadd.s32 s2, s14  }
0x8e: {  	[smem:$0x3FC5] =	sst s2  }
0x8f: {  	_ = 	snop  }
0x90: {  	s2 =	sld [smem:$0x3FD0];
	_ =	sdelay $0x1  }
0x91: {  	s15 =	sld [smem:$0x3FC9]  }
0x92: {  	s5 =	simm.s32 $0xA;
	s6 =	simm.s32 $0x10;
	s4 =	sld [smem:$0x3FC8]  }
0x93: {  	[smem:s6], [sflag:s5] =	dma.local [hbm:s2], $0x1  }
0x94: {  	_ =	swait.eq [sflag:s5], $0x1  }
0x95: {  	[sflag:s5] =	ssyncset.done $0x0  }
0x96: {  	s16 =	sld [smem:$0x10];
	[sflag:s5] =	ssyncadd.s32 $0xFFFFFFFF  }
0x97: {  	s17 =	sld [smem:$0x11];
	(tm) =	ssettm $0x1  }
0x98: {  	s18 =	sld [smem:$0x3FFB];
	_ =	sdelay $0x3  }
0x99: {  	_ =	strace s18  }
0x9a: {  	s6 =	sld [smem:$0x3FFC];
	_ =	sdelay $0x3  }
0x9b: {  	_ =	strace s6  }
0x9c: {  	s6 =	sld [smem:$0x3FFD];
	_ =	sdelay $0x3  }
0x9d: {  	_ =	strace s6  }
0x9e: {  	_ =	strace $0x8FFFFFFF  }
0x9f: {  	s19 =	sld [smem:$0x3FDB];
	_ =	sdelay $0x1  }
0xa0: {  	s7 =	simm.s32 $_scs_section_size  }
0xa1: {  	s8 =	simm.s32 $_size__tile_overlayer_lowered;
	s9 =	simm.s32 $_tile_overlayer_lowered  }
0xa2: {  	s22 =	simm.s32 $0x1BFF;
	s21 =	sshll.u32 s9, $0x1;
	s6 =	sadd.s32 s7, s19  }
0xa3: {  	s10 =	simm.s32 $0x0;
	s20 =	sshll.u32 s8, $0x1;
	s8 =	sadd.s32 s21, s6  }
0xa4: {  	[timem:s10], [sflag:s22] =	dma.local [hbm:s8], s20  }
0xa5: {  	_ =	swait.ge [sflag:s22], s20  }
0xa6: {  	s7 =	ssub.s32 $0x0, s20;
	[sflag:s22] =	ssyncset.done $0x0  }
0xa7: {  	[sflag:s22] =	ssyncadd.s32 s7;
	_ =	sdelay $0x1  }
0xa8: {  	s23 =	simm.s32 $0x1B8B  }
0xa9: {  	_ =	swait.ge [sflag:s23], $0x1  }
0xaa: {  	[sflag:s23] =	ssyncset.done $0x0  }
0xab: {  	s25 =	simm.s32 $0x1B8E;
	s24 =	sld [smem:$0x3FFE];
	[sflag:s23] =	ssyncadd.s32 $0xFFFFFFFF  }
0xac: {  	s26 =	simm.s32 $execute0_lowered;
	[smem:$0x3FD2] =	sst s25  }
0xad: {  	s8 =	sshll.u32 s26, $0x1;
	_ =	strace $0x80000046;
	[dreg:$0x1] =	wrdreg $0xFFFFFFFF  }
0xae: {  	s28 =	simm.s32 $_size_execute0_lowered;
	s6 =	sadd.s32 s6, s8;
	[dreg:$0x0] =	wrdreg $0x0  }
0xaf: {  	s8 =	sshll.u32 s28, $0x1;
	[dreg:$0x2] =	wrdreg s6  }
0xb0: {  	[dreg:$0x3] =	wrdreg s8  }
0xb1: {  	[dreg:$0x4] =	wrdreg $0xC0  }
0xb2: {  	_ =	task [dreg:s10], $0x5FFFF  }
0xb3: {  	[dreg:$0x1] =	wrdreg $0xFFFFFFFF  }
0xb4: {  	[dreg:$0x0] =	wrdreg $0x60  }
0xb5: {  	[dreg:$0x2] =	wrdreg s15  }
0xb6: {  	[dreg:$0x3] =	wrdreg s4  }
0xb7: {  	[dreg:$0x4] =	wrdreg s24  }
0xb8: {  	[dreg:$0x5] =	wrdreg s16  }
0xb9: {  	[dreg:$0x6] =	wrdreg s17  }
0xba: {  	[dreg:$0x7] =	wrdreg $0x9  }
0xbb: {  	_ =	task.clear_ibuf [dreg:s10], $0x8FFFF;
	_ =	strace $0x90000046  }
0xbc: {  	s29 =	simm.s32 $0x9;
	_ =	strace $0x80000048  }
0xbd: {  	_ =	swait.ge [sflag:s29], $0x1  }
0xbe: {  	[sflag:s29] =	ssyncadd.s32 $0xFFFFFFFF  }
0xbf: {  	_ =	strace $0x90000048  }
0xc0: {  	_ =	sfence  }
0xc1: {  	s30 =	sld [smem:$0x0];
	_ =	sdelay $0x2  }
0xc2: {  	s31 =	sshll.u32 s1, $0xD;
	s1 =	sshrl.u32 s1, $0x2  }
0xc3: {  	s3 =	sand.u32 $0x4000, s31;
	s1 =	sadd.s32 s1, s30  }
0xc4: {  	s0 =	sor.u32 s3, s0;
	s1 =	sshll.u32 s1, $0x11  }
0xc5: {  	s0 =	sor.u32 s1, s0  }
0xc6: {  	s0 =	sadd.s32 $0x8F2B, s0  }
0xc7: {  	[sflag:s0] =	ssyncadd.remote.s32 $0x1  }
0xc8: {  	_ =	sfence.sel $0xFFFF  }
0xc9: {  	[dreg:$0x0] =	wrdreg $0xFFFFFFFF;
	(pc) =	sbr.abs _section_cstart, $3  }
0xca: {  	[dreg:$0x1] =	wrdreg $0xFFFFFFFF  }
0xcb: {  	_ =	task.clear_ibuf [dreg:s10], $0x2FFFF;
	_ =	strace $0x9FFFFFFF  }
0xcc: {  	(tm) =	ssettm $0x7FFFFFFF  }
0xcd: {  	_ =	shalt  }
tec
execute0_lowered:
.L_overlay_start_1:
0x0: {  	(tag) =	ssettag $0x1  }
0x1: {  	s2 =	rddreg [dreg:$0x0]  }
0x2: {  	s3 =	rddreg [dreg:$0x1]  }
0x3: {  	s0 =	rddreg [dreg:$0x3];
	s8 =	stileid.u32  }
0x4: {  	s5 =	rddreg [dreg:$0x4];
	s4 =	srdreg.scid  }
0x5: {  	s1 =	simm.s32 $0x0;
	s6 =	sshll.u32 s8, $0x1;
	s4 =	sand.u32 $0x1, s4  }
0x6: {  	[smem:$0x7FF] =	sst s1;
	s8 =	sshrl.u32 s8, $0x2;
	s6 =	sand.u32 $0x6, s6  }
0x7: {  	s7 =	ssub.s32 $0x2, s4;
	s10 =	sshll.u32 s8, $0x8;
	s4 =	sor.u32 s4, s6  }
0x8: {  	s22 =	sshrl.u32 s7, $0x1;
	s16 =	sor.u32 $0x80, s10;
	s9 =	sshll.u32 s4, $0xC  }
0x9: {  	s6 =	ssub.s32 s7, s22;
	s11 =	sadd.s32 $0x2000, s9;
	s12 =	sadd.s32 $0x2400, s9  }
0xa: {  	[smem:$0x7FD] =	sst s6;
	s14 =	sadd.s32 $0x2800, s9;
	s9 =	sadd.s32 $0x2C00, s9  }
0xb: {  	s23 =	sor.u32 s10, s11;
	s13 =	sor.u32 s10, s12;
	s15 =	sor.u32 s10, s14  }
0xc: {  	s10 =	sor.u32 s10, s9;
	s11 =	sor.u32 s16, s11;
	s6 =	sshrl.u32 s23, $0x3  }
0xd: {  	s14 =	sor.u32 s16, s14;
	s13 =	sshrl.u32 s13, $0x3;
	s24 =	sadd.s32 s2, s6  }
0xe: {  	s10 =	sshrl.u32 s10, $0x3;
	s25 =	sadd.s32 s2, s13;
	[smem:$0x7FB] =	sst s24  }
0xf: {  	s11 =	sshrl.u32 s11, $0x3;
	s17 =	sadd.s32 s2, s10;
	[smem:$0x7FC] =	sst s25  }
0x10: {  	s14 =	sshrl.u32 s14, $0x3;
	s26 =	sadd.s32 s2, s11;
	[dreg:$0x6] =	wrdreg s17  }
0x11: {  	s18 =	sadd.s32 s2, s14;
	[dreg:$0x7] =	wrdreg s26  }
0x12: {  	s19 =	sadd.s32 s3, s6;
	[dreg:$0x9] =	wrdreg s18  }
0x13: {  	s15 =	sshrl.u32 s15, $0x3;
	s20 =	sadd.s32 s3, s13;
	[dreg:$0xb] =	wrdreg s19  }
0x14: {  	s12 =	sor.u32 s16, s12;
	s21 =	sadd.s32 s3, s15;
	[dreg:$0xc] =	wrdreg s20  }
0x15: {  	s9 =	sor.u32 s16, s9;
	s22 =	sadd.s32 s3, s10;
	[dreg:$0xd] =	wrdreg s21  }
0x16: {  	s12 =	sshrl.u32 s12, $0x3;
	s23 =	sadd.s32 s3, s11;
	[dreg:$0xe] =	wrdreg s22  }
0x17: {  	s9 =	sshrl.u32 s9, $0x3;
	s17 =	sadd.s32 s2, s12;
	[dreg:$0xf] =	wrdreg s23  }
0x18: {  	s7 =	sadd.s32 s2, s15;
	s2 =	sadd.s32 s2, s9;
	[dreg:$0x8] =	wrdreg s17  }
0x19: {  	s4 =	sshll.u32 s4, $0x8;
	s24 =	sadd.s32 s3, s12;
	[dreg:$0xa] =	wrdreg s2  }
0x1a: {  	s25 =	sshll.u32 s8, $0x4;
	s26 =	sadd.s32 s3, s14;
	[dreg:$0x10] =	wrdreg s24  }
0x1b: {  	s3 =	sadd.s32 s3, s9;
	[dreg:$0x11] =	wrdreg s26;
	s2 =	sor.u32 s25, s4  }
0x1c: {  	[dreg:$0x12] =	wrdreg s3;
	s8 =	sadd.s32 s0, s2;
	s3 =	sor.u32 $0x40, s2  }
0x1d: {  	s4 =	sor.u32 $0x80, s2;
	[dreg:$0x13] =	wrdreg s8;
	s9 =	sadd.s32 s0, s3  }
0x1e: {  	s6 =	sor.u32 $0xC0, s2;
	s10 =	sadd.s32 s0, s4;
	[dreg:$0x14] =	wrdreg s9  }
0x1f: {  	s28 =	sor.u32 $0x18C0, s2;
	s11 =	sadd.s32 s0, s6;
	[dreg:$0x15] =	wrdreg s10  }
0x20: {  	s29 =	sor.u32 $0x2000, s2;
	s22 =	sadd.s32 s0, s28;
	[dreg:$0x16] =	wrdreg s11  }
0x21: {  	s30 =	sor.u32 $0x2040, s2;
	s23 =	sadd.s32 s0, s29;
	[smem:$0x7E6] =	sst s22  }
0x22: {  	s31 =	sor.u32 $0x2080, s2;
	s24 =	sadd.s32 s0, s30;
	[smem:$0x7E7] =	sst s23  }
0x23: {  	s25 =	sadd.s32 s0, s31;
	[smem:$0x7E8] =	sst s24  }
0x24: {  	s3 =	sadd.s32 s5, s3;
	[smem:$0x7E9] =	sst s25  }
0x25: {  	s4 =	sadd.s32 s5, s4;
	[smem:$0x7F0] =	sst s3  }
0x26: {  	s8 =	sor.u32 $0x800, s2;
	s6 =	sadd.s32 s5, s6;
	[smem:$0x7F1] =	sst s4  }
0x27: {  	s12 =	sadd.s32 s0, s8;
	[smem:$0x7F2] =	sst s6  }
0x28: {  	s9 =	sor.u32 $0x840, s2;
	s8 =	sadd.s32 s5, s8;
	[dreg:$0x17] =	wrdreg s12  }
0x29: {  	s10 =	sor.u32 $0x880, s2;
	s13 =	sadd.s32 s0, s9;
	[smem:$0x7F3] =	sst s8  }
0x2a: {  	s11 =	sor.u32 $0x8C0, s2;
	s14 =	sadd.s32 s0, s10;
	[dreg:$0x18] =	wrdreg s13  }
0x2b: {  	s15 =	sadd.s32 s0, s11;
	[dreg:$0x19] =	wrdreg s14  }
0x2c: {  	s9 =	sadd.s32 s5, s9;
	[dreg:$0x1a] =	wrdreg s15  }
0x2d: {  	s10 =	sadd.s32 s5, s10;
	[smem:$0x7F4] =	sst s9  }
0x2e: {  	s12 =	sor.u32 $0x1000, s2;
	s11 =	sadd.s32 s5, s11;
	[smem:$0x7F5] =	sst s10  }
0x2f: {  	s16 =	sadd.s32 s0, s12;
	[smem:$0x7F6] =	sst s11  }
0x30: {  	s13 =	sor.u32 $0x1040, s2;
	s12 =	sadd.s32 s5, s12;
	[dreg:$0x1b] =	wrdreg s16  }
0x31: {  	s14 =	sor.u32 $0x1080, s2;
	s17 =	sadd.s32 s0, s13;
	[smem:$0x7F7] =	sst s12  }
0x32: {  	s15 =	sor.u32 $0x10C0, s2;
	s18 =	sadd.s32 s0, s14;
	[dreg:$0x1c] =	wrdreg s17  }
0x33: {  	s19 =	sadd.s32 s0, s15;
	[dreg:$0x1d] =	wrdreg s18  }
0x34: {  	s28 =	sadd.s32 s5, s28;
	s13 =	sadd.s32 s5, s13;
	[dreg:$0x1e] =	wrdreg s19  }
0x35: {  	s29 =	sadd.s32 s5, s29;
	s14 =	sadd.s32 s5, s14;
	[smem:$0x7F8] =	sst s13  }
0x36: {  	s16 =	sor.u32 $0x1800, s2;
	s15 =	sadd.s32 s5, s15;
	[smem:$0x7F9] =	sst s14  }
0x37: {  	s20 =	sadd.s32 s0, s16;
	s17 =	sor.u32 $0x1840, s2;
	[smem:$0x7FA] =	sst s15  }
0x38: {  	s18 =	sor.u32 $0x1880, s2;
	[dreg:$0x1f] =	wrdreg s20;
	s19 =	sadd.s32 s0, s17  }
0x39: {  	s21 =	sadd.s32 s0, s18;
	s20 =	sor.u32 $0x2800, s2;
	[smem:$0x7E4] =	sst s19  }
0x3a: {  	[smem:$0x7E5] =	sst s21;
	s19 =	sor.u32 $0x20C0, s2;
	s26 =	sadd.s32 s0, s20  }
0x3b: {  	s30 =	sadd.s32 s5, s30;
	s21 =	sadd.s32 s0, s19;
	[smem:$0x7EB] =	sst s26  }
0x3c: {  	s23 =	sor.u32 $0x28C0, s2;
	[smem:$0x7EA] =	sst s21;
	s21 =	sor.u32 $0x2840, s2  }
0x3d: {  	s22 =	sadd.s32 s0, s21;
	s3 =	sadd.s32 s5, s21;
	s21 =	sld [smem:$0x7FB]  }
0x3e: {  	[smem:$0x7EC] =	sst s22;
	s22 =	sor.u32 $0x2880, s2;
	s2 =	sadd.s32 s5, s2  }
0x3f: {  	s31 =	sadd.s32 s5, s31;
	s8 =	simm.s32 $0x1;
	[smem:$0x7EF] =	sst s2  }
0x40: {  	s24 =	sadd.s32 s0, s22;
	s4 =	sadd.s32 s5, s22;
	s22 =	sld [smem:$0x7FC]  }
0x41: {  	s9 =	simm.s32 $0x1800;
	s0 =	sadd.s32 s0, s23;
	[smem:$0x7ED] =	sst s24  }
0x42: {  	s10 =	simm.s32 $0x2;
	s11 =	simm.s32 $0x3;
	[smem:$0x7EE] =	sst s0  }
0x43: {  	s0 =	sadd.s32 s5, s19;
	s19 =	rddreg [dreg:$0x2];
	_ =	strace $0x80000047  }
0x44: {  	s12 =	simm.s32 $0x4;
	s2 =	sadd.s32 s5, s20;
	s20 =	sld [smem:$0x7FD]  }
0x45: {  	s13 =	simm.s32 $0x5;
	s14 =	simm.s32 $0x0;
	s25 =	sadd.s32 s5, s17  }
0x46: {  	s26 =	sadd.s32 s5, s18;
	s24 =	sadd.s32 s5, s16;
	s5 =	sadd.s32 s5, s23  }
0x47: {  	s23 =	smov.u32 s7;
	s6 =	sadd.s32 $0xC00, s19;
	s7 =	smax.u32 s20, $0x1  }
.LBB2_1:
0x48: {  	[tilespmem:s1], [sflag:$0x1] =	stream.linear.gather [hbm4b:s21+s1], $0x80, $0x38;
	[tilespmem:$0x8000] =	vst v63  }
0x49: {  	s15 =	simm.s32 $0x80  }
0x4a: {  	[tilespmem:s15], [sflag:$0x1] =	stream.linear.gather [hbm4b:s22+s1], $0x80, $0x38;
	[tilespmem:$0x8000] =	vst v63  }
0x4b: {  	s17 =	simm.s32 $0x100  }
0x4c: {  	[tilespmem:s17], [sflag:$0x1] =	stream.linear.gather [hbm4b:s23+s1], $0x80, $0x38;
	[tilespmem:$0x8000] =	vst v63  }
0x4d: {  	s18 =	rddreg [dreg:$0x6];
	s16 =	simm.s32 $0x180  }
0x4e: {  	[tilespmem:s16], [sflag:$0x1] =	stream.linear.gather [hbm4b:s18+s1], $0x80, $0x38;
	[tilespmem:$0x8000] =	vst v63  }
0x4f: {  	s19 =	rddreg [dreg:$0x7];
	s20 =	simm.s32 $0x200  }
0x50: {  	[tilespmem:s20], [sflag:$0x1] =	stream.linear.gather [hbm4b:s19+s1], $0x80, $0x38;
	[tilespmem:$0x8000] =	vst v63  }
0x51: {  	s17 =	rddreg [dreg:$0x8];
	s18 =	simm.s32 $0x280  }
0x52: {  	[tilespmem:s18], [sflag:$0x1] =	stream.linear.gather [hbm4b:s17+s1], $0x80, $0x38;
	[tilespmem:$0x8000] =	vst v63  }
0x53: {  	s19 =	rddreg [dreg:$0x9];
	s20 =	simm.s32 $0x300  }
0x54: {  	[tilespmem:s20], [sflag:$0x1] =	stream.linear.gather [hbm4b:s19+s1], $0x80, $0x38;
	[tilespmem:$0x8000] =	vst v63  }
0x55: {  	s17 =	rddreg [dreg:$0xa];
	s18 =	simm.s32 $0x380  }
0x56: {  	[tilespmem:s18], [sflag:$0x1] =	stream.linear.gather [hbm4b:s17+s1], $0x80, $0x38;
	[tilespmem:$0x8000] =	vst v63  }
0x57: {  	s19 =	rddreg [dreg:$0xb];
	s20 =	simm.s32 $0x400  }
0x58: {  	[tilespmem:s20], [sflag:$0x2] =	stream.linear.gather [hbm4b:s19+s1], $0x80, $0x38;
	[tilespmem:$0x8000] =	vst v63  }
0x59: {  	s17 =	rddreg [dreg:$0xc];
	s18 =	simm.s32 $0x480  }
0x5a: {  	[tilespmem:s18], [sflag:$0x2] =	stream.linear.gather [hbm4b:s17+s1], $0x80, $0x38;
	[tilespmem:$0x8000] =	vst v63  }
0x5b: {  	s19 =	rddreg [dreg:$0xd];
	s20 =	simm.s32 $0x500  }
0x5c: {  	[tilespmem:s20], [sflag:$0x2] =	stream.linear.gather [hbm4b:s19+s1], $0x80, $0x38;
	[tilespmem:$0x8000] =	vst v63  }
0x5d: {  	s17 =	rddreg [dreg:$0xe];
	s18 =	simm.s32 $0x580  }
0x5e: {  	[tilespmem:s18], [sflag:$0x2] =	stream.linear.gather [hbm4b:s17+s1], $0x80, $0x38;
	[tilespmem:$0x8000] =	vst v63  }
0x5f: {  	s19 =	rddreg [dreg:$0xf];
	s20 =	simm.s32 $0x600  }
0x60: {  	[tilespmem:s20], [sflag:$0x2] =	stream.linear.gather [hbm4b:s19+s1], $0x80, $0x38;
	[tilespmem:$0x8000] =	vst v63  }
0x61: {  	s17 =	rddreg [dreg:$0x10];
	s18 =	simm.s32 $0x680  }
0x62: {  	[tilespmem:s18], [sflag:$0x2] =	stream.linear.gather [hbm4b:s17+s1], $0x80, $0x38;
	[tilespmem:$0x8000] =	vst v63  }
0x63: {  	s19 =	rddreg [dreg:$0x11];
	s20 =	simm.s32 $0x700  }
0x64: {  	[tilespmem:s20], [sflag:$0x2] =	stream.linear.gather [hbm4b:s19+s1], $0x80, $0x38;
	[tilespmem:$0x8000] =	vst v63  }
0x65: {  	s17 =	rddreg [dreg:$0x12];
	s18 =	simm.s32 $0x780  }
0x66: {  	[tilespmem:s18], [sflag:$0x2] =	stream.linear.gather [hbm4b:s17+s1], $0x80, $0x38;
	[tilespmem:$0x8000] =	vst v63  }
0x67: {  	_ =	swait.ge [sflag:s8], $0x80  }
0x68: {  	[sflag:s8] =	ssyncset.done $0x0  }
0x69: {  	[sflag:s8] =	ssyncadd.s32 $0xFFFFFF80  }
0x6a: {  	_ =	swait.ge [sflag:s8], $0x80  }
0x6b: {  	[sflag:s8] =	ssyncset.done $0x0  }
0x6c: {  	[sflag:s8] =	ssyncadd.s32 $0xFFFFFF80  }
0x6d: {  	_ =	swait.ge [sflag:s8], $0x80  }
0x6e: {  	[sflag:s8] =	ssyncset.done $0x0  }
0x6f: {  	[sflag:s8] =	ssyncadd.s32 $0xFFFFFF80  }
0x70: {  	_ =	swait.ge [sflag:s8], $0x80  }
0x71: {  	[sflag:s8] =	ssyncset.done $0x0  }
0x72: {  	[sflag:s8] =	ssyncadd.s32 $0xFFFFFF80  }
0x73: {  	_ =	swait.ge [sflag:s8], $0x80  }
0x74: {  	[sflag:s8] =	ssyncset.done $0x0  }
0x75: {  	[sflag:s8] =	ssyncadd.s32 $0xFFFFFF80  }
0x76: {  	_ =	swait.ge [sflag:s8], $0x80  }
0x77: {  	[sflag:s8] =	ssyncset.done $0x0  }
0x78: {  	[sflag:s8] =	ssyncadd.s32 $0xFFFFFF80  }
0x79: {  	_ =	swait.ge [sflag:s8], $0x80  }
0x7a: {  	[sflag:s8] =	ssyncset.done $0x0  }
0x7b: {  	[sflag:s8] =	ssyncadd.s32 $0xFFFFFF80  }
0x7c: {  	_ =	swait.ge [sflag:s8], $0x80  }
0x7d: {  	[sflag:s8] =	ssyncset.done $0x0  }
0x7e: {  	[sflag:s8] =	ssyncadd.s32 $0xFFFFFF80  }
0x7f: {  	v0 =	vld [tilespmem:s1+$0x0];
	_ =	sdelay $0x2  }
0x80: {  	s19 =	simm.s32 $0x0  }
0x81: {  	s15 =	smul.u32 $0x3000, s19  }
0x82: {  	v1 =	vshll.u32 v0, $0x3  }
0x83: {  	s20 =	sand.u32 $0x1F0, s1;
	s15 =	sshra.s32 s15, $0x2;
	v0 =	vand.u32 $0x7F, v0;
	v1 =	vand.u32 $0xFFFFFC00, v1  }
0x84: {  	s15 =	sor.u32 s15, s20;
	v0 =	vor.u32 v0, v1  }
0x85: {  	[tilespmem:s15+$0x800] =	vst v0;
	v1 =	vor.u32 $0x80, v0  }
0x86: {  	v2 =	vor.u32 $0x100, v0;
	[tilespmem:s15+$0xA00] =	vst v1  }
0x87: {  	v1 =	vor.u32 $0x180, v0;
	[tilespmem:s15+$0xC00] =	vst v2  }
0x88: {  	v2 =	vor.u32 $0x200, v0;
	[tilespmem:s15+$0xE00] =	vst v1  }
0x89: {  	v0 =	vor.u32 $0x280, v0;
	[tilespmem:s15+$0x1000] =	vst v2  }
0x8a: {  	s16 =	simm.s32 $0x10;
	[tilespmem:s15+$0x1200] =	vst v0  }
0x8b: {  	s17 =	simm.s32 $0x1;
	s18 =	simm.s32 $0x2;
	s15 =	simm.s32 $0x0;
	v0 =	vld [tilespmem:s16+$0x0]  }
.LBB2_2:
0x8c: {  	p0 =	sne.s32 s18, $0x3F;
	_ =	sdelay $0x1  }
0x8d: {  	s19 =	sshrl.u32 s17, $0x5;
	s17 =	smov.u32 s18  }
0x8e: {  	s19 =	smul.u32 $0x3000, s19  }
0x8f: {  	s15 =	sadd.s32 $0x10, s15;
	v1 =	vshll.u32 v0, $0x3  }
0x90: {  	s20 =	sand.u32 $0x1F0, s15;
	s19 =	sshra.s32 s19, $0x2;
	v0 =	vand.u32 $0x7F, v0;
	v1 =	vand.u32 $0xFFFFFC00, v1  }
0x91: {  	s19 =	sor.u32 s19, s20;
	v0 =	vor.u32 v0, v1  }
0x92: {  	[tilespmem:s19+$0x800] =	vst v0;
	v1 =	vor.u32 $0x80, v0;
	v2 =	vor.u32 $0x100, v0;
	v3 =	vor.u32 $0x180, v0  }
0x93: {  	[tilespmem:s19+$0xA00] =	vst v1;
	v1 =	vor.u32 $0x200, v0;
	v0 =	vor.u32 $0x280, v0  }
.Ltmp0:
0x94: {  	[tilespmem:s19+$0xC00] =	vst v2;
	(pc) =	sbr.rel @p0 .LBB2_2-.Ltmp0, $4  }
0x95: {  	[tilespmem:s19+$0xE00] =	vst v3  }
0x96: {  	[tilespmem:s19+$0x1000] =	vst v1  }
0x97: {  	s16 =	sadd.s32 $0x10, s16;
	[tilespmem:s19+$0x1200] =	vst v0  }
0x98: {  	s18 =	sadd.s32 $0x1, s18;
	v0 =	vld [tilespmem:s16+$0x0]  }
0x99: {  	_ =	sdelay $0x1  }
0x9a: {  	s16 =	sshrl.u32 s17, $0x5  }
0x9b: {  	s16 =	smul.u32 $0x3000, s16  }
0x9c: {  	s15 =	sadd.s32 $0x10, s15;
	v1 =	vshll.u32 v0, $0x3  }
0x9d: {  	s15 =	sand.u32 $0x1F0, s15;
	s16 =	sshra.s32 s16, $0x2;
	v0 =	vand.u32 $0x7F, v0;
	v1 =	vand.u32 $0xFFFFFC00, v1  }
0x9e: {  	s15 =	sor.u32 s16, s15;
	v0 =	vor.u32 v0, v1  }
0x9f: {  	[tilespmem:s15+$0x800] =	vst v0;
	v1 =	vor.u32 $0x80, v0  }
0xa0: {  	v2 =	vor.u32 $0x100, v0;
	[tilespmem:s15+$0xA00] =	vst v1  }
0xa1: {  	v1 =	vor.u32 $0x180, v0;
	[tilespmem:s15+$0xC00] =	vst v2  }
0xa2: {  	v2 =	vor.u32 $0x200, v0;
	[tilespmem:s15+$0xE00] =	vst v1  }
0xa3: {  	v0 =	vor.u32 $0x280, v0;
	[tilespmem:s15+$0x1000] =	vst v2  }
0xa4: {  	s19 =	simm.s32 $0x800;
	s20 =	simm.s32 $0x3800;
	[tilespmem:s15+$0x1200] =	vst v0  }
0xa5: {  	[tilespmem:s20], [sflag:$0x3] =	stream.indirect.gather [hbm4b:s6+s9], $0x1, s19, s9, $0xb8;
	[tilespmem:$0x8000] =	vst v63  }
0xa6: {  	_ =	swait.ge [sflag:s10], $0x80  }
0xa7: {  	[sflag:s10] =	ssyncset.done $0x0  }
0xa8: {  	[sflag:s10] =	ssyncadd.s32 $0xFFFFFF80  }
0xa9: {  	_ =	swait.ge [sflag:s10], $0x80  }
0xaa: {  	[sflag:s10] =	ssyncset.done $0x0  }
0xab: {  	[sflag:s10] =	ssyncadd.s32 $0xFFFFFF80  }
0xac: {  	_ =	swait.ge [sflag:s10], $0x80  }
0xad: {  	[sflag:s10] =	ssyncset.done $0x0  }
0xae: {  	[sflag:s10] =	ssyncadd.s32 $0xFFFFFF80  }
0xaf: {  	_ =	swait.ge [sflag:s10], $0x80  }
0xb0: {  	[sflag:s10] =	ssyncset.done $0x0  }
0xb1: {  	[sflag:s10] =	ssyncadd.s32 $0xFFFFFF80  }
0xb2: {  	_ =	swait.ge [sflag:s10], $0x80  }
0xb3: {  	[sflag:s10] =	ssyncset.done $0x0  }
0xb4: {  	[sflag:s10] =	ssyncadd.s32 $0xFFFFFF80  }
0xb5: {  	_ =	swait.ge [sflag:s10], $0x80  }
0xb6: {  	[sflag:s10] =	ssyncset.done $0x0  }
0xb7: {  	[sflag:s10] =	ssyncadd.s32 $0xFFFFFF80  }
0xb8: {  	_ =	swait.ge [sflag:s10], $0x80  }
0xb9: {  	[sflag:s10] =	ssyncset.done $0x0  }
0xba: {  	[sflag:s10] =	ssyncadd.s32 $0xFFFFFF80  }
0xbb: {  	_ =	swait.ge [sflag:s10], $0x80  }
0xbc: {  	[sflag:s10] =	ssyncset.done $0x0  }
0xbd: {  	s17 =	simm.s32 $0x400;
	[sflag:s10] =	ssyncadd.s32 $0xFFFFFF80  }
0xbe: {  	v0 =	vld [tilespmem:s17+$0x0];
	_ =	sdelay $0x2  }
0xbf: {  	s18 =	simm.s32 $0x0  }
0xc0: {  	s19 =	smul.u32 $0x3000, s18  }
0xc1: {  	s15 =	simm.s32 $0x0;
	v1 =	vshll.u32 v0, $0x3  }
0xc2: {  	s20 =	sand.u32 $0x1F0, s15;
	s16 =	sshra.s32 s19, $0x2;
	v0 =	vand.u32 $0x7F, v0;
	v1 =	vand.u32 $0xFFFFFC00, v1  }
0xc3: {  	s16 =	sor.u32 s16, s20;
	v0 =	vor.u32 v0, v1  }
0xc4: {  	[tilespmem:s16+$0x2000] =	vst v0;
	v1 =	vor.u32 $0x80, v0  }
0xc5: {  	v2 =	vor.u32 $0x100, v0;
	[tilespmem:s16+$0x2200] =	vst v1  }
0xc6: {  	v1 =	vor.u32 $0x180, v0;
	[tilespmem:s16+$0x2400] =	vst v2  }
0xc7: {  	v2 =	vor.u32 $0x200, v0;
	[tilespmem:s16+$0x2600] =	vst v1  }
0xc8: {  	v0 =	vor.u32 $0x280, v0;
	[tilespmem:s16+$0x2800] =	vst v2  }
0xc9: {  	[tilespmem:s16+$0x2A00] =	vst v0;
	s16 =	simm.s32 $0x410  }
0xca: {  	s18 =	simm.s32 $0x2;
	s17 =	simm.s32 $0x1;
	v0 =	vld [tilespmem:s16+$0x0]  }
.LBB2_4:
0xcb: {  	p0 =	sne.s32 s18, $0x3F;
	_ =	sdelay $0x1  }
0xcc: {  	s19 =	sshrl.u32 s17, $0x5;
	s17 =	smov.u32 s18  }
0xcd: {  	s19 =	smul.u32 $0x3000, s19  }
0xce: {  	s15 =	sadd.s32 $0x10, s15;
	v1 =	vshll.u32 v0, $0x3  }
0xcf: {  	s20 =	sand.u32 $0x1F0, s15;
	s19 =	sshra.s32 s19, $0x2;
	v0 =	vand.u32 $0x7F, v0;
	v1 =	vand.u32 $0xFFFFFC00, v1  }
0xd0: {  	s19 =	sor.u32 s19, s20;
	v0 =	vor.u32 v0, v1  }
0xd1: {  	[tilespmem:s19+$0x2000] =	vst v0;
	v1 =	vor.u32 $0x80, v0;
	v2 =	vor.u32 $0x100, v0;
	v3 =	vor.u32 $0x180, v0  }
0xd2: {  	[tilespmem:s19+$0x2200] =	vst v1;
	v1 =	vor.u32 $0x200, v0;
	v0 =	vor.u32 $0x280, v0  }
.Ltmp1:
0xd3: {  	[tilespmem:s19+$0x2400] =	vst v2;
	(pc) =	sbr.rel @p0 .LBB2_4-.Ltmp1, $4  }
0xd4: {  	[tilespmem:s19+$0x2600] =	vst v3  }
0xd5: {  	[tilespmem:s19+$0x2800] =	vst v1  }
0xd6: {  	s16 =	sadd.s32 $0x10, s16;
	[tilespmem:s19+$0x2A00] =	vst v0  }
0xd7: {  	s18 =	sadd.s32 $0x1, s18;
	v0 =	vld [tilespmem:s16+$0x0]  }
0xd8: {  	_ =	sdelay $0x1  }
0xd9: {  	s16 =	sshrl.u32 s17, $0x5  }
0xda: {  	s16 =	smul.u32 $0x3000, s16  }
0xdb: {  	s15 =	sadd.s32 $0x10, s15;
	v1 =	vshll.u32 v0, $0x3  }
0xdc: {  	s15 =	sand.u32 $0x1F0, s15;
	s16 =	sshra.s32 s16, $0x2;
	v0 =	vand.u32 $0x7F, v0;
	v1 =	vand.u32 $0xFFFFFC00, v1  }
0xdd: {  	s15 =	sor.u32 s16, s15;
	v0 =	vor.u32 v0, v1  }
0xde: {  	[tilespmem:s15+$0x2000] =	vst v0;
	v1 =	vor.u32 $0x80, v0  }
0xdf: {  	v2 =	vor.u32 $0x100, v0;
	[tilespmem:s15+$0x2200] =	vst v1  }
0xe0: {  	v1 =	vor.u32 $0x180, v0;
	[tilespmem:s15+$0x2400] =	vst v2  }
0xe1: {  	v2 =	vor.u32 $0x200, v0;
	[tilespmem:s15+$0x2600] =	vst v1  }
0xe2: {  	v0 =	vor.u32 $0x280, v0;
	[tilespmem:s15+$0x2800] =	vst v2  }
0xe3: {  	s18 =	simm.s32 $0x2000;
	s19 =	simm.s32 $0x5000;
	[tilespmem:s15+$0x2A00] =	vst v0  }
0xe4: {  	[tilespmem:s19], [sflag:$0x4] =	stream.indirect.gather [hbm4b:s6+s9], $0x1, s18, s9, $0xb8;
	[tilespmem:$0x8000] =	vst v63  }
0xe5: {  	_ =	swait.ge [sflag:s11], $0x1800  }
0xe6: {  	[sflag:s11] =	ssyncset.done $0x0  }
0xe7: {  	s20 =	simm.s32 $0x4430;
	[sflag:s11] =	ssyncadd.s32 $0xFFFFE800  }
0xe8: {  	v0 =	vld [tilespmem:s20+$0x0]  }
0xe9: {  	v1 =	vld [tilespmem:s20+$0xFFFFF400]  }
0xea: {  	v4 =	vld [tilespmem:s20+$0xFFFFFFD0]  }
0xeb: {  	v11 =	vld [tilespmem:s20+$0xFFFFF3F0]  }
0xec: {  	v10 =	vld [tilespmem:s20+$0xFFFFFFE0];
	_ =	sdelay $0x1  }
0xed: {  	v2 =	vand.u32 $0x7F800000, v0;
	v3 =	vand.u32 $0x80000000, v0  }
0xee: {  	v6 =	vand.u32 $0x7FFFFFFF, v1;
	v7 =	vshrl.u32 v1, $0x10;
	v8 =	vshrl.u32 v0, $0xD  }
0xef: {  	v1 =	vshrl.u32 v1, $0xC;
	v0 =	vshrl.u32 v0, $0xC;
	v13 =	vand.u32 $0x7FFFFFFF, v11  }
0xf0: {  	v14 =	vshrl.u32 v11, $0xC;
	v19 =	vshrl.u32 v4, $0xD;
	v20 =	vshrl.u32 v10, $0xD  }
0xf1: {  	v11 =	vshrl.u32 v11, $0x10;
	vm0 =	vgt.u32 v2, $0x387FFFFF;
	v2 =	vshrl.u32 v6, $0xD  }
0xf2: {  	v9 =	vld [tilespmem:s20+$0xFFFFF3D0];
	v1 =	vand.u32 $0x1, v1;
	v0 =	vand.u32 $0x1, v0;
	vm1 =	vgt.u32 v6, $0x387FFFFF  }
0xf3: {  	v18 =	vshrl.u32 v13, $0xD;
	v14 =	vand.u32 $0x1, v14;
	vm2 =	vgt.u32 v13, $0x387FFFFF  }
0xf4: {  	v13 =	vand.u32 $0x80000000, v10;
	v1 =	vadd.s32 v1, v2;
	v0 =	vadd.s32 v0, v8  }
0xf5: {  	v2 =	vand.u32 $0x8000, v7;
	v7 =	vshrl.u32 v4, $0xC;
	v8 =	vshrl.u32 v10, $0xC  }
0xf6: {  	v14 =	vadd.s32 v14, v18;
	v1 =	vadd.s32 $0xFFFE4000, v1;
	v0 =	vshll.u32 v0, $0x10  }
0xf7: {  	v2 =	vor.u32 v2, v3;
	v3 =	vand.u32 $0x7FFFFFFF, v9;
	v7 =	vand.u32 $0x1, v7  }
0xf8: {  	v5 =	vld [tilespmem:s20+$0xFFFFF3E0];
	v8 =	vand.u32 $0x1, v8;
	v63 =	vadd.s32 $0xFFFE4000, v14;
	v1 =	vnsel vm1, $0x0, v1  }
0xf9: {  	v6 =	vld [tilespmem:s20+$0xFFFFFFF0];
	v0 =	vadd.s32 $0x40000000, v0;
	v16 =	vshrl.u32 v3, $0xD;
	v7 =	vadd.s32 v7, v19  }
0xfa: {  	v8 =	vadd.s32 v8, v20;
	vm14 =	vgt.u32 v3, $0x387FFFFF;
	v3 =	vand.u32 $0x8000, v11  }
0xfb: {  	v11 =	vand.u32 $0x80000000, v4;
	v0 =	vnsel vm0, $0x0, v0;
	v1 =	vor.u32 v1, v2  }
0xfc: {  	v2 =	vshrl.u32 v9, $0xC;
	v9 =	vshrl.u32 v9, $0x10;
	v60 =	vshll.u32 v7, $0x10  }
0xfd: {  	v62 =	vshll.u32 v8, $0x10;
	v12 =	vor.u32 v0, v1;
	v1 =	vand.u32 $0x7FFFFFFF, v5  }
0xfe: {  	v0 =	vshrl.u32 v5, $0xC;
	v15 =	vshrl.u32 v6, $0xC;
	v2 =	vand.u32 $0x1, v2  }
0xff: {  	v58 =	vshrl.u32 v6, $0xD;
	v5 =	vshrl.u32 v5, $0x10;
	v8 =	vand.u32 $0x7F800000, v6  }
0x100: {  	v14 =	vand.u32 $0x80000000, v6;
	v6 =	vnsel vm2, $0x0, v63;
	v17 =	vshrl.u32 v1, $0xD  }
0x101: {  	v0 =	vand.u32 $0x1, v0;
	v15 =	vand.u32 $0x1, v15;
	v2 =	vadd.s32 v2, v16  }
0x102: {  	s15 =	simm.s32 $0x6820;
	vm15 =	vgt.u32 v1, $0x387FFFFF;
	v1 =	vand.u32 $0x8000, v5;
	v5 =	vand.u32 $0x7F800000, v10  }
0x103: {  	v10 =	vadd.s32 $0x40000000, v60;
	[tilespmem:s15+$0x10] =	vst v12;
	v12 =	vadd.s32 $0x40000000, v62;
	v0 =	vadd.s32 v0, v17  }
0x104: {  	v15 =	vadd.s32 v15, v58;
	v59 =	vadd.s32 $0xFFFE4000, v2;
	v2 =	vand.u32 $0x7F800000, v4  }
0x105: {  	v61 =	vadd.s32 $0xFFFE4000, v0;
	v15 =	vshll.u32 v15, $0x10;
	v0 =	vand.u32 $0x8000, v9  }
0x106: {  	s17 =	simm.s32 $0x4470;
	s16 =	simm.s32 $0x0;
	v7 =	vnsel vm14, $0x0, v59;
	v4 =	vnsel vm15, $0x0, v61;
	v9 =	vadd.s32 $0x40000000, v15  }
.LBB2_6:
0x107: {  	v15 =	vld [tilespmem:s17+$0x0];
	v0 =	vor.u32 v0, v11;
	v1 =	vor.u32 v1, v13;
	v3 =	vor.u32 v3, v14  }
0x108: {  	vm0 =	vgt.u32 v2, $0x387FFFFF;
	vm1 =	vgt.u32 v5, $0x387FFFFF;
	vm2 =	vgt.u32 v8, $0x387FFFFF;
	v11 =	vld [tilespmem:s17+$0xFFFFF400]  }
0x109: {  	s16 =	sadd.s32 $0x4, s16;
	v2 =	vnsel vm0, $0x0, v10;
	v0 =	vor.u32 v7, v0;
	v7 =	vnsel vm1, $0x0, v12;
	v5 =	vld [tilespmem:s17+$0xFFFFFFD0]  }
0x10a: {  	p0 =	slt.u32 s16, $0xBC;
	v1 =	vor.u32 v4, v1;
	v4 =	vnsel vm2, $0x0, v9;
	v3 =	vor.u32 v6, v3;
	v8 =	vld [tilespmem:s17+$0xFFFFF3E0]  }
0x10b: {  	v0 =	vor.u32 v2, v0;
	v1 =	vor.u32 v7, v1;
	v2 =	vor.u32 v4, v3;
	v6 =	vld [tilespmem:s17+$0xFFFFFFE0]  }
0x10c: {  	v3 =	vld [tilespmem:s17+$0xFFFFF3F0];
	v4 =	vand.u32 $0x7F800000, v15;
	v7 =	vand.u32 $0x80000000, v15;
	[tilespmem:s15+$0xFFFFFFE0] =	vst v0  }
0x10d: {  	v12 =	vshrl.u32 v15, $0xD;
	v9 =	vld [tilespmem:s17+$0xFFFFFFF0];
	v0 =	vand.u32 $0x7FFFFFFF, v11;
	v10 =	vshrl.u32 v11, $0x10;
	[tilespmem:s15+$0xFFFFFFF0] =	vst v1  }
0x10e: {  	v13 =	vshrl.u32 v15, $0xC;
	v11 =	vshrl.u32 v11, $0xC;
	vm0 =	vgt.u32 v4, $0x387FFFFF;
	v1 =	vld [tilespmem:s17+$0xFFFFF3D0];
	[tilespmem:s15+$0x0] =	vst v2  }
0x10f: {  	v2 =	vshrl.u32 v0, $0xD;
	v4 =	vand.u32 $0x1, v11;
	v11 =	vand.u32 $0x1, v13  }
0x110: {  	vm1 =	vgt.u32 v0, $0x387FFFFF;
	v2 =	vadd.s32 v4, v2;
	v0 =	vadd.s32 v11, v12  }
0x111: {  	v4 =	vand.u32 $0x8000, v10;
	v2 =	vadd.s32 $0xFFFE4000, v2;
	v0 =	vshll.u32 v0, $0x10  }
0x112: {  	v4 =	vor.u32 v4, v7;
	v2 =	vnsel vm1, $0x0, v2;
	v0 =	vadd.s32 $0x40000000, v0  }
0x113: {  	v0 =	vnsel vm0, $0x0, v0;
	v2 =	vor.u32 v2, v4;
	v7 =	vand.u32 $0x7FFFFFFF, v1  }
0x114: {  	s15 =	sadd.s32 $0x40, s15;
	v10 =	vshrl.u32 v5, $0xC;
	v4 =	vshrl.u32 v1, $0xC;
	v0 =	vor.u32 v0, v2  }
0x115: {  	v11 =	vshrl.u32 v8, $0xC;
	v12 =	vshrl.u32 v6, $0xC;
	v2 =	vand.u32 $0x7FFFFFFF, v8;
	[tilespmem:s15+$0x10] =	vst v0  }
0x116: {  	v13 =	vand.u32 $0x7FFFFFFF, v3;
	v14 =	vshrl.u32 v9, $0xC;
	v0 =	vshrl.u32 v3, $0xC  }
0x117: {  	v10 =	vand.u32 $0x1, v10;
	v15 =	vshrl.u32 v7, $0xD;
	v4 =	vand.u32 $0x1, v4  }
0x118: {  	v11 =	vand.u32 $0x1, v11;
	v12 =	vand.u32 $0x1, v12;
	v16 =	vshrl.u32 v2, $0xD  }
0x119: {  	v17 =	vshrl.u32 v13, $0xD;
	v14 =	vand.u32 $0x1, v14;
	v0 =	vand.u32 $0x1, v0  }
0x11a: {  	v18 =	vshrl.u32 v5, $0xD;
	v19 =	vshrl.u32 v6, $0xD;
	v20 =	vshrl.u32 v9, $0xD  }
0x11b: {  	v10 =	vadd.s32 v10, v18;
	v4 =	vadd.s32 v4, v15;
	v11 =	vadd.s32 v11, v16  }
0x11c: {  	v12 =	vadd.s32 v12, v19;
	v14 =	vadd.s32 v14, v20;
	v0 =	vadd.s32 v0, v17  }
0x11d: {  	v1 =	vshrl.u32 v1, $0x10;
	v8 =	vshrl.u32 v8, $0x10;
	v3 =	vshrl.u32 v3, $0x10  }
0x11e: {  	v10 =	vshll.u32 v10, $0x10;
	v4 =	vadd.s32 $0xFFFE4000, v4;
	v15 =	vadd.s32 $0xFFFE4000, v11  }
0x11f: {  	v12 =	vshll.u32 v12, $0x10;
	v17 =	vshll.u32 v14, $0x10;
	v16 =	vadd.s32 $0xFFFE4000, v0  }
0x120: {  	vm0 =	vgt.u32 v7, $0x387FFFFF;
	vm1 =	vgt.u32 v2, $0x387FFFFF;
	v0 =	vand.u32 $0x8000, v1  }
.Ltmp2:
0x121: {  	vm2 =	vgt.u32 v13, $0x387FFFFF;
	v3 =	vand.u32 $0x8000, v3;
	v1 =	vand.u32 $0x8000, v8;
	(pc) =	sbr.rel @p0 .LBB2_6-.Ltmp2, $4  }
0x122: {  	v2 =	vand.u32 $0x7F800000, v5;
	v11 =	vand.u32 $0x80000000, v5;
	v5 =	vand.u32 $0x7F800000, v6  }
0x123: {  	v13 =	vand.u32 $0x80000000, v6;
	v14 =	vand.u32 $0x80000000, v9;
	v8 =	vand.u32 $0x7F800000, v9  }
0x124: {  	v10 =	vadd.s32 $0x40000000, v10;
	v7 =	vnsel vm0, $0x0, v4;
	v4 =	vnsel vm1, $0x0, v15  }
0x125: {  	s17 =	sadd.s32 $0x40, s17;
	v12 =	vadd.s32 $0x40000000, v12;
	v9 =	vadd.s32 $0x40000000, v17;
	v6 =	vnsel vm2, $0x0, v16  }
0x126: {  	v0 =	vor.u32 v0, v11;
	v1 =	vor.u32 v1, v13  }
0x127: {  	v3 =	vor.u32 v3, v14;
	vm0 =	vgt.u32 v2, $0x387FFFFF;
	vm1 =	vgt.u32 v5, $0x387FFFFF  }
0x128: {  	vm2 =	vgt.u32 v8, $0x387FFFFF;
	v2 =	vnsel vm0, $0x0, v10;
	v0 =	vor.u32 v7, v0  }
0x129: {  	v5 =	vnsel vm1, $0x0, v12;
	v1 =	vor.u32 v4, v1;
	v0 =	vor.u32 v2, v0  }
0x12a: {  	v3 =	vor.u32 v6, v3;
	v2 =	vnsel vm2, $0x0, v9;
	v1 =	vor.u32 v5, v1;
	[tilespmem:s15+$0xFFFFFFE0] =	vst v0  }
0x12b: {  	v0 =	vor.u32 v2, v3;
	[tilespmem:s15+$0xFFFFFFF0] =	vst v1  }
0x12c: {  	[tilespmem:s15+$0x0] =	vst v0  }
0x12d: {  	s15 =	rddreg [dreg:$0x13]  }
0x12e: {  	s16 =	simm.s32 $0x6800;
	s19 =	rddreg [dreg:$0x14]  }
0x12f: {  	[hbm4b:s15+s1] =	stream.linear.scatter [tilespmem:s16], [sflag:$0x5], $0x80, $0x38;
	[tilespmem:$0x8000] =	vst v63  }
0x130: {  	s20 =	simm.s32 $0x6880;
	s17 =	rddreg [dreg:$0x15]  }
0x131: {  	[hbm4b:s19+s1] =	stream.linear.scatter [tilespmem:s20], [sflag:$0x5], $0x80, $0x38;
	[tilespmem:$0x8000] =	vst v63  }
0x132: {  	s18 =	simm.s32 $0x6900;
	s19 =	rddreg [dreg:$0x16]  }
0x133: {  	[hbm4b:s17+s1] =	stream.linear.scatter [tilespmem:s18], [sflag:$0x5], $0x80, $0x38;
	[tilespmem:$0x8000] =	vst v63  }
0x134: {  	s20 =	simm.s32 $0x6980;
	s17 =	rddreg [dreg:$0x17]  }
0x135: {  	[hbm4b:s19+s1] =	stream.linear.scatter [tilespmem:s20], [sflag:$0x5], $0x80, $0x38;
	[tilespmem:$0x8000] =	vst v63  }
0x136: {  	s18 =	simm.s32 $0x6A00;
	s19 =	rddreg [dreg:$0x18]  }
0x137: {  	[hbm4b:s17+s1] =	stream.linear.scatter [tilespmem:s18], [sflag:$0x5], $0x80, $0x38;
	[tilespmem:$0x8000] =	vst v63  }
0x138: {  	s20 =	simm.s32 $0x6A80;
	s17 =	rddreg [dreg:$0x19]  }
0x139: {  	[hbm4b:s19+s1] =	stream.linear.scatter [tilespmem:s20], [sflag:$0x5], $0x80, $0x38;
	[tilespmem:$0x8000] =	vst v63  }
0x13a: {  	s18 =	simm.s32 $0x6B00;
	s19 =	rddreg [dreg:$0x1a]  }
0x13b: {  	[hbm4b:s17+s1] =	stream.linear.scatter [tilespmem:s18], [sflag:$0x5], $0x80, $0x38;
	[tilespmem:$0x8000] =	vst v63  }
0x13c: {  	s20 =	simm.s32 $0x6B80;
	s17 =	rddreg [dreg:$0x1b]  }
0x13d: {  	[hbm4b:s19+s1] =	stream.linear.scatter [tilespmem:s20], [sflag:$0x5], $0x80, $0x38;
	[tilespmem:$0x8000] =	vst v63  }
0x13e: {  	s18 =	simm.s32 $0x6C00;
	s19 =	rddreg [dreg:$0x1c]  }
0x13f: {  	[hbm4b:s17+s1] =	stream.linear.scatter [tilespmem:s18], [sflag:$0x5], $0x80, $0x38;
	[tilespmem:$0x8000] =	vst v63  }
0x140: {  	s20 =	simm.s32 $0x6C80;
	s17 =	rddreg [dreg:$0x1d]  }
0x141: {  	[hbm4b:s19+s1] =	stream.linear.scatter [tilespmem:s20], [sflag:$0x5], $0x80, $0x38;
	[tilespmem:$0x8000] =	vst v63  }
0x142: {  	s18 =	simm.s32 $0x6D00;
	s19 =	rddreg [dreg:$0x1e]  }
0x143: {  	[hbm4b:s17+s1] =	stream.linear.scatter [tilespmem:s18], [sflag:$0x5], $0x80, $0x38;
	[tilespmem:$0x8000] =	vst v63  }
0x144: {  	s20 =	simm.s32 $0x6D80;
	s17 =	rddreg [dreg:$0x1f]  }
0x145: {  	[hbm4b:s19+s1] =	stream.linear.scatter [tilespmem:s20], [sflag:$0x5], $0x80, $0x38;
	[tilespmem:$0x8000] =	vst v63  }
0x146: {  	s18 =	simm.s32 $0x6E00;
	s19 =	sld [smem:$0x7E4]  }
0x147: {  	[hbm4b:s17+s1] =	stream.linear.scatter [tilespmem:s18], [sflag:$0x5], $0x80, $0x38;
	[tilespmem:$0x8000] =	vst v63  }
0x148: {  	s20 =	simm.s32 $0x6E80;
	s17 =	sld [smem:$0x7E5]  }
0x149: {  	[hbm4b:s19+s1] =	stream.linear.scatter [tilespmem:s20], [sflag:$0x5], $0x80, $0x38;
	[tilespmem:$0x8000] =	vst v63  }
0x14a: {  	s18 =	simm.s32 $0x6F00;
	s19 =	sld [smem:$0x7E6]  }
0x14b: {  	[hbm4b:s17+s1] =	stream.linear.scatter [tilespmem:s18], [sflag:$0x5], $0x80, $0x38;
	[tilespmem:$0x8000] =	vst v63  }
0x14c: {  	s20 =	simm.s32 $0x6F80;
	s17 =	sld [smem:$0x7E7]  }
0x14d: {  	[hbm4b:s19+s1] =	stream.linear.scatter [tilespmem:s20], [sflag:$0x5], $0x80, $0x38;
	[tilespmem:$0x8000] =	vst v63  }
0x14e: {  	s18 =	simm.s32 $0x7000;
	s19 =	sld [smem:$0x7E8]  }
0x14f: {  	[hbm4b:s17+s1] =	stream.linear.scatter [tilespmem:s18], [sflag:$0x5], $0x80, $0x38;
	[tilespmem:$0x8000] =	vst v63  }
0x150: {  	s20 =	simm.s32 $0x7080;
	s17 =	sld [smem:$0x7E9]  }
0x151: {  	[hbm4b:s19+s1] =	stream.linear.scatter [tilespmem:s20], [sflag:$0x5], $0x80, $0x38;
	[tilespmem:$0x8000] =	vst v63  }
0x152: {  	s18 =	simm.s32 $0x7100;
	s19 =	sld [smem:$0x7EA]  }
0x153: {  	[hbm4b:s17+s1] =	stream.linear.scatter [tilespmem:s18], [sflag:$0x5], $0x80, $0x38;
	[tilespmem:$0x8000] =	vst v63  }
0x154: {  	s20 =	simm.s32 $0x7180;
	s17 =	sld [smem:$0x7EB]  }
0x155: {  	[hbm4b:s19+s1] =	stream.linear.scatter [tilespmem:s20], [sflag:$0x5], $0x80, $0x38;
	[tilespmem:$0x8000] =	vst v63  }
0x156: {  	s18 =	simm.s32 $0x7200;
	s19 =	sld [smem:$0x7EC]  }
0x157: {  	[hbm4b:s17+s1] =	stream.linear.scatter [tilespmem:s18], [sflag:$0x5], $0x80, $0x38;
	[tilespmem:$0x8000] =	vst v63  }
0x158: {  	s16 =	sld [smem:$0x7ED];
	s20 =	simm.s32 $0x7280  }
0x159: {  	[hbm4b:s19+s1] =	stream.linear.scatter [tilespmem:s20], [sflag:$0x5], $0x80, $0x38;
	[tilespmem:$0x8000] =	vst v63  }
0x15a: {  	s17 =	simm.s32 $0x7300;
	s18 =	sld [smem:$0x7EE]  }
0x15b: {  	[hbm4b:s16+s1] =	stream.linear.scatter [tilespmem:s17], [sflag:$0x5], $0x80, $0x38;
	[tilespmem:$0x8000] =	vst v63  }
0x15c: {  	s19 =	simm.s32 $0x7380  }
0x15d: {  	[hbm4b:s18+s1] =	stream.linear.scatter [tilespmem:s19], [sflag:$0x5], $0x80, $0x38;
	[tilespmem:$0x8000] =	vst v63  }
0x15e: {  	_ =	swait.ge [sflag:s12], $0x1800  }
0x15f: {  	[sflag:s12] =	ssyncset.done $0x0  }
0x160: {  	s20 =	simm.s32 $0x5C30;
	[sflag:s12] =	ssyncadd.s32 $0xFFFFE800  }
0x161: {  	v0 =	vld [tilespmem:s20+$0x0]  }
0x162: {  	v1 =	vld [tilespmem:s20+$0xFFFFF400]  }
0x163: {  	v4 =	vld [tilespmem:s20+$0xFFFFFFD0]  }
0x164: {  	v11 =	vld [tilespmem:s20+$0xFFFFF3F0]  }
0x165: {  	v10 =	vld [tilespmem:s20+$0xFFFFFFE0];
	_ =	sdelay $0x1  }
0x166: {  	v2 =	vand.u32 $0x7F800000, v0;
	v3 =	vand.u32 $0x80000000, v0  }
0x167: {  	v6 =	vand.u32 $0x7FFFFFFF, v1;
	v7 =	vshrl.u32 v1, $0x10;
	v8 =	vshrl.u32 v0, $0xD  }
0x168: {  	v1 =	vshrl.u32 v1, $0xC;
	v0 =	vshrl.u32 v0, $0xC;
	v13 =	vand.u32 $0x7FFFFFFF, v11  }
0x169: {  	v14 =	vshrl.u32 v11, $0xC;
	v19 =	vshrl.u32 v4, $0xD;
	v20 =	vshrl.u32 v10, $0xD  }
0x16a: {  	v11 =	vshrl.u32 v11, $0x10;
	vm11 =	vgt.u32 v2, $0x387FFFFF;
	v2 =	vshrl.u32 v6, $0xD  }
0x16b: {  	v9 =	vld [tilespmem:s20+$0xFFFFF3D0];
	v1 =	vand.u32 $0x1, v1;
	v0 =	vand.u32 $0x1, v0;
	vm12 =	vgt.u32 v6, $0x387FFFFF  }
0x16c: {  	v18 =	vshrl.u32 v13, $0xD;
	v14 =	vand.u32 $0x1, v14;
	vm15 =	vgt.u32 v13, $0x387FFFFF  }
0x16d: {  	v13 =	vand.u32 $0x80000000, v10;
	v1 =	vadd.s32 v1, v2;
	v0 =	vadd.s32 v0, v8  }
0x16e: {  	v2 =	vand.u32 $0x8000, v7;
	v7 =	vshrl.u32 v4, $0xC;
	v8 =	vshrl.u32 v10, $0xC  }
0x16f: {  	v14 =	vadd.s32 v14, v18;
	v1 =	vadd.s32 $0xFFFE4000, v1;
	v0 =	vshll.u32 v0, $0x10  }
0x170: {  	v2 =	vor.u32 v2, v3;
	v3 =	vand.u32 $0x7FFFFFFF, v9;
	v7 =	vand.u32 $0x1, v7  }
0x171: {  	v5 =	vld [tilespmem:s20+$0xFFFFF3E0];
	v8 =	vand.u32 $0x1, v8;
	v63 =	vadd.s32 $0xFFFE4000, v14;
	v1 =	vnsel vm12, $0x0, v1  }
0x172: {  	v6 =	vld [tilespmem:s20+$0xFFFFFFF0];
	v0 =	vadd.s32 $0x40000000, v0;
	v16 =	vshrl.u32 v3, $0xD;
	v7 =	vadd.s32 v7, v19  }
0x173: {  	v8 =	vadd.s32 v8, v20;
	vm13 =	vgt.u32 v3, $0x387FFFFF;
	v3 =	vand.u32 $0x8000, v11  }
0x174: {  	v11 =	vand.u32 $0x80000000, v4;
	v0 =	vnsel vm11, $0x0, v0;
	v1 =	vor.u32 v1, v2  }
0x175: {  	v2 =	vshrl.u32 v9, $0xC;
	v9 =	vshrl.u32 v9, $0x10;
	v60 =	vshll.u32 v7, $0x10  }
0x176: {  	v62 =	vshll.u32 v8, $0x10;
	v12 =	vor.u32 v0, v1;
	v1 =	vand.u32 $0x7FFFFFFF, v5  }
0x177: {  	v0 =	vshrl.u32 v5, $0xC;
	v15 =	vshrl.u32 v6, $0xC;
	v2 =	vand.u32 $0x1, v2  }
0x178: {  	v58 =	vshrl.u32 v6, $0xD;
	v5 =	vshrl.u32 v5, $0x10;
	v8 =	vand.u32 $0x7F800000, v6  }
0x179: {  	v14 =	vand.u32 $0x80000000, v6;
	v6 =	vnsel vm15, $0x0, v63;
	v17 =	vshrl.u32 v1, $0xD  }
0x17a: {  	v0 =	vand.u32 $0x1, v0;
	v15 =	vand.u32 $0x1, v15;
	v2 =	vadd.s32 v2, v16  }
0x17b: {  	s15 =	simm.s32 $0x7420;
	vm14 =	vgt.u32 v1, $0x387FFFFF;
	v1 =	vand.u32 $0x8000, v5;
	v5 =	vand.u32 $0x7F800000, v10  }
0x17c: {  	v10 =	vadd.s32 $0x40000000, v60;
	[tilespmem:s15+$0x10] =	vst v12;
	v12 =	vadd.s32 $0x40000000, v62;
	v0 =	vadd.s32 v0, v17  }
0x17d: {  	v15 =	vadd.s32 v15, v58;
	v59 =	vadd.s32 $0xFFFE4000, v2;
	v2 =	vand.u32 $0x7F800000, v4  }
0x17e: {  	v61 =	vadd.s32 $0xFFFE4000, v0;
	v15 =	vshll.u32 v15, $0x10;
	v0 =	vand.u32 $0x8000, v9  }
0x17f: {  	s16 =	simm.s32 $0x0;
	s17 =	simm.s32 $0x5C70;
	v7 =	vnsel vm13, $0x0, v59;
	v4 =	vnsel vm14, $0x0, v61;
	v9 =	vadd.s32 $0x40000000, v15  }
.LBB2_8:
0x180: {  	v15 =	vld [tilespmem:s17+$0x0];
	v0 =	vor.u32 v0, v11;
	v1 =	vor.u32 v1, v13;
	v3 =	vor.u32 v3, v14  }
0x181: {  	vm0 =	vgt.u32 v2, $0x387FFFFF;
	vm1 =	vgt.u32 v5, $0x387FFFFF;
	vm2 =	vgt.u32 v8, $0x387FFFFF;
	v11 =	vld [tilespmem:s17+$0xFFFFF400]  }
0x182: {  	s16 =	sadd.s32 $0x4, s16;
	v2 =	vnsel vm0, $0x0, v10;
	v0 =	vor.u32 v7, v0;
	v7 =	vnsel vm1, $0x0, v12;
	v5 =	vld [tilespmem:s17+$0xFFFFFFD0]  }
0x183: {  	p0 =	slt.u32 s16, $0xBC;
	v1 =	vor.u32 v4, v1;
	v4 =	vnsel vm2, $0x0, v9;
	v3 =	vor.u32 v6, v3;
	v8 =	vld [tilespmem:s17+$0xFFFFF3E0]  }
0x184: {  	v0 =	vor.u32 v2, v0;
	v1 =	vor.u32 v7, v1;
	v2 =	vor.u32 v4, v3;
	v6 =	vld [tilespmem:s17+$0xFFFFFFE0]  }
0x185: {  	v3 =	vld [tilespmem:s17+$0xFFFFF3F0];
	v4 =	vand.u32 $0x7F800000, v15;
	v7 =	vand.u32 $0x80000000, v15;
	[tilespmem:s15+$0xFFFFFFE0] =	vst v0  }
0x186: {  	v12 =	vshrl.u32 v15, $0xD;
	v9 =	vld [tilespmem:s17+$0xFFFFFFF0];
	v0 =	vand.u32 $0x7FFFFFFF, v11;
	v10 =	vshrl.u32 v11, $0x10;
	[tilespmem:s15+$0xFFFFFFF0] =	vst v1  }
0x187: {  	v13 =	vshrl.u32 v15, $0xC;
	v11 =	vshrl.u32 v11, $0xC;
	vm0 =	vgt.u32 v4, $0x387FFFFF;
	v1 =	vld [tilespmem:s17+$0xFFFFF3D0];
	[tilespmem:s15+$0x0] =	vst v2  }
0x188: {  	v2 =	vshrl.u32 v0, $0xD;
	v4 =	vand.u32 $0x1, v11;
	v11 =	vand.u32 $0x1, v13  }
0x189: {  	vm1 =	vgt.u32 v0, $0x387FFFFF;
	v2 =	vadd.s32 v4, v2;
	v0 =	vadd.s32 v11, v12  }
0x18a: {  	v4 =	vand.u32 $0x8000, v10;
	v2 =	vadd.s32 $0xFFFE4000, v2;
	v0 =	vshll.u32 v0, $0x10  }
0x18b: {  	v4 =	vor.u32 v4, v7;
	v2 =	vnsel vm1, $0x0, v2;
	v0 =	vadd.s32 $0x40000000, v0  }
0x18c: {  	v0 =	vnsel vm0, $0x0, v0;
	v2 =	vor.u32 v2, v4;
	v7 =	vand.u32 $0x7FFFFFFF, v1  }
0x18d: {  	s15 =	sadd.s32 $0x40, s15;
	v10 =	vshrl.u32 v5, $0xC;
	v4 =	vshrl.u32 v1, $0xC;
	v0 =	vor.u32 v0, v2  }
0x18e: {  	v11 =	vshrl.u32 v8, $0xC;
	v12 =	vshrl.u32 v6, $0xC;
	v2 =	vand.u32 $0x7FFFFFFF, v8;
	[tilespmem:s15+$0x10] =	vst v0  }
0x18f: {  	v13 =	vand.u32 $0x7FFFFFFF, v3;
	v14 =	vshrl.u32 v9, $0xC;
	v0 =	vshrl.u32 v3, $0xC  }
0x190: {  	v10 =	vand.u32 $0x1, v10;
	v15 =	vshrl.u32 v7, $0xD;
	v4 =	vand.u32 $0x1, v4  }
0x191: {  	v11 =	vand.u32 $0x1, v11;
	v12 =	vand.u32 $0x1, v12;
	v16 =	vshrl.u32 v2, $0xD  }
0x192: {  	v17 =	vshrl.u32 v13, $0xD;
	v14 =	vand.u32 $0x1, v14;
	v0 =	vand.u32 $0x1, v0  }
0x193: {  	v18 =	vshrl.u32 v5, $0xD;
	v19 =	vshrl.u32 v6, $0xD;
	v20 =	vshrl.u32 v9, $0xD  }
0x194: {  	v10 =	vadd.s32 v10, v18;
	v4 =	vadd.s32 v4, v15;
	v11 =	vadd.s32 v11, v16  }
0x195: {  	v12 =	vadd.s32 v12, v19;
	v14 =	vadd.s32 v14, v20;
	v0 =	vadd.s32 v0, v17  }
0x196: {  	v1 =	vshrl.u32 v1, $0x10;
	v8 =	vshrl.u32 v8, $0x10;
	v3 =	vshrl.u32 v3, $0x10  }
0x197: {  	v10 =	vshll.u32 v10, $0x10;
	v4 =	vadd.s32 $0xFFFE4000, v4;
	v15 =	vadd.s32 $0xFFFE4000, v11  }
0x198: {  	v12 =	vshll.u32 v12, $0x10;
	v17 =	vshll.u32 v14, $0x10;
	v16 =	vadd.s32 $0xFFFE4000, v0  }
0x199: {  	vm0 =	vgt.u32 v7, $0x387FFFFF;
	vm1 =	vgt.u32 v2, $0x387FFFFF;
	v0 =	vand.u32 $0x8000, v1  }
.Ltmp3:
0x19a: {  	vm2 =	vgt.u32 v13, $0x387FFFFF;
	v3 =	vand.u32 $0x8000, v3;
	v1 =	vand.u32 $0x8000, v8;
	(pc) =	sbr.rel @p0 .LBB2_8-.Ltmp3, $4  }
0x19b: {  	v2 =	vand.u32 $0x7F800000, v5;
	v11 =	vand.u32 $0x80000000, v5;
	v5 =	vand.u32 $0x7F800000, v6  }
0x19c: {  	v13 =	vand.u32 $0x80000000, v6;
	v14 =	vand.u32 $0x80000000, v9;
	v8 =	vand.u32 $0x7F800000, v9  }
0x19d: {  	v10 =	vadd.s32 $0x40000000, v10;
	v7 =	vnsel vm0, $0x0, v4;
	v4 =	vnsel vm1, $0x0, v15  }
0x19e: {  	s17 =	sadd.s32 $0x40, s17;
	v12 =	vadd.s32 $0x40000000, v12;
	v9 =	vadd.s32 $0x40000000, v17;
	v6 =	vnsel vm2, $0x0, v16  }
0x19f: {  	v0 =	vor.u32 v0, v11;
	v1 =	vor.u32 v1, v13  }
0x1a0: {  	v3 =	vor.u32 v3, v14;
	vm0 =	vgt.u32 v2, $0x387FFFFF;
	vm1 =	vgt.u32 v5, $0x387FFFFF  }
0x1a1: {  	vm2 =	vgt.u32 v8, $0x387FFFFF;
	v2 =	vnsel vm0, $0x0, v10;
	v0 =	vor.u32 v7, v0  }
0x1a2: {  	v5 =	vnsel vm1, $0x0, v12;
	v1 =	vor.u32 v4, v1;
	v0 =	vor.u32 v2, v0  }
0x1a3: {  	v62 =	vnsel vm2, $0x0, v9;
	v3 =	vor.u32 v6, v3;
	v1 =	vor.u32 v5, v1;
	[tilespmem:s15+$0xFFFFFFE0] =	vst v0  }
0x1a4: {  	v63 =	vor.u32 v62, v3;
	[tilespmem:s15+$0xFFFFFFF0] =	vst v1  }
0x1a5: {  	[tilespmem:s15+$0x0] =	vst v63  }
0x1a6: {  	s15 =	sld [smem:$0x7EF];
	_ =	sdelay $0x1  }
0x1a7: {  	s16 =	simm.s32 $0x7400;
	s17 =	sld [smem:$0x7F0]  }
0x1a8: {  	[hbm4b:s15+s1] =	stream.linear.scatter [tilespmem:s16], [sflag:$0x5], $0x80, $0x38;
	[tilespmem:$0x8000] =	vst v63  }
0x1a9: {  	s18 =	simm.s32 $0x7480;
	s19 =	sld [smem:$0x7F1]  }
0x1aa: {  	[hbm4b:s17+s1] =	stream.linear.scatter [tilespmem:s18], [sflag:$0x5], $0x80, $0x38;
	[tilespmem:$0x8000] =	vst v63  }
0x1ab: {  	s20 =	simm.s32 $0x7500;
	s17 =	sld [smem:$0x7F2]  }
0x1ac: {  	[hbm4b:s19+s1] =	stream.linear.scatter [tilespmem:s20], [sflag:$0x5], $0x80, $0x38;
	[tilespmem:$0x8000] =	vst v63  }
0x1ad: {  	s18 =	simm.s32 $0x7580;
	s19 =	sld [smem:$0x7F3]  }
0x1ae: {  	[hbm4b:s17+s1] =	stream.linear.scatter [tilespmem:s18], [sflag:$0x5], $0x80, $0x38;
	[tilespmem:$0x8000] =	vst v63  }
0x1af: {  	s20 =	simm.s32 $0x7600;
	s17 =	sld [smem:$0x7F4]  }
0x1b0: {  	[hbm4b:s19+s1] =	stream.linear.scatter [tilespmem:s20], [sflag:$0x5], $0x80, $0x38;
	[tilespmem:$0x8000] =	vst v63  }
0x1b1: {  	s18 =	simm.s32 $0x7680;
	s19 =	sld [smem:$0x7F5]  }
0x1b2: {  	[hbm4b:s17+s1] =	stream.linear.scatter [tilespmem:s18], [sflag:$0x5], $0x80, $0x38;
	[tilespmem:$0x8000] =	vst v63  }
0x1b3: {  	s20 =	simm.s32 $0x7700;
	s17 =	sld [smem:$0x7F6]  }
0x1b4: {  	[hbm4b:s19+s1] =	stream.linear.scatter [tilespmem:s20], [sflag:$0x5], $0x80, $0x38;
	[tilespmem:$0x8000] =	vst v63  }
0x1b5: {  	s18 =	simm.s32 $0x7780;
	s19 =	sld [smem:$0x7F7]  }
0x1b6: {  	[hbm4b:s17+s1] =	stream.linear.scatter [tilespmem:s18], [sflag:$0x5], $0x80, $0x38;
	[tilespmem:$0x8000] =	vst v63  }
0x1b7: {  	s20 =	simm.s32 $0x7800;
	s17 =	sld [smem:$0x7F8]  }
0x1b8: {  	[hbm4b:s19+s1] =	stream.linear.scatter [tilespmem:s20], [sflag:$0x5], $0x80, $0x38;
	[tilespmem:$0x8000] =	vst v63  }
0x1b9: {  	s18 =	simm.s32 $0x7880;
	s19 =	sld [smem:$0x7F9]  }
0x1ba: {  	[hbm4b:s17+s1] =	stream.linear.scatter [tilespmem:s18], [sflag:$0x5], $0x80, $0x38;
	[tilespmem:$0x8000] =	vst v63  }
0x1bb: {  	s20 =	simm.s32 $0x7900;
	s17 =	sld [smem:$0x7FA]  }
0x1bc: {  	[hbm4b:s19+s1] =	stream.linear.scatter [tilespmem:s20], [sflag:$0x5], $0x80, $0x38;
	[tilespmem:$0x8000] =	vst v63  }
0x1bd: {  	s18 =	simm.s32 $0x7980  }
0x1be: {  	[hbm4b:s17+s1] =	stream.linear.scatter [tilespmem:s18], [sflag:$0x5], $0x80, $0x38;
	[tilespmem:$0x8000] =	vst v63  }
0x1bf: {  	s19 =	simm.s32 $0x7A00  }
0x1c0: {  	[hbm4b:s24+s1] =	stream.linear.scatter [tilespmem:s19], [sflag:$0x5], $0x80, $0x38;
	[tilespmem:$0x8000] =	vst v63  }
0x1c1: {  	s20 =	simm.s32 $0x7A80  }
0x1c2: {  	[hbm4b:s25+s1] =	stream.linear.scatter [tilespmem:s20], [sflag:$0x5], $0x80, $0x38;
	[tilespmem:$0x8000] =	vst v63  }
0x1c3: {  	s16 =	simm.s32 $0x7B00  }
0x1c4: {  	[hbm4b:s26+s1] =	stream.linear.scatter [tilespmem:s16], [sflag:$0x5], $0x80, $0x38;
	[tilespmem:$0x8000] =	vst v63  }
0x1c5: {  	s17 =	simm.s32 $0x7B80  }
0x1c6: {  	[hbm4b:s28+s1] =	stream.linear.scatter [tilespmem:s17], [sflag:$0x5], $0x80, $0x38;
	[tilespmem:$0x8000] =	vst v63  }
0x1c7: {  	s18 =	simm.s32 $0x7C00  }
0x1c8: {  	[hbm4b:s29+s1] =	stream.linear.scatter [tilespmem:s18], [sflag:$0x5], $0x80, $0x38;
	[tilespmem:$0x8000] =	vst v63  }
0x1c9: {  	s19 =	simm.s32 $0x7C80  }
0x1ca: {  	[hbm4b:s30+s1] =	stream.linear.scatter [tilespmem:s19], [sflag:$0x5], $0x80, $0x38;
	[tilespmem:$0x8000] =	vst v63  }
0x1cb: {  	s20 =	simm.s32 $0x7D00  }
0x1cc: {  	[hbm4b:s31+s1] =	stream.linear.scatter [tilespmem:s20], [sflag:$0x5], $0x80, $0x38;
	[tilespmem:$0x8000] =	vst v63  }
0x1cd: {  	s16 =	simm.s32 $0x7D80  }
0x1ce: {  	[hbm4b:s0+s1] =	stream.linear.scatter [tilespmem:s16], [sflag:$0x5], $0x80, $0x38;
	[tilespmem:$0x8000] =	vst v63  }
0x1cf: {  	s17 =	simm.s32 $0x7E00  }
0x1d0: {  	[hbm4b:s2+s1] =	stream.linear.scatter [tilespmem:s17], [sflag:$0x5], $0x80, $0x38;
	[tilespmem:$0x8000] =	vst v63  }
0x1d1: {  	s18 =	simm.s32 $0x7E80  }
0x1d2: {  	[hbm4b:s3+s1] =	stream.linear.scatter [tilespmem:s18], [sflag:$0x5], $0x80, $0x38;
	[tilespmem:$0x8000] =	vst v63  }
0x1d3: {  	s19 =	simm.s32 $0x7F00  }
0x1d4: {  	[hbm4b:s4+s1] =	stream.linear.scatter [tilespmem:s19], [sflag:$0x5], $0x80, $0x38;
	[tilespmem:$0x8000] =	vst v63  }
0x1d5: {  	s20 =	simm.s32 $0x7F80  }
0x1d6: {  	[hbm4b:s5+s1] =	stream.linear.scatter [tilespmem:s20], [sflag:$0x5], $0x80, $0x38;
	[tilespmem:$0x8000] =	vst v63  }
0x1d7: {  	_ =	swait.ge [sflag:s13], $0x80  }
0x1d8: {  	[sflag:s13] =	ssyncset.done $0x0  }
0x1d9: {  	[sflag:s13] =	ssyncadd.s32 $0xFFFFFF80  }
0x1da: {  	_ =	swait.ge [sflag:s13], $0x80  }
0x1db: {  	[sflag:s13] =	ssyncset.done $0x0  }
0x1dc: {  	[sflag:s13] =	ssyncadd.s32 $0xFFFFFF80  }
0x1dd: {  	_ =	swait.ge [sflag:s13], $0x80  }
0x1de: {  	[sflag:s13] =	ssyncset.done $0x0  }
0x1df: {  	[sflag:s13] =	ssyncadd.s32 $0xFFFFFF80  }
0x1e0: {  	_ =	swait.ge [sflag:s13], $0x80  }
0x1e1: {  	[sflag:s13] =	ssyncset.done $0x0  }
0x1e2: {  	[sflag:s13] =	ssyncadd.s32 $0xFFFFFF80  }
0x1e3: {  	_ =	swait.ge [sflag:s13], $0x80  }
0x1e4: {  	[sflag:s13] =	ssyncset.done $0x0  }
0x1e5: {  	[sflag:s13] =	ssyncadd.s32 $0xFFFFFF80  }
0x1e6: {  	_ =	swait.ge [sflag:s13], $0x80  }
0x1e7: {  	[sflag:s13] =	ssyncset.done $0x0  }
0x1e8: {  	[sflag:s13] =	ssyncadd.s32 $0xFFFFFF80  }
0x1e9: {  	_ =	swait.ge [sflag:s13], $0x80  }
0x1ea: {  	[sflag:s13] =	ssyncset.done $0x0  }
0x1eb: {  	[sflag:s13] =	ssyncadd.s32 $0xFFFFFF80  }
0x1ec: {  	_ =	swait.ge [sflag:s13], $0x80  }
0x1ed: {  	[sflag:s13] =	ssyncset.done $0x0  }
0x1ee: {  	[sflag:s13] =	ssyncadd.s32 $0xFFFFFF80  }
0x1ef: {  	_ =	swait.ge [sflag:s13], $0x80  }
0x1f0: {  	[sflag:s13] =	ssyncset.done $0x0  }
0x1f1: {  	[sflag:s13] =	ssyncadd.s32 $0xFFFFFF80  }
0x1f2: {  	_ =	swait.ge [sflag:s13], $0x80  }
0x1f3: {  	[sflag:s13] =	ssyncset.done $0x0  }
0x1f4: {  	[sflag:s13] =	ssyncadd.s32 $0xFFFFFF80  }
0x1f5: {  	_ =	swait.ge [sflag:s13], $0x80  }
0x1f6: {  	[sflag:s13] =	ssyncset.done $0x0  }
0x1f7: {  	[sflag:s13] =	ssyncadd.s32 $0xFFFFFF80  }
0x1f8: {  	_ =	swait.ge [sflag:s13], $0x80  }
0x1f9: {  	[sflag:s13] =	ssyncset.done $0x0  }
0x1fa: {  	[sflag:s13] =	ssyncadd.s32 $0xFFFFFF80  }
0x1fb: {  	_ =	swait.ge [sflag:s13], $0x80  }
0x1fc: {  	[sflag:s13] =	ssyncset.done $0x0  }
0x1fd: {  	[sflag:s13] =	ssyncadd.s32 $0xFFFFFF80  }
0x1fe: {  	_ =	swait.ge [sflag:s13], $0x80  }
0x1ff: {  	[sflag:s13] =	ssyncset.done $0x0  }
0x200: {  	[sflag:s13] =	ssyncadd.s32 $0xFFFFFF80  }
0x201: {  	_ =	swait.ge [sflag:s13], $0x80  }
0x202: {  	[sflag:s13] =	ssyncset.done $0x0  }
0x203: {  	[sflag:s13] =	ssyncadd.s32 $0xFFFFFF80  }
0x204: {  	_ =	swait.ge [sflag:s13], $0x80  }
0x205: {  	[sflag:s13] =	ssyncset.done $0x0  }
0x206: {  	[sflag:s13] =	ssyncadd.s32 $0xFFFFFF80  }
0x207: {  	_ =	swait.ge [sflag:s13], $0x80  }
0x208: {  	[sflag:s13] =	ssyncset.done $0x0  }
0x209: {  	[sflag:s13] =	ssyncadd.s32 $0xFFFFFF80  }
0x20a: {  	_ =	swait.ge [sflag:s13], $0x80  }
0x20b: {  	[sflag:s13] =	ssyncset.done $0x0  }
0x20c: {  	[sflag:s13] =	ssyncadd.s32 $0xFFFFFF80  }
0x20d: {  	_ =	swait.ge [sflag:s13], $0x80  }
0x20e: {  	[sflag:s13] =	ssyncset.done $0x0  }
0x20f: {  	[sflag:s13] =	ssyncadd.s32 $0xFFFFFF80  }
0x210: {  	_ =	swait.ge [sflag:s13], $0x80  }
0x211: {  	[sflag:s13] =	ssyncset.done $0x0  }
0x212: {  	[sflag:s13] =	ssyncadd.s32 $0xFFFFFF80  }
0x213: {  	_ =	swait.ge [sflag:s13], $0x80  }
0x214: {  	[sflag:s13] =	ssyncset.done $0x0  }
0x215: {  	[sflag:s13] =	ssyncadd.s32 $0xFFFFFF80  }
0x216: {  	_ =	swait.ge [sflag:s13], $0x80  }
0x217: {  	[sflag:s13] =	ssyncset.done $0x0  }
0x218: {  	[sflag:s13] =	ssyncadd.s32 $0xFFFFFF80  }
0x219: {  	_ =	swait.ge [sflag:s13], $0x80  }
0x21a: {  	[sflag:s13] =	ssyncset.done $0x0  }
0x21b: {  	[sflag:s13] =	ssyncadd.s32 $0xFFFFFF80  }
0x21c: {  	_ =	swait.ge [sflag:s13], $0x80  }
0x21d: {  	[sflag:s13] =	ssyncset.done $0x0  }
0x21e: {  	[sflag:s13] =	ssyncadd.s32 $0xFFFFFF80  }
0x21f: {  	_ =	swait.ge [sflag:s13], $0x80  }
0x220: {  	[sflag:s13] =	ssyncset.done $0x0  }
0x221: {  	[sflag:s13] =	ssyncadd.s32 $0xFFFFFF80  }
0x222: {  	_ =	swait.ge [sflag:s13], $0x80  }
0x223: {  	[sflag:s13] =	ssyncset.done $0x0  }
0x224: {  	[sflag:s13] =	ssyncadd.s32 $0xFFFFFF80  }
0x225: {  	_ =	swait.ge [sflag:s13], $0x80  }
0x226: {  	[sflag:s13] =	ssyncset.done $0x0  }
0x227: {  	[sflag:s13] =	ssyncadd.s32 $0xFFFFFF80  }
0x228: {  	_ =	swait.ge [sflag:s13], $0x80  }
0x229: {  	[sflag:s13] =	ssyncset.done $0x0  }
0x22a: {  	[sflag:s13] =	ssyncadd.s32 $0xFFFFFF80  }
0x22b: {  	_ =	swait.ge [sflag:s13], $0x80  }
0x22c: {  	[sflag:s13] =	ssyncset.done $0x0  }
0x22d: {  	[sflag:s13] =	ssyncadd.s32 $0xFFFFFF80  }
0x22e: {  	_ =	swait.ge [sflag:s13], $0x80  }
0x22f: {  	[sflag:s13] =	ssyncset.done $0x0  }
0x230: {  	[sflag:s13] =	ssyncadd.s32 $0xFFFFFF80  }
0x231: {  	_ =	swait.ge [sflag:s13], $0x80  }
0x232: {  	[sflag:s13] =	ssyncset.done $0x0  }
0x233: {  	[sflag:s13] =	ssyncadd.s32 $0xFFFFFF80  }
0x234: {  	_ =	swait.ge [sflag:s13], $0x80  }
0x235: {  	[sflag:s13] =	ssyncset.done $0x0  }
0x236: {  	[sflag:s13] =	ssyncadd.s32 $0xFFFFFF80  }
0x237: {  	_ =	swait.ge [sflag:s13], $0x80  }
0x238: {  	[sflag:s13] =	ssyncset.done $0x0  }
0x239: {  	[sflag:s13] =	ssyncadd.s32 $0xFFFFFF80  }
0x23a: {  	_ =	swait.ge [sflag:s13], $0x80  }
0x23b: {  	[sflag:s13] =	ssyncset.done $0x0  }
0x23c: {  	[sflag:s13] =	ssyncadd.s32 $0xFFFFFF80  }
0x23d: {  	_ =	swait.ge [sflag:s13], $0x80  }
0x23e: {  	[sflag:s13] =	ssyncset.done $0x0  }
0x23f: {  	[sflag:s13] =	ssyncadd.s32 $0xFFFFFF80  }
0x240: {  	_ =	swait.ge [sflag:s13], $0x80  }
0x241: {  	[sflag:s13] =	ssyncset.done $0x0  }
0x242: {  	[sflag:s13] =	ssyncadd.s32 $0xFFFFFF80  }
0x243: {  	_ =	swait.ge [sflag:s13], $0x80  }
0x244: {  	[sflag:s13] =	ssyncset.done $0x0  }
0x245: {  	[sflag:s13] =	ssyncadd.s32 $0xFFFFFF80  }
0x246: {  	_ =	swait.ge [sflag:s13], $0x80  }
0x247: {  	[sflag:s13] =	ssyncset.done $0x0  }
0x248: {  	[sflag:s13] =	ssyncadd.s32 $0xFFFFFF80  }
0x249: {  	_ =	swait.ge [sflag:s13], $0x80  }
0x24a: {  	[sflag:s13] =	ssyncset.done $0x0  }
0x24b: {  	[sflag:s13] =	ssyncadd.s32 $0xFFFFFF80  }
0x24c: {  	_ =	swait.ge [sflag:s13], $0x80  }
0x24d: {  	[sflag:s13] =	ssyncset.done $0x0  }
0x24e: {  	[sflag:s13] =	ssyncadd.s32 $0xFFFFFF80  }
0x24f: {  	_ =	swait.ge [sflag:s13], $0x80  }
0x250: {  	[sflag:s13] =	ssyncset.done $0x0  }
0x251: {  	[sflag:s13] =	ssyncadd.s32 $0xFFFFFF80  }
0x252: {  	_ =	swait.ge [sflag:s13], $0x80  }
0x253: {  	[sflag:s13] =	ssyncset.done $0x0  }
0x254: {  	[sflag:s13] =	ssyncadd.s32 $0xFFFFFF80  }
0x255: {  	_ =	swait.ge [sflag:s13], $0x80  }
0x256: {  	[sflag:s13] =	ssyncset.done $0x0  }
0x257: {  	[sflag:s13] =	ssyncadd.s32 $0xFFFFFF80  }
0x258: {  	_ =	swait.ge [sflag:s13], $0x80  }
0x259: {  	[sflag:s13] =	ssyncset.done $0x0  }
0x25a: {  	[sflag:s13] =	ssyncadd.s32 $0xFFFFFF80  }
0x25b: {  	_ =	swait.ge [sflag:s13], $0x80  }
0x25c: {  	[sflag:s13] =	ssyncset.done $0x0  }
0x25d: {  	[sflag:s13] =	ssyncadd.s32 $0xFFFFFF80  }
0x25e: {  	_ =	swait.ge [sflag:s13], $0x80  }
0x25f: {  	[sflag:s13] =	ssyncset.done $0x0  }
0x260: {  	s14 =	sadd.s32 $0x1, s14;
	[sflag:s13] =	ssyncadd.s32 $0xFFFFFF80  }
0x261: {  	p0 =	sne.s32 s14, s7;
	_ =	swait.ge [sflag:s13], $0x80  }
.Ltmp4:
0x262: {  	[sflag:s13] =	ssyncset.done $0x0;
	(pc) =	sbr.rel @p0 .LBB2_1-.Ltmp4, $4  }
0x263: {  	[sflag:s13] =	ssyncadd.s32 $0xFFFFFF80  }
0x264: {  	_ =	swait.ge [sflag:s13], $0x80  }
0x265: {  	[sflag:s13] =	ssyncset.done $0x0  }
0x266: {  	[sflag:s13] =	ssyncadd.s32 $0xFFFFFF80  }
0x267: {  	_ =	sfence.sel $0x180000  }
0x268: {  	[bflag:$0x0] =	sbarrier.arrive $0xFFFF  }
0x269: {  	_ =	strace $0x90000047  }
0x26a: {  	s0 =	stileid.u32;
	[bflag:$0x2] =	sbarrier.arrive $0xFFFF  }
0x26b: {  	p0 =	sne.s32 s0, $0x0;
	s0 =	rddreg [dreg:$0x5]  }
0x26c: {  	s0 =	sadd.s32 @!p0 $0x100000, s0  }
0x26d: {  	[sflag:s0] =	ssyncadd.tile.s32 @!p0 $0x1;
	_ =	shalt  }
.Lfunc_end2:
_tile_overlayer_lowered:
.L_overlay_start_2:
0x26e: {  	(tag) =	ssettag $0x2  }
0x26f: {  	s0 =	rddreg [dreg:$0x0];
	s2 =	stileid.u32  }
0x270: {  	s1 =	rddreg [dreg:$0x1];
	p0 =	sne.s32 s2, $0x0  }
0x271: {  	s3 =	rddreg [dreg:$0x2];
	[bflag:$0x3] =	sbarrier.arrive $0xFFFF;
	s2 =	simm.s32 @!p0 $0x1C06  }
0x272: {  	[timem:s3], [sflag:s2] =	dma.local @!p0 [hbm:s0], s1  }
0x273: {  	s0 =	simm.s32 @!p0 $0x6  }
0x274: {  	_ =	swait.ge @!p0 [sflag:s0], s1  }
0x275: {  	s1 =	ssub.s32 @!p0 $0x0, s1;
	[sflag:s0] =	ssyncset.done @!p0 $0x0  }
0x276: {  	[sflag:s0] =	ssyncadd.s32 @!p0 s1  }
0x277: {  	[bflag:$0x3] =	sbarrier.arrive $0xFFFF  }
0x278: {  	_ =	shalt  }

</sc_bundles>
